<compile_context>
chip_gen: v7x
topology: tpu7x:2x2x1
jax: 0.10.2.dev20260603
libtpu: 0.0.44.dev20260713+nightly
codegen_flags: <defaults>
</compile_context>

<pallas_src>
import functools

import jax
import jax.numpy as jnp
from jax import lax
from jax.experimental import pallas as pl
from jax.experimental.pallas import tpu as pltpu
from jax.experimental.pallas import tpu_sc as plsc

_N = 10000
_E = 320000
_D = 128
_CH = 128
_NC = 2
_NS = 16
_NT = _NC * _NS
_RPT = 80
_EPAD = _NT * _RPT * _CH
_NPAD = 10112
_RZ = _NPAD // _NS
_BD = 2048


def _sc_scatter(table, srcp, dstp, zeros):
    mesh = plsc.VectorSubcoreMesh(core_axis_name="c", subcore_axis_name="s")

    nbuf = 2
    half = _RPT // 2

    @functools.partial(
        pl.kernel,
        mesh=mesh,
        out_type=jax.ShapeDtypeStruct((_NC, _NPAD, _D), jnp.float32),
        scratch_types=[
            pltpu.VMEM((half, _CH), jnp.int32),
            pltpu.VMEM((half, _CH), jnp.int32),
            pltpu.VMEM((nbuf, _CH, _D), jnp.float32),
            pltpu.VMEM_SHARED((_NPAD, _D), jnp.float32),
            pltpu.SemaphoreType.DMA,
        ],
    )
    def k(table_hbm, src_hbm, dst_hbm, zero_hbm, out_hbm,
          src_v, dst_v, rows_v, agg_sh, sem):
        c = lax.axis_index("c")
        s = lax.axis_index("s")
        wid = c * _NS + s
        pltpu.sync_copy(zero_hbm.at[pl.ds(s * _RZ, _RZ)],
                        agg_sh.at[pl.ds(s * _RZ, _RZ)])
        plsc.subcore_barrier()

        def gfire(j, b):
            pltpu.async_copy(table_hbm.at[src_v.at[j]], rows_v.at[b], sem)

        for h in range(2):
            base = wid * _RPT + h * half
            pltpu.sync_copy(src_hbm.at[pl.ds(base, half)], src_v)
            pltpu.sync_copy(dst_hbm.at[pl.ds(base, half)], dst_v)
            gfire(0, 0)

            def outer(g, carry):
                for b in range(nbuf):
                    j = g * nbuf + b

                    @pl.when(j + 1 < half)
                    def _():
                        gfire(j + 1, (b + 1) % nbuf)

                    pltpu.make_async_copy(
                        table_hbm.at[src_v.at[j]], rows_v.at[b], sem).wait()
                    pltpu.sync_copy(rows_v.at[b], agg_sh.at[dst_v.at[j]],
                                    add=True)
                return carry

            lax.fori_loop(0, half // nbuf, outer, 0)
        plsc.subcore_barrier()
        pltpu.sync_copy(agg_sh.at[pl.ds(s * _RZ, _RZ)],
                        out_hbm.at[c, pl.ds(s * _RZ, _RZ)])

    return k(table, srcp, dstp, zeros)


def _tc_degree(dstp):
    bg = 16
    steps = _NT * _RPT // bg

    def body(d_ref, out_ref):
        i = pl.program_id(0)

        @pl.when(i == 0)
        def _():
            out_ref[...] = jnp.zeros_like(out_ref)

        subl = lax.broadcasted_iota(jnp.int32, (_D, _D), 0)
        acc = jnp.zeros((_D, _D), jnp.float32)
        for g in range(bg):
            d = d_ref[g:g + 1, :]
            q = d // _D
            r = d - q * _D
            ohqT = (q == subl).astype(jnp.float32)
            ohrT = (r == subl).astype(jnp.float32)
            acc += lax.dot_general(ohqT, ohrT, (((1,), (1,)), ((), ())),
                                   preferred_element_type=jnp.float32)
        out_ref[...] += acc

        @pl.when(i == steps - 1)
        def _():
            out_ref[...] = jnp.maximum(out_ref[...], 1.0)

    return pl.pallas_call(
        body,
        grid=(steps,),
        in_specs=[pl.BlockSpec((bg, _CH), lambda i: (i, 0))],
        out_specs=pl.BlockSpec((_D, _D), lambda i: (0, 0)),
        out_shape=jax.ShapeDtypeStruct((_D, _D), jnp.float32),
    )(dstp)


def _tc_first(x, WsT, b, WnT):
    bm = 2000
    grid = _N // bm

    def body(x_ref, ws_ref, b_ref, wn_ref, self_ref, tab_ref):
        h = x_ref[...]
        self_ref[...] = (
            jnp.dot(h, ws_ref[...], preferred_element_type=jnp.float32)
            + b_ref[...]
        )
        tab_ref[...] = jnp.dot(h, wn_ref[...], preferred_element_type=jnp.float32)

    return pl.pallas_call(
        body,
        grid=(grid,),
        in_specs=[
            pl.BlockSpec((bm, _D), lambda i: (i, 0)),
            pl.BlockSpec((_D, _D), lambda i: (0, 0)),
            pl.BlockSpec((1, _D), lambda i: (0, 0)),
            pl.BlockSpec((_D, _D), lambda i: (0, 0)),
        ],
        out_specs=[
            pl.BlockSpec((bm, _D), lambda i: (i, 0)),
            pl.BlockSpec((bm, _D), lambda i: (i, 0)),
        ],
        out_shape=[
            jax.ShapeDtypeStruct((_N, _D), jnp.float32),
            jax.ShapeDtypeStruct((_N, _D), jnp.float32),
        ],
    )(x, WsT, b, WnT)


def _tc_mid(self1, a0, a1, deg, WsT, b, WnT):
    bm = 2000
    grid = _N // bm

    def body(s_ref, a0_ref, a1_ref, deg_ref, ws_ref, b_ref, wn_ref,
             self_ref, tab_ref):
        agg = a0_ref[...] + a1_ref[...]
        h1 = jnp.maximum(s_ref[...] + agg / deg_ref[...], 0.0)
        self_ref[...] = (
            jnp.dot(h1, ws_ref[...], preferred_element_type=jnp.float32)
            + b_ref[...]
        )
        tab_ref[...] = jnp.dot(h1, wn_ref[...], preferred_element_type=jnp.float32)

    return pl.pallas_call(
        body,
        grid=(grid,),
        in_specs=[
            pl.BlockSpec((bm, _D), lambda i: (i, 0)),
            pl.BlockSpec((bm, _D), lambda i: (i, 0)),
            pl.BlockSpec((bm, _D), lambda i: (i, 0)),
            pl.BlockSpec((bm, 1), lambda i: (i, 0)),
            pl.BlockSpec((_D, _D), lambda i: (0, 0)),
            pl.BlockSpec((1, _D), lambda i: (0, 0)),
            pl.BlockSpec((_D, _D), lambda i: (0, 0)),
        ],
        out_specs=[
            pl.BlockSpec((bm, _D), lambda i: (i, 0)),
            pl.BlockSpec((bm, _D), lambda i: (i, 0)),
        ],
        out_shape=[
            jax.ShapeDtypeStruct((_N, _D), jnp.float32),
            jax.ShapeDtypeStruct((_N, _D), jnp.float32),
        ],
    )(self1, a0, a1, deg, WsT, b, WnT)


def _tc_final(self2, a0, a1, deg):
    bm = 2000
    grid = _N // bm

    def body(s_ref, a0_ref, a1_ref, deg_ref, out_ref):
        agg = a0_ref[...] + a1_ref[...]
        out_ref[...] = s_ref[...] + agg / deg_ref[...]

    return pl.pallas_call(
        body,
        grid=(grid,),
        in_specs=[
            pl.BlockSpec((bm, _D), lambda i: (i, 0)),
            pl.BlockSpec((bm, _D), lambda i: (i, 0)),
            pl.BlockSpec((bm, _D), lambda i: (i, 0)),
            pl.BlockSpec((bm, 1), lambda i: (i, 0)),
        ],
        out_specs=pl.BlockSpec((bm, _D), lambda i: (i, 0)),
        out_shape=jax.ShapeDtypeStruct((_N, _D), jnp.float32),
    )(self2, a0, a1, deg)


def kernel(x, edge_index, W_self1, b_self1, W_neigh1, W_self2, b_self2, W_neigh2):
    src = edge_index[0]
    dst = edge_index[1]
    pad = _EPAD - _E
    srcp = jnp.concatenate([src, jnp.zeros((pad,), jnp.int32)]).reshape(
        _NT * _RPT, _CH)
    dstp = jnp.concatenate([dst, jnp.full((pad,), _N, jnp.int32)]).reshape(
        _NT * _RPT, _CH)
    zeros = jnp.zeros((_NPAD, _D), jnp.float32)

    deg2d = _tc_degree(dstp)
    deg = deg2d.reshape(_D * _D)[:_N].reshape(_N, 1)

    self1, tab1 = _tc_first(x, W_self1.T, b_self1.reshape(1, _D), W_neigh1.T)
    aggs1 = _sc_scatter(tab1, srcp, dstp, zeros)
    self2, tab2 = _tc_mid(self1, aggs1[0, :_N], aggs1[1, :_N], deg,
                          W_self2.T, b_self2.reshape(1, _D), W_neigh2.T)
    aggs2 = _sc_scatter(tab2, srcp, dstp, zeros)
    return _tc_final(self2, aggs2[0, :_N], aggs2[1, :_N], deg)

# --- scband reference (transcript-rebuilt; emitter-appended) ---
"""Pipeline reference for scband-sage-40776419508824 (READ-ONLY COPY).

The authoritative reference and input builder live on the scoring server;
editing this copy changes nothing except your own understanding.
"""

import jax, jax.numpy as jnp
import numpy as np

N = 10000
E = 320000
D_IN = 128
D_HID = 128
D_OUT = 128


def setup_inputs(seed: int = 0) -> dict:
    key = jax.random.key(seed)
    ks = jax.random.split(key, 9)
    x = jax.random.normal(ks[0], (N, D_IN), dtype=jnp.float32)
    edge_index = jax.random.randint(ks[1], (2, E), 0, N, dtype=jnp.int32)
    s1 = 1.0 / np.sqrt(D_IN)
    s2 = 1.0 / np.sqrt(D_HID)
    W_self1 = jax.random.uniform(ks[2], (D_HID, D_IN), jnp.float32, -s1, s1)
    b_self1 = jax.random.uniform(ks[3], (D_HID,), jnp.float32, -s1, s1)
    W_neigh1 = jax.random.uniform(ks[4], (D_HID, D_IN), jnp.float32, -s1, s1)
    W_self2 = jax.random.uniform(ks[5], (D_OUT, D_HID), jnp.float32, -s2, s2)
    b_self2 = jax.random.uniform(ks[6], (D_OUT,), jnp.float32, -s2, s2)
    W_neigh2 = jax.random.uniform(ks[7], (D_OUT, D_HID), jnp.float32, -s2, s2)
    return {
        "x": x,
        "edge_index": edge_index,
        "W_self1": W_self1,
        "b_self1": b_self1,
        "W_neigh1": W_neigh1,
        "W_self2": W_self2,
        "b_self2": b_self2,
        "W_neigh2": W_neigh2,
    }


def _sage_conv_mean(h, src, dst, W_self, b_self, W_neigh, n_nodes):
    # DGL SAGEConv('mean'): rst = fc_self(h_dst) + fc_neigh(mean_{u in N(v)} h_u)
    # fc_neigh has no bias; fc_self carries the bias. Zero in-degree -> zero neigh feat.
    msg = jnp.take(h, src, axis=0)
    agg = jax.ops.segment_sum(msg, dst, num_segments=n_nodes)
    deg = jax.ops.segment_sum(jnp.ones((src.shape[0],), h.dtype), dst, num_segments=n_nodes)
    h_neigh = agg / jnp.maximum(deg, 1.0)[:, None]
    return h @ W_self.T + b_self + h_neigh @ W_neigh.T


def reference(x, edge_index, W_self1, b_self1, W_neigh1, W_self2, b_self2, W_neigh2):
    src = edge_index[0]
    dst = edge_index[1]
    h = _sage_conv_mean(x, src, dst, W_self1, b_self1, W_neigh1, N)
    h = jax.nn.relu(h)
    h = _sage_conv_mean(h, src, dst, W_self2, b_self2, W_neigh2, N)
    return h

if __name__ == "__main__":
    import jax
    _d = setup_inputs()
    print(jax.jit(kernel)(*tuple(_d.values())))

</pallas_src>

<mosaic_0001>
#map = affine_map<(d0, d1) -> (0, 0)>
#map1 = affine_map<(d0, d1) -> (0, 0, 0)>
module attributes {stable_mosaic.version = 14 : i64} {
  func.func @k(%arg0: i32, %arg1: i32, %arg2: memref<10000x128xf32, #tpu.memory_space<hbm>>, %arg3: memref<2560x128xi32, #tpu.memory_space<hbm>>, %arg4: memref<2560x128xi32, #tpu.memory_space<hbm>>, %arg5: memref<10112x128xf32, #tpu.memory_space<hbm>>, %arg6: memref<2x10112x128xf32, #tpu.memory_space<hbm>>, %arg7: memref<40x128xi32, #tpu.memory_space<vmem>>, %arg8: memref<40x128xi32, #tpu.memory_space<vmem>>, %arg9: memref<2x128x128xf32, #tpu.memory_space<vmem>>, %arg10: memref<10112x128xf32, #tpu.memory_space<vmem_shared>>, %arg11: memref<!tpu.dma_semaphore, #tpu.memory_space<semaphore_mem>>) attributes {dimension_semantics = [#tpu.dimension_semantics<core_parallel>, #tpu.dimension_semantics<subcore_parallel>], iteration_bounds = array<i64: 2, 16>, scalar_prefetch = 0 : i64, scratch_operands = 5 : i64, tpu.core_type = #tpu.core_type<sc_vector_subcore>, window_params = [{transform_indices = #map}, {transform_indices = #map}, {transform_indices = #map}, {transform_indices = #map}, {transform_indices = #map1}]} {
    %mul3A = arith.constant 16 : i32
    %mul3A_0 = arith.muli %arg0, %mul3A : i32
    %add3A = arith.addi %mul3A_0, %arg1 : i32
    %mul3A_1 = arith.constant 632 : i32
    %mul3A_2 = arith.muli %arg1, %mul3A_1 : i32
    %mul3A_3 = arith.constant 632 : i32
    %mul3A_4 = arith.muli %arg1, %mul3A_3 : i32
    "tpu.region"() ({
      %run_scoped3A = tpu.sem_alloc : memref<!tpu.dma_semaphore, #tpu.memory_space<semaphore_mem>>
      %dma_start3A_52 = arith.constant 0 : i32
      %dma_start3A_53 = tpu.memref_slice %arg10[%mul3A_4, %dma_start3A_52] : memref<10112x128xf32, #tpu.memory_space<vmem_shared>> -> memref<632x128xf32, #tpu.memory_space<vmem_shared>>
      %dma_start3A_54 = arith.constant 0 : i32
      %dma_start3A_55 = tpu.memref_slice %arg5[%mul3A_2, %dma_start3A_54] : memref<10112x128xf32, #tpu.memory_space<hbm>> -> memref<632x128xf32, #tpu.memory_space<hbm>>
      tpu.enqueue_dma source(%dma_start3A_55 : memref<632x128xf32, #tpu.memory_space<hbm>>) target(%dma_start3A_53 : memref<632x128xf32, #tpu.memory_space<vmem_shared>>) target_semaphore(%run_scoped3A : memref<!tpu.dma_semaphore, #tpu.memory_space<semaphore_mem>>)
      %dma_wait3A = arith.constant 0 : i32
      %dma_wait3A_56 = tpu.memref_slice %arg10[%mul3A_4, %dma_wait3A] : memref<10112x128xf32, #tpu.memory_space<vmem_shared>> -> memref<632x128xf32, #tpu.memory_space<vmem_shared>>
      %dma_wait3A_57 = arith.constant 0 : i32
      %dma_wait3A_58 = tpu.memref_slice %arg5[%mul3A_2, %dma_wait3A_57] : memref<10112x128xf32, #tpu.memory_space<hbm>> -> memref<632x128xf32, #tpu.memory_space<hbm>>
      tpu.wait_dma2 semaphore(%run_scoped3A : memref<!tpu.dma_semaphore, #tpu.memory_space<semaphore_mem>>) src(%dma_wait3A_58 : memref<632x128xf32, #tpu.memory_space<hbm>>) dst(%dma_wait3A_56 : memref<632x128xf32, #tpu.memory_space<vmem_shared>>)
      tpu.yield
    }) : () -> ()
    %barrier3A = arith.constant 0 : index
    tpu.barrier barrier_id(%barrier3A)
    %mul3A_5 = arith.constant 80 : i32
    %mul3A_6 = arith.muli %add3A, %mul3A_5 : i32
    %add3A_7 = arith.constant 0 : i32
    %add3A_8 = arith.addi %mul3A_6, %add3A_7 : i32
    "tpu.region"() ({
      %run_scoped3A = tpu.sem_alloc : memref<!tpu.dma_semaphore, #tpu.memory_space<semaphore_mem>>
      %dma_start3A_52 = arith.constant 0 : i32
      %dma_start3A_53 = tpu.memref_slice %arg3[%add3A_8, %dma_start3A_52] : memref<2560x128xi32, #tpu.memory_space<hbm>> -> memref<40x128xi32, #tpu.memory_space<hbm>>
      %dma_start3A_54 = arith.constant 0 : i32
      %dma_start3A_55 = tpu.memref_slice %arg3[%add3A_8, %dma_start3A_54] : memref<2560x128xi32, #tpu.memory_space<hbm>> -> memref<40x128xi32, #tpu.memory_space<hbm>>
      tpu.enqueue_dma source(%dma_start3A_55 : memref<40x128xi32, #tpu.memory_space<hbm>>) target(%arg7 : memref<40x128xi32, #tpu.memory_space<vmem>>) target_semaphore(%run_scoped3A : memref<!tpu.dma_semaphore, #tpu.memory_space<semaphore_mem>>)
      %dma_wait3A = arith.constant 0 : i32
      %dma_wait3A_56 = tpu.memref_slice %arg3[%add3A_8, %dma_wait3A] : memref<2560x128xi32, #tpu.memory_space<hbm>> -> memref<40x128xi32, #tpu.memory_space<hbm>>
      %dma_wait3A_57 = arith.constant 0 : i32
      %dma_wait3A_58 = tpu.memref_slice %arg3[%add3A_8, %dma_wait3A_57] : memref<2560x128xi32, #tpu.memory_space<hbm>> -> memref<40x128xi32, #tpu.memory_space<hbm>>
      tpu.wait_dma2 semaphore(%run_scoped3A : memref<!tpu.dma_semaphore, #tpu.memory_space<semaphore_mem>>) src(%dma_wait3A_58 : memref<40x128xi32, #tpu.memory_space<hbm>>) dst(%arg7 : memref<40x128xi32, #tpu.memory_space<vmem>>)
      tpu.yield
    }) : () -> ()
    "tpu.region"() ({
      %run_scoped3A = tpu.sem_alloc : memref<!tpu.dma_semaphore, #tpu.memory_space<semaphore_mem>>
      %dma_start3A_52 = arith.constant 0 : i32
      %dma_start3A_53 = tpu.memref_slice %arg4[%add3A_8, %dma_start3A_52] : memref<2560x128xi32, #tpu.memory_space<hbm>> -> memref<40x128xi32, #tpu.memory_space<hbm>>
      %dma_start3A_54 = arith.constant 0 : i32
      %dma_start3A_55 = tpu.memref_slice %arg4[%add3A_8, %dma_start3A_54] : memref<2560x128xi32, #tpu.memory_space<hbm>> -> memref<40x128xi32, #tpu.memory_space<hbm>>
      tpu.enqueue_dma source(%dma_start3A_55 : memref<40x128xi32, #tpu.memory_space<hbm>>) target(%arg8 : memref<40x128xi32, #tpu.memory_space<vmem>>) target_semaphore(%run_scoped3A : memref<!tpu.dma_semaphore, #tpu.memory_space<semaphore_mem>>)
      %dma_wait3A = arith.constant 0 : i32
      %dma_wait3A_56 = tpu.memref_slice %arg4[%add3A_8, %dma_wait3A] : memref<2560x128xi32, #tpu.memory_space<hbm>> -> memref<40x128xi32, #tpu.memory_space<hbm>>
      %dma_wait3A_57 = arith.constant 0 : i32
      %dma_wait3A_58 = tpu.memref_slice %arg4[%add3A_8, %dma_wait3A_57] : memref<2560x128xi32, #tpu.memory_space<hbm>> -> memref<40x128xi32, #tpu.memory_space<hbm>>
      tpu.wait_dma2 semaphore(%run_scoped3A : memref<!tpu.dma_semaphore, #tpu.memory_space<semaphore_mem>>) src(%dma_wait3A_58 : memref<40x128xi32, #tpu.memory_space<hbm>>) dst(%arg8 : memref<40x128xi32, #tpu.memory_space<vmem>>)
      tpu.yield
    }) : () -> ()
    %dma_start3A = arith.constant 0 : i32
    %dma_start3A_9 = arith.constant 0 : i32
    %dma_start3A_10 = arith.constant 0 : i32
    %dma_start3A_11 = arith.constant 0 : i32
    %dma_start3A_12 = tpu.memref_slice %arg9[%dma_start3A_9, %dma_start3A_10, %dma_start3A_11] : memref<2x128x128xf32, #tpu.memory_space<vmem>> -> memref<1x128x128xf32, #tpu.memory_space<vmem>>
    %dma_start3A_13 = tpu.memref_squeeze %dma_start3A_12 : memref<1x128x128xf32, #tpu.memory_space<vmem>> -> memref<128x128xf32, #tpu.memory_space<vmem>>
    %dma_start3A_14 = arith.constant 0 : i32
    %dma_start3A_15 = tpu.memref_slice %arg7[%dma_start3A, %dma_start3A_14] : memref<40x128xi32, #tpu.memory_space<vmem>> -> memref<1x128xi32, #tpu.memory_space<vmem>>
    %dma_start3A_16 = tpu.memref_squeeze %dma_start3A_15 : memref<1x128xi32, #tpu.memory_space<vmem>> -> memref<128xi32, #tpu.memory_space<vmem>>
    %dma_start3A_17 = arith.constant 0 : i32
    %dma_start3A_18 = arith.constant 0 : i32
    %dma_start3A_19 = tpu.memref_slice %arg2[%dma_start3A_17, %dma_start3A_18] : memref<10000x128xf32, #tpu.memory_space<hbm>> -> memref<10000x128xf32, #tpu.memory_space<hbm>>
    tpu.enqueue_indirect_dma source(%dma_start3A_19 : memref<10000x128xf32, #tpu.memory_space<hbm>>) target(%dma_start3A_13 : memref<128x128xf32, #tpu.memory_space<vmem>>) offsets(%dma_start3A_16 : memref<128xi32, #tpu.memory_space<vmem>>) semaphore(%arg11 : memref<!tpu.dma_semaphore, #tpu.memory_space<semaphore_mem>>)
    %scan3A = arith.constant 0 : i32
    %scan3A_20 = arith.constant 0 : i32
    %scan3A_21 = arith.constant 20 : i32
    %scan3A_22 = arith.addi %scan3A_20, %scan3A_21 : i32
    %scan3A_23 = arith.constant 1 : i32
    scf.for %scan3A_52 = %scan3A_20 to %scan3A_22 step %scan3A_23  : i32 {
      %mul3A_53 = arith.constant 2 : i32
      %mul3A_54 = arith.muli %scan3A_52, %mul3A_53 : i32
      %add3A_55 = arith.constant 0 : i32
      %add3A_56 = arith.addi %mul3A_54, %add3A_55 : i32
      %add3A_57 = arith.constant 1 : i32
      %add3A_58 = arith.addi %add3A_56, %add3A_57 : i32
      %lt3A = arith.constant 40 : i32
      %lt3A_59 = arith.cmpi slt, %add3A_58, %lt3A : i32
      %convert_element_type3A = arith.extui %lt3A_59 : i1 to i32
      %cond3A = arith.constant 0 : i32
      %cond3A_60 = arith.cmpi ne, %convert_element_type3A, %cond3A : i32
      scf.if %cond3A_60 {
        %add3A_94 = arith.constant 1 : i32
        %add3A_95 = arith.addi %add3A_56, %add3A_94 : i32
        %dma_start3A_96 = arith.constant 1 : i32
        %dma_start3A_97 = arith.constant 0 : i32
        %dma_start3A_98 = arith.constant 0 : i32
        %dma_start3A_99 = tpu.memref_slice %arg9[%dma_start3A_96, %dma_start3A_97, %dma_start3A_98] : memref<2x128x128xf32, #tpu.memory_space<vmem>> -> memref<1x128x128xf32, #tpu.memory_space<vmem>>
        %dma_start3A_100 = tpu.memref_squeeze %dma_start3A_99 : memref<1x128x128xf32, #tpu.memory_space<vmem>> -> memref<128x128xf32, #tpu.memory_space<vmem>>
        %dma_start3A_101 = arith.constant 0 : i32
        %dma_start3A_102 = tpu.memref_slice %arg7[%add3A_95, %dma_start3A_101] : memref<40x128xi32, #tpu.memory_space<vmem>> -> memref<1x128xi32, #tpu.memory_space<vmem>>
        %dma_start3A_103 = tpu.memref_squeeze %dma_start3A_102 : memref<1x128xi32, #tpu.memory_space<vmem>> -> memref<128xi32, #tpu.memory_space<vmem>>
        %dma_start3A_104 = arith.constant 0 : i32
        %dma_start3A_105 = arith.constant 0 : i32
        %dma_start3A_106 = tpu.memref_slice %arg2[%dma_start3A_104, %dma_start3A_105] : memref<10000x128xf32, #tpu.memory_space<hbm>> -> memref<10000x128xf32, #tpu.memory_space<hbm>>
        tpu.enqueue_indirect_dma source(%dma_start3A_106 : memref<10000x128xf32, #tpu.memory_space<hbm>>) target(%dma_start3A_100 : memref<128x128xf32, #tpu.memory_space<vmem>>) offsets(%dma_start3A_103 : memref<128xi32, #tpu.memory_space<vmem>>) semaphore(%arg11 : memref<!tpu.dma_semaphore, #tpu.memory_space<semaphore_mem>>)
      } else {
      }
      %dma_wait3A = arith.constant 0 : i32
      %dma_wait3A_61 = arith.constant 0 : i32
      %dma_wait3A_62 = arith.constant 0 : i32
      %dma_wait3A_63 = tpu.memref_slice %arg9[%dma_wait3A, %dma_wait3A_61, %dma_wait3A_62] : memref<2x128x128xf32, #tpu.memory_space<vmem>> -> memref<1x128x128xf32, #tpu.memory_space<vmem>>
      %dma_wait3A_64 = tpu.memref_squeeze %dma_wait3A_63 : memref<1x128x128xf32, #tpu.memory_space<vmem>> -> memref<128x128xf32, #tpu.memory_space<vmem>>
      %dma_wait3A_65 = arith.constant 0 : i32
      %dma_wait3A_66 = tpu.memref_slice %arg7[%add3A_56, %dma_wait3A_65] : memref<40x128xi32, #tpu.memory_space<vmem>> -> memref<1x128xi32, #tpu.memory_space<vmem>>
      %dma_wait3A_67 = tpu.memref_squeeze %dma_wait3A_66 : memref<1x128xi32, #tpu.memory_space<vmem>> -> memref<128xi32, #tpu.memory_space<vmem>>
      %dma_wait3A_68 = arith.constant 0 : i32
      %dma_wait3A_69 = arith.constant 0 : i32
      %dma_wait3A_70 = tpu.memref_slice %arg2[%dma_wait3A_68, %dma_wait3A_69] : memref<10000x128xf32, #tpu.memory_space<hbm>> -> memref<10000x128xf32, #tpu.memory_space<hbm>>
      tpu.wait_indirect_dma semaphore(%arg11 : memref<!tpu.dma_semaphore, #tpu.memory_space<semaphore_mem>>) src(%dma_wait3A_70 : memref<10000x128xf32, #tpu.memory_space<hbm>>) dst(%dma_wait3A_64 : memref<128x128xf32, #tpu.memory_space<vmem>>)
      %run_scoped3A = arith.constant 0 : i32
      "tpu.region"() ({
        %run_scoped3A_94 = tpu.sem_alloc : memref<!tpu.dma_semaphore, #tpu.memory_space<semaphore_mem>>
        %dma_start3A_95 = arith.constant 0 : i32
        %dma_start3A_96 = arith.constant 0 : i32
        %dma_start3A_97 = tpu.memref_slice %arg9[%run_scoped3A, %dma_start3A_95, %dma_start3A_96] : memref<2x128x128xf32, #tpu.memory_space<vmem>> -> memref<1x128x128xf32, #tpu.memory_space<vmem>>
        %dma_start3A_98 = tpu.memref_squeeze %dma_start3A_97 : memref<1x128x128xf32, #tpu.memory_space<vmem>> -> memref<128x128xf32, #tpu.memory_space<vmem>>
        %dma_start3A_99 = arith.constant 0 : i32
        %dma_start3A_100 = tpu.memref_slice %arg8[%add3A_56, %dma_start3A_99] : memref<40x128xi32, #tpu.memory_space<vmem>> -> memref<1x128xi32, #tpu.memory_space<vmem>>
        %dma_start3A_101 = tpu.memref_squeeze %dma_start3A_100 : memref<1x128xi32, #tpu.memory_space<vmem>> -> memref<128xi32, #tpu.memory_space<vmem>>
        %dma_start3A_102 = arith.constant 0 : i32
        %dma_start3A_103 = arith.constant 0 : i32
        %dma_start3A_104 = tpu.memref_slice %arg10[%dma_start3A_102, %dma_start3A_103] : memref<10112x128xf32, #tpu.memory_space<vmem_shared>> -> memref<10112x128xf32, #tpu.memory_space<vmem_shared>>
        tpu.enqueue_indirect_dma source(%dma_start3A_98 : memref<128x128xf32, #tpu.memory_space<vmem>>) target(%dma_start3A_104 : memref<10112x128xf32, #tpu.memory_space<vmem_shared>>) offsets(%dma_start3A_101 : memref<128xi32, #tpu.memory_space<vmem>>) semaphore(%run_scoped3A_94 : memref<!tpu.dma_semaphore, #tpu.memory_space<semaphore_mem>>) {add = true}
        %dma_wait3A_105 = arith.constant 0 : i32
        %dma_wait3A_106 = arith.constant 0 : i32
        %dma_wait3A_107 = tpu.memref_slice %arg9[%run_scoped3A, %dma_wait3A_105, %dma_wait3A_106] : memref<2x128x128xf32, #tpu.memory_space<vmem>> -> memref<1x128x128xf32, #tpu.memory_space<vmem>>
        %dma_wait3A_108 = tpu.memref_squeeze %dma_wait3A_107 : memref<1x128x128xf32, #tpu.memory_space<vmem>> -> memref<128x128xf32, #tpu.memory_space<vmem>>
        %dma_wait3A_109 = arith.constant 0 : i32
        %dma_wait3A_110 = tpu.memref_slice %arg8[%add3A_56, %dma_wait3A_109] : memref<40x128xi32, #tpu.memory_space<vmem>> -> memref<1x128xi32, #tpu.memory_space<vmem>>
        %dma_wait3A_111 = tpu.memref_squeeze %dma_wait3A_110 : memref<1x128xi32, #tpu.memory_space<vmem>> -> memref<128xi32, #tpu.memory_space<vmem>>
        %dma_wait3A_112 = arith.constant 0 : i32
        %dma_wait3A_113 = arith.constant 0 : i32
        %dma_wait3A_114 = tpu.memref_slice %arg10[%dma_wait3A_112, %dma_wait3A_113] : memref<10112x128xf32, #tpu.memory_space<vmem_shared>> -> memref<10112x128xf32, #tpu.memory_space<vmem_shared>>
        tpu.wait_indirect_dma semaphore(%run_scoped3A_94 : memref<!tpu.dma_semaphore, #tpu.memory_space<semaphore_mem>>) src(%dma_wait3A_108 : memref<128x128xf32, #tpu.memory_space<vmem>>) dst(%dma_wait3A_114 : memref<10112x128xf32, #tpu.memory_space<vmem_shared>>)
        tpu.yield
      }) : () -> ()
      %mul3A_71 = arith.constant 2 : i32
      %mul3A_72 = arith.muli %scan3A_52, %mul3A_71 : i32
      %add3A_73 = arith.constant 1 : i32
      %add3A_74 = arith.addi %mul3A_72, %add3A_73 : i32
      %add3A_75 = arith.constant 1 : i32
      %add3A_76 = arith.addi %add3A_74, %add3A_75 : i32
      %lt3A_77 = arith.constant 40 : i32
      %lt3A_78 = arith.cmpi slt, %add3A_76, %lt3A_77 : i32
      %convert_element_type3A_79 = arith.extui %lt3A_78 : i1 to i32
      %cond3A_80 = arith.constant 0 : i32
      %cond3A_81 = arith.cmpi ne, %convert_element_type3A_79, %cond3A_80 : i32
      scf.if %cond3A_81 {
        %add3A_94 = arith.constant 1 : i32
        %add3A_95 = arith.addi %add3A_74, %add3A_94 : i32
        %dma_start3A_96 = arith.constant 0 : i32
        %dma_start3A_97 = arith.constant 0 : i32
        %dma_start3A_98 = arith.constant 0 : i32
        %dma_start3A_99 = tpu.memref_slice %arg9[%dma_start3A_96, %dma_start3A_97, %dma_start3A_98] : memref<2x128x128xf32, #tpu.memory_space<vmem>> -> memref<1x128x128xf32, #tpu.memory_space<vmem>>
        %dma_start3A_100 = tpu.memref_squeeze %dma_start3A_99 : memref<1x128x128xf32, #tpu.memory_space<vmem>> -> memref<128x128xf32, #tpu.memory_space<vmem>>
        %dma_start3A_101 = arith.constant 0 : i32
        %dma_start3A_102 = tpu.memref_slice %arg7[%add3A_95, %dma_start3A_101] : memref<40x128xi32, #tpu.memory_space<vmem>> -> memref<1x128xi32, #tpu.memory_space<vmem>>
        %dma_start3A_103 = tpu.memref_squeeze %dma_start3A_102 : memref<1x128xi32, #tpu.memory_space<vmem>> -> memref<128xi32, #tpu.memory_space<vmem>>
        %dma_start3A_104 = arith.constant 0 : i32
        %dma_start3A_105 = arith.constant 0 : i32
        %dma_start3A_106 = tpu.memref_slice %arg2[%dma_start3A_104, %dma_start3A_105] : memref<10000x128xf32, #tpu.memory_space<hbm>> -> memref<10000x128xf32, #tpu.memory_space<hbm>>
        tpu.enqueue_indirect_dma source(%dma_start3A_106 : memref<10000x128xf32, #tpu.memory_space<hbm>>) target(%dma_start3A_100 : memref<128x128xf32, #tpu.memory_space<vmem>>) offsets(%dma_start3A_103 : memref<128xi32, #tpu.memory_space<vmem>>) semaphore(%arg11 : memref<!tpu.dma_semaphore, #tpu.memory_space<semaphore_mem>>)
      } else {
      }
      %dma_wait3A_82 = arith.constant 1 : i32
      %dma_wait3A_83 = arith.constant 0 : i32
      %dma_wait3A_84 = arith.constant 0 : i32
      %dma_wait3A_85 = tpu.memref_slice %arg9[%dma_wait3A_82, %dma_wait3A_83, %dma_wait3A_84] : memref<2x128x128xf32, #tpu.memory_space<vmem>> -> memref<1x128x128xf32, #tpu.memory_space<vmem>>
      %dma_wait3A_86 = tpu.memref_squeeze %dma_wait3A_85 : memref<1x128x128xf32, #tpu.memory_space<vmem>> -> memref<128x128xf32, #tpu.memory_space<vmem>>
      %dma_wait3A_87 = arith.constant 0 : i32
      %dma_wait3A_88 = tpu.memref_slice %arg7[%add3A_74, %dma_wait3A_87] : memref<40x128xi32, #tpu.memory_space<vmem>> -> memref<1x128xi32, #tpu.memory_space<vmem>>
      %dma_wait3A_89 = tpu.memref_squeeze %dma_wait3A_88 : memref<1x128xi32, #tpu.memory_space<vmem>> -> memref<128xi32, #tpu.memory_space<vmem>>
      %dma_wait3A_90 = arith.constant 0 : i32
      %dma_wait3A_91 = arith.constant 0 : i32
      %dma_wait3A_92 = tpu.memref_slice %arg2[%dma_wait3A_90, %dma_wait3A_91] : memref<10000x128xf32, #tpu.memory_space<hbm>> -> memref<10000x128xf32, #tpu.memory_space<hbm>>
      tpu.wait_indirect_dma semaphore(%arg11 : memref<!tpu.dma_semaphore, #tpu.memory_space<semaphore_mem>>) src(%dma_wait3A_92 : memref<10000x128xf32, #tpu.memory_space<hbm>>) dst(%dma_wait3A_86 : memref<128x128xf32, #tpu.memory_space<vmem>>)
      %run_scoped3A_93 = arith.constant 1 : i32
      "tpu.region"() ({
        %run_scoped3A_94 = tpu.sem_alloc : memref<!tpu.dma_semaphore, #tpu.memory_space<semaphore_mem>>
        %dma_start3A_95 = arith.constant 0 : i32
        %dma_start3A_96 = arith.constant 0 : i32
        %dma_start3A_97 = tpu.memref_slice %arg9[%run_scoped3A_93, %dma_start3A_95, %dma_start3A_96] : memref<2x128x128xf32, #tpu.memory_space<vmem>> -> memref<1x128x128xf32, #tpu.memory_space<vmem>>
        %dma_start3A_98 = tpu.memref_squeeze %dma_start3A_97 : memref<1x128x128xf32, #tpu.memory_space<vmem>> -> memref<128x128xf32, #tpu.memory_space<vmem>>
        %dma_start3A_99 = arith.constant 0 : i32
        %dma_start3A_100 = tpu.memref_slice %arg8[%add3A_74, %dma_start3A_99] : memref<40x128xi32, #tpu.memory_space<vmem>> -> memref<1x128xi32, #tpu.memory_space<vmem>>
        %dma_start3A_101 = tpu.memref_squeeze %dma_start3A_100 : memref<1x128xi32, #tpu.memory_space<vmem>> -> memref<128xi32, #tpu.memory_space<vmem>>
        %dma_start3A_102 = arith.constant 0 : i32
        %dma_start3A_103 = arith.constant 0 : i32
        %dma_start3A_104 = tpu.memref_slice %arg10[%dma_start3A_102, %dma_start3A_103] : memref<10112x128xf32, #tpu.memory_space<vmem_shared>> -> memref<10112x128xf32, #tpu.memory_space<vmem_shared>>
        tpu.enqueue_indirect_dma source(%dma_start3A_98 : memref<128x128xf32, #tpu.memory_space<vmem>>) target(%dma_start3A_104 : memref<10112x128xf32, #tpu.memory_space<vmem_shared>>) offsets(%dma_start3A_101 : memref<128xi32, #tpu.memory_space<vmem>>) semaphore(%run_scoped3A_94 : memref<!tpu.dma_semaphore, #tpu.memory_space<semaphore_mem>>) {add = true}
        %dma_wait3A_105 = arith.constant 0 : i32
        %dma_wait3A_106 = arith.constant 0 : i32
        %dma_wait3A_107 = tpu.memref_slice %arg9[%run_scoped3A_93, %dma_wait3A_105, %dma_wait3A_106] : memref<2x128x128xf32, #tpu.memory_space<vmem>> -> memref<1x128x128xf32, #tpu.memory_space<vmem>>
        %dma_wait3A_108 = tpu.memref_squeeze %dma_wait3A_107 : memref<1x128x128xf32, #tpu.memory_space<vmem>> -> memref<128x128xf32, #tpu.memory_space<vmem>>
        %dma_wait3A_109 = arith.constant 0 : i32
        %dma_wait3A_110 = tpu.memref_slice %arg8[%add3A_74, %dma_wait3A_109] : memref<40x128xi32, #tpu.memory_space<vmem>> -> memref<1x128xi32, #tpu.memory_space<vmem>>
        %dma_wait3A_111 = tpu.memref_squeeze %dma_wait3A_110 : memref<1x128xi32, #tpu.memory_space<vmem>> -> memref<128xi32, #tpu.memory_space<vmem>>
        %dma_wait3A_112 = arith.constant 0 : i32
        %dma_wait3A_113 = arith.constant 0 : i32
        %dma_wait3A_114 = tpu.memref_slice %arg10[%dma_wait3A_112, %dma_wait3A_113] : memref<10112x128xf32, #tpu.memory_space<vmem_shared>> -> memref<10112x128xf32, #tpu.memory_space<vmem_shared>>
        tpu.wait_indirect_dma semaphore(%run_scoped3A_94 : memref<!tpu.dma_semaphore, #tpu.memory_space<semaphore_mem>>) src(%dma_wait3A_108 : memref<128x128xf32, #tpu.memory_space<vmem>>) dst(%dma_wait3A_114 : memref<10112x128xf32, #tpu.memory_space<vmem_shared>>)
        tpu.yield
      }) : () -> ()
    }
    %scan3A_24 = arith.constant 20 : i32
    %mul3A_25 = arith.constant 80 : i32
    %mul3A_26 = arith.muli %add3A, %mul3A_25 : i32
    %add3A_27 = arith.constant 40 : i32
    %add3A_28 = arith.addi %mul3A_26, %add3A_27 : i32
    "tpu.region"() ({
      %run_scoped3A = tpu.sem_alloc : memref<!tpu.dma_semaphore, #tpu.memory_space<semaphore_mem>>
      %dma_start3A_52 = arith.constant 0 : i32
      %dma_start3A_53 = tpu.memref_slice %arg3[%add3A_28, %dma_start3A_52] : memref<2560x128xi32, #tpu.memory_space<hbm>> -> memref<40x128xi32, #tpu.memory_space<hbm>>
      %dma_start3A_54 = arith.constant 0 : i32
      %dma_start3A_55 = tpu.memref_slice %arg3[%add3A_28, %dma_start3A_54] : memref<2560x128xi32, #tpu.memory_space<hbm>> -> memref<40x128xi32, #tpu.memory_space<hbm>>
      tpu.enqueue_dma source(%dma_start3A_55 : memref<40x128xi32, #tpu.memory_space<hbm>>) target(%arg7 : memref<40x128xi32, #tpu.memory_space<vmem>>) target_semaphore(%run_scoped3A : memref<!tpu.dma_semaphore, #tpu.memory_space<semaphore_mem>>)
      %dma_wait3A = arith.constant 0 : i32
      %dma_wait3A_56 = tpu.memref_slice %arg3[%add3A_28, %dma_wait3A] : memref<2560x128xi32, #tpu.memory_space<hbm>> -> memref<40x128xi32, #tpu.memory_space<hbm>>
      %dma_wait3A_57 = arith.constant 0 : i32
      %dma_wait3A_58 = tpu.memref_slice %arg3[%add3A_28, %dma_wait3A_57] : memref<2560x128xi32, #tpu.memory_space<hbm>> -> memref<40x128xi32, #tpu.memory_space<hbm>>
      tpu.wait_dma2 semaphore(%run_scoped3A : memref<!tpu.dma_semaphore, #tpu.memory_space<semaphore_mem>>) src(%dma_wait3A_58 : memref<40x128xi32, #tpu.memory_space<hbm>>) dst(%arg7 : memref<40x128xi32, #tpu.memory_space<vmem>>)
      tpu.yield
    }) : () -> ()
    "tpu.region"() ({
      %run_scoped3A = tpu.sem_alloc : memref<!tpu.dma_semaphore, #tpu.memory_space<semaphore_mem>>
      %dma_start3A_52 = arith.constant 0 : i32
      %dma_start3A_53 = tpu.memref_slice %arg4[%add3A_28, %dma_start3A_52] : memref<2560x128xi32, #tpu.memory_space<hbm>> -> memref<40x128xi32, #tpu.memory_space<hbm>>
      %dma_start3A_54 = arith.constant 0 : i32
      %dma_start3A_55 = tpu.memref_slice %arg4[%add3A_28, %dma_start3A_54] : memref<2560x128xi32, #tpu.memory_space<hbm>> -> memref<40x128xi32, #tpu.memory_space<hbm>>
      tpu.enqueue_dma source(%dma_start3A_55 : memref<40x128xi32, #tpu.memory_space<hbm>>) target(%arg8 : memref<40x128xi32, #tpu.memory_space<vmem>>) target_semaphore(%run_scoped3A : memref<!tpu.dma_semaphore, #tpu.memory_space<semaphore_mem>>)
      %dma_wait3A = arith.constant 0 : i32
      %dma_wait3A_56 = tpu.memref_slice %arg4[%add3A_28, %dma_wait3A] : memref<2560x128xi32, #tpu.memory_space<hbm>> -> memref<40x128xi32, #tpu.memory_space<hbm>>
      %dma_wait3A_57 = arith.constant 0 : i32
      %dma_wait3A_58 = tpu.memref_slice %arg4[%add3A_28, %dma_wait3A_57] : memref<2560x128xi32, #tpu.memory_space<hbm>> -> memref<40x128xi32, #tpu.memory_space<hbm>>
      tpu.wait_dma2 semaphore(%run_scoped3A : memref<!tpu.dma_semaphore, #tpu.memory_space<semaphore_mem>>) src(%dma_wait3A_58 : memref<40x128xi32, #tpu.memory_space<hbm>>) dst(%arg8 : memref<40x128xi32, #tpu.memory_space<vmem>>)
      tpu.yield
    }) : () -> ()
    %dma_start3A_29 = arith.constant 0 : i32
    %dma_start3A_30 = arith.constant 0 : i32
    %dma_start3A_31 = arith.constant 0 : i32
    %dma_start3A_32 = arith.constant 0 : i32
    %dma_start3A_33 = tpu.memref_slice %arg9[%dma_start3A_30, %dma_start3A_31, %dma_start3A_32] : memref<2x128x128xf32, #tpu.memory_space<vmem>> -> memref<1x128x128xf32, #tpu.memory_space<vmem>>
    %dma_start3A_34 = tpu.memref_squeeze %dma_start3A_33 : memref<1x128x128xf32, #tpu.memory_space<vmem>> -> memref<128x128xf32, #tpu.memory_space<vmem>>
    %dma_start3A_35 = arith.constant 0 : i32
    %dma_start3A_36 = tpu.memref_slice %arg7[%dma_start3A_29, %dma_start3A_35] : memref<40x128xi32, #tpu.memory_space<vmem>> -> memref<1x128xi32, #tpu.memory_space<vmem>>
    %dma_start3A_37 = tpu.memref_squeeze %dma_start3A_36 : memref<1x128xi32, #tpu.memory_space<vmem>> -> memref<128xi32, #tpu.memory_space<vmem>>
    %dma_start3A_38 = arith.constant 0 : i32
    %dma_start3A_39 = arith.constant 0 : i32
    %dma_start3A_40 = tpu.memref_slice %arg2[%dma_start3A_38, %dma_start3A_39] : memref<10000x128xf32, #tpu.memory_space<hbm>> -> memref<10000x128xf32, #tpu.memory_space<hbm>>
    tpu.enqueue_indirect_dma source(%dma_start3A_40 : memref<10000x128xf32, #tpu.memory_space<hbm>>) target(%dma_start3A_34 : memref<128x128xf32, #tpu.memory_space<vmem>>) offsets(%dma_start3A_37 : memref<128xi32, #tpu.memory_space<vmem>>) semaphore(%arg11 : memref<!tpu.dma_semaphore, #tpu.memory_space<semaphore_mem>>)
    %scan3A_41 = arith.constant 0 : i32
    %scan3A_42 = arith.constant 0 : i32
    %scan3A_43 = arith.constant 20 : i32
    %scan3A_44 = arith.addi %scan3A_42, %scan3A_43 : i32
    %scan3A_45 = arith.constant 1 : i32
    scf.for %scan3A_52 = %scan3A_42 to %scan3A_44 step %scan3A_45  : i32 {
      %mul3A_53 = arith.constant 2 : i32
      %mul3A_54 = arith.muli %scan3A_52, %mul3A_53 : i32
      %add3A_55 = arith.constant 0 : i32
      %add3A_56 = arith.addi %mul3A_54, %add3A_55 : i32
      %add3A_57 = arith.constant 1 : i32
      %add3A_58 = arith.addi %add3A_56, %add3A_57 : i32
      %lt3A = arith.constant 40 : i32
      %lt3A_59 = arith.cmpi slt, %add3A_58, %lt3A : i32
      %convert_element_type3A = arith.extui %lt3A_59 : i1 to i32
      %cond3A = arith.constant 0 : i32
      %cond3A_60 = arith.cmpi ne, %convert_element_type3A, %cond3A : i32
      scf.if %cond3A_60 {
        %add3A_94 = arith.constant 1 : i32
        %add3A_95 = arith.addi %add3A_56, %add3A_94 : i32
        %dma_start3A_96 = arith.constant 1 : i32
        %dma_start3A_97 = arith.constant 0 : i32
        %dma_start3A_98 = arith.constant 0 : i32
        %dma_start3A_99 = tpu.memref_slice %arg9[%dma_start3A_96, %dma_start3A_97, %dma_start3A_98] : memref<2x128x128xf32, #tpu.memory_space<vmem>> -> memref<1x128x128xf32, #tpu.memory_space<vmem>>
        %dma_start3A_100 = tpu.memref_squeeze %dma_start3A_99 : memref<1x128x128xf32, #tpu.memory_space<vmem>> -> memref<128x128xf32, #tpu.memory_space<vmem>>
        %dma_start3A_101 = arith.constant 0 : i32
        %dma_start3A_102 = tpu.memref_slice %arg7[%add3A_95, %dma_start3A_101] : memref<40x128xi32, #tpu.memory_space<vmem>> -> memref<1x128xi32, #tpu.memory_space<vmem>>
        %dma_start3A_103 = tpu.memref_squeeze %dma_start3A_102 : memref<1x128xi32, #tpu.memory_space<vmem>> -> memref<128xi32, #tpu.memory_space<vmem>>
        %dma_start3A_104 = arith.constant 0 : i32
        %dma_start3A_105 = arith.constant 0 : i32
        %dma_start3A_106 = tpu.memref_slice %arg2[%dma_start3A_104, %dma_start3A_105] : memref<10000x128xf32, #tpu.memory_space<hbm>> -> memref<10000x128xf32, #tpu.memory_space<hbm>>
        tpu.enqueue_indirect_dma source(%dma_start3A_106 : memref<10000x128xf32, #tpu.memory_space<hbm>>) target(%dma_start3A_100 : memref<128x128xf32, #tpu.memory_space<vmem>>) offsets(%dma_start3A_103 : memref<128xi32, #tpu.memory_space<vmem>>) semaphore(%arg11 : memref<!tpu.dma_semaphore, #tpu.memory_space<semaphore_mem>>)
      } else {
      }
      %dma_wait3A = arith.constant 0 : i32
      %dma_wait3A_61 = arith.constant 0 : i32
      %dma_wait3A_62 = arith.constant 0 : i32
      %dma_wait3A_63 = tpu.memref_slice %arg9[%dma_wait3A, %dma_wait3A_61, %dma_wait3A_62] : memref<2x128x128xf32, #tpu.memory_space<vmem>> -> memref<1x128x128xf32, #tpu.memory_space<vmem>>
      %dma_wait3A_64 = tpu.memref_squeeze %dma_wait3A_63 : memref<1x128x128xf32, #tpu.memory_space<vmem>> -> memref<128x128xf32, #tpu.memory_space<vmem>>
      %dma_wait3A_65 = arith.constant 0 : i32
      %dma_wait3A_66 = tpu.memref_slice %arg7[%add3A_56, %dma_wait3A_65] : memref<40x128xi32, #tpu.memory_space<vmem>> -> memref<1x128xi32, #tpu.memory_space<vmem>>
      %dma_wait3A_67 = tpu.memref_squeeze %dma_wait3A_66 : memref<1x128xi32, #tpu.memory_space<vmem>> -> memref<128xi32, #tpu.memory_space<vmem>>
      %dma_wait3A_68 = arith.constant 0 : i32
      %dma_wait3A_69 = arith.constant 0 : i32
      %dma_wait3A_70 = tpu.memref_slice %arg2[%dma_wait3A_68, %dma_wait3A_69] : memref<10000x128xf32, #tpu.memory_space<hbm>> -> memref<10000x128xf32, #tpu.memory_space<hbm>>
      tpu.wait_indirect_dma semaphore(%arg11 : memref<!tpu.dma_semaphore, #tpu.memory_space<semaphore_mem>>) src(%dma_wait3A_70 : memref<10000x128xf32, #tpu.memory_space<hbm>>) dst(%dma_wait3A_64 : memref<128x128xf32, #tpu.memory_space<vmem>>)
      %run_scoped3A = arith.constant 0 : i32
      "tpu.region"() ({
        %run_scoped3A_94 = tpu.sem_alloc : memref<!tpu.dma_semaphore, #tpu.memory_space<semaphore_mem>>
        %dma_start3A_95 = arith.constant 0 : i32
        %dma_start3A_96 = arith.constant 0 : i32
        %dma_start3A_97 = tpu.memref_slice %arg9[%run_scoped3A, %dma_start3A_95, %dma_start3A_96] : memref<2x128x128xf32, #tpu.memory_space<vmem>> -> memref<1x128x128xf32, #tpu.memory_space<vmem>>
        %dma_start3A_98 = tpu.memref_squeeze %dma_start3A_97 : memref<1x128x128xf32, #tpu.memory_space<vmem>> -> memref<128x128xf32, #tpu.memory_space<vmem>>
        %dma_start3A_99 = arith.constant 0 : i32
        %dma_start3A_100 = tpu.memref_slice %arg8[%add3A_56, %dma_start3A_99] : memref<40x128xi32, #tpu.memory_space<vmem>> -> memref<1x128xi32, #tpu.memory_space<vmem>>
        %dma_start3A_101 = tpu.memref_squeeze %dma_start3A_100 : memref<1x128xi32, #tpu.memory_space<vmem>> -> memref<128xi32, #tpu.memory_space<vmem>>
        %dma_start3A_102 = arith.constant 0 : i32
        %dma_start3A_103 = arith.constant 0 : i32
        %dma_start3A_104 = tpu.memref_slice %arg10[%dma_start3A_102, %dma_start3A_103] : memref<10112x128xf32, #tpu.memory_space<vmem_shared>> -> memref<10112x128xf32, #tpu.memory_space<vmem_shared>>
        tpu.enqueue_indirect_dma source(%dma_start3A_98 : memref<128x128xf32, #tpu.memory_space<vmem>>) target(%dma_start3A_104 : memref<10112x128xf32, #tpu.memory_space<vmem_shared>>) offsets(%dma_start3A_101 : memref<128xi32, #tpu.memory_space<vmem>>) semaphore(%run_scoped3A_94 : memref<!tpu.dma_semaphore, #tpu.memory_space<semaphore_mem>>) {add = true}
        %dma_wait3A_105 = arith.constant 0 : i32
        %dma_wait3A_106 = arith.constant 0 : i32
        %dma_wait3A_107 = tpu.memref_slice %arg9[%run_scoped3A, %dma_wait3A_105, %dma_wait3A_106] : memref<2x128x128xf32, #tpu.memory_space<vmem>> -> memref<1x128x128xf32, #tpu.memory_space<vmem>>
        %dma_wait3A_108 = tpu.memref_squeeze %dma_wait3A_107 : memref<1x128x128xf32, #tpu.memory_space<vmem>> -> memref<128x128xf32, #tpu.memory_space<vmem>>
        %dma_wait3A_109 = arith.constant 0 : i32
        %dma_wait3A_110 = tpu.memref_slice %arg8[%add3A_56, %dma_wait3A_109] : memref<40x128xi32, #tpu.memory_space<vmem>> -> memref<1x128xi32, #tpu.memory_space<vmem>>
        %dma_wait3A_111 = tpu.memref_squeeze %dma_wait3A_110 : memref<1x128xi32, #tpu.memory_space<vmem>> -> memref<128xi32, #tpu.memory_space<vmem>>
        %dma_wait3A_112 = arith.constant 0 : i32
        %dma_wait3A_113 = arith.constant 0 : i32
        %dma_wait3A_114 = tpu.memref_slice %arg10[%dma_wait3A_112, %dma_wait3A_113] : memref<10112x128xf32, #tpu.memory_space<vmem_shared>> -> memref<10112x128xf32, #tpu.memory_space<vmem_shared>>
        tpu.wait_indirect_dma semaphore(%run_scoped3A_94 : memref<!tpu.dma_semaphore, #tpu.memory_space<semaphore_mem>>) src(%dma_wait3A_108 : memref<128x128xf32, #tpu.memory_space<vmem>>) dst(%dma_wait3A_114 : memref<10112x128xf32, #tpu.memory_space<vmem_shared>>)
        tpu.yield
      }) : () -> ()
      %mul3A_71 = arith.constant 2 : i32
      %mul3A_72 = arith.muli %scan3A_52, %mul3A_71 : i32
      %add3A_73 = arith.constant 1 : i32
      %add3A_74 = arith.addi %mul3A_72, %add3A_73 : i32
      %add3A_75 = arith.constant 1 : i32
      %add3A_76 = arith.addi %add3A_74, %add3A_75 : i32
      %lt3A_77 = arith.constant 40 : i32
      %lt3A_78 = arith.cmpi slt, %add3A_76, %lt3A_77 : i32
      %convert_element_type3A_79 = arith.extui %lt3A_78 : i1 to i32
      %cond3A_80 = arith.constant 0 : i32
      %cond3A_81 = arith.cmpi ne, %convert_element_type3A_79, %cond3A_80 : i32
      scf.if %cond3A_81 {
        %add3A_94 = arith.constant 1 : i32
        %add3A_95 = arith.addi %add3A_74, %add3A_94 : i32
        %dma_start3A_96 = arith.constant 0 : i32
        %dma_start3A_97 = arith.constant 0 : i32
        %dma_start3A_98 = arith.constant 0 : i32
        %dma_start3A_99 = tpu.memref_slice %arg9[%dma_start3A_96, %dma_start3A_97, %dma_start3A_98] : memref<2x128x128xf32, #tpu.memory_space<vmem>> -> memref<1x128x128xf32, #tpu.memory_space<vmem>>
        %dma_start3A_100 = tpu.memref_squeeze %dma_start3A_99 : memref<1x128x128xf32, #tpu.memory_space<vmem>> -> memref<128x128xf32, #tpu.memory_space<vmem>>
        %dma_start3A_101 = arith.constant 0 : i32
        %dma_start3A_102 = tpu.memref_slice %arg7[%add3A_95, %dma_start3A_101] : memref<40x128xi32, #tpu.memory_space<vmem>> -> memref<1x128xi32, #tpu.memory_space<vmem>>
        %dma_start3A_103 = tpu.memref_squeeze %dma_start3A_102 : memref<1x128xi32, #tpu.memory_space<vmem>> -> memref<128xi32, #tpu.memory_space<vmem>>
        %dma_start3A_104 = arith.constant 0 : i32
        %dma_start3A_105 = arith.constant 0 : i32
        %dma_start3A_106 = tpu.memref_slice %arg2[%dma_start3A_104, %dma_start3A_105] : memref<10000x128xf32, #tpu.memory_space<hbm>> -> memref<10000x128xf32, #tpu.memory_space<hbm>>
        tpu.enqueue_indirect_dma source(%dma_start3A_106 : memref<10000x128xf32, #tpu.memory_space<hbm>>) target(%dma_start3A_100 : memref<128x128xf32, #tpu.memory_space<vmem>>) offsets(%dma_start3A_103 : memref<128xi32, #tpu.memory_space<vmem>>) semaphore(%arg11 : memref<!tpu.dma_semaphore, #tpu.memory_space<semaphore_mem>>)
      } else {
      }
      %dma_wait3A_82 = arith.constant 1 : i32
      %dma_wait3A_83 = arith.constant 0 : i32
      %dma_wait3A_84 = arith.constant 0 : i32
      %dma_wait3A_85 = tpu.memref_slice %arg9[%dma_wait3A_82, %dma_wait3A_83, %dma_wait3A_84] : memref<2x128x128xf32, #tpu.memory_space<vmem>> -> memref<1x128x128xf32, #tpu.memory_space<vmem>>
      %dma_wait3A_86 = tpu.memref_squeeze %dma_wait3A_85 : memref<1x128x128xf32, #tpu.memory_space<vmem>> -> memref<128x128xf32, #tpu.memory_space<vmem>>
      %dma_wait3A_87 = arith.constant 0 : i32
      %dma_wait3A_88 = tpu.memref_slice %arg7[%add3A_74, %dma_wait3A_87] : memref<40x128xi32, #tpu.memory_space<vmem>> -> memref<1x128xi32, #tpu.memory_space<vmem>>
      %dma_wait3A_89 = tpu.memref_squeeze %dma_wait3A_88 : memref<1x128xi32, #tpu.memory_space<vmem>> -> memref<128xi32, #tpu.memory_space<vmem>>
      %dma_wait3A_90 = arith.constant 0 : i32
      %dma_wait3A_91 = arith.constant 0 : i32
      %dma_wait3A_92 = tpu.memref_slice %arg2[%dma_wait3A_90, %dma_wait3A_91] : memref<10000x128xf32, #tpu.memory_space<hbm>> -> memref<10000x128xf32, #tpu.memory_space<hbm>>
      tpu.wait_indirect_dma semaphore(%arg11 : memref<!tpu.dma_semaphore, #tpu.memory_space<semaphore_mem>>) src(%dma_wait3A_92 : memref<10000x128xf32, #tpu.memory_space<hbm>>) dst(%dma_wait3A_86 : memref<128x128xf32, #tpu.memory_space<vmem>>)
      %run_scoped3A_93 = arith.constant 1 : i32
      "tpu.region"() ({
        %run_scoped3A_94 = tpu.sem_alloc : memref<!tpu.dma_semaphore, #tpu.memory_space<semaphore_mem>>
        %dma_start3A_95 = arith.constant 0 : i32
        %dma_start3A_96 = arith.constant 0 : i32
        %dma_start3A_97 = tpu.memref_slice %arg9[%run_scoped3A_93, %dma_start3A_95, %dma_start3A_96] : memref<2x128x128xf32, #tpu.memory_space<vmem>> -> memref<1x128x128xf32, #tpu.memory_space<vmem>>
        %dma_start3A_98 = tpu.memref_squeeze %dma_start3A_97 : memref<1x128x128xf32, #tpu.memory_space<vmem>> -> memref<128x128xf32, #tpu.memory_space<vmem>>
        %dma_start3A_99 = arith.constant 0 : i32
        %dma_start3A_100 = tpu.memref_slice %arg8[%add3A_74, %dma_start3A_99] : memref<40x128xi32, #tpu.memory_space<vmem>> -> memref<1x128xi32, #tpu.memory_space<vmem>>
        %dma_start3A_101 = tpu.memref_squeeze %dma_start3A_100 : memref<1x128xi32, #tpu.memory_space<vmem>> -> memref<128xi32, #tpu.memory_space<vmem>>
        %dma_start3A_102 = arith.constant 0 : i32
        %dma_start3A_103 = arith.constant 0 : i32
        %dma_start3A_104 = tpu.memref_slice %arg10[%dma_start3A_102, %dma_start3A_103] : memref<10112x128xf32, #tpu.memory_space<vmem_shared>> -> memref<10112x128xf32, #tpu.memory_space<vmem_shared>>
        tpu.enqueue_indirect_dma source(%dma_start3A_98 : memref<128x128xf32, #tpu.memory_space<vmem>>) target(%dma_start3A_104 : memref<10112x128xf32, #tpu.memory_space<vmem_shared>>) offsets(%dma_start3A_101 : memref<128xi32, #tpu.memory_space<vmem>>) semaphore(%run_scoped3A_94 : memref<!tpu.dma_semaphore, #tpu.memory_space<semaphore_mem>>) {add = true}
        %dma_wait3A_105 = arith.constant 0 : i32
        %dma_wait3A_106 = arith.constant 0 : i32
        %dma_wait3A_107 = tpu.memref_slice %arg9[%run_scoped3A_93, %dma_wait3A_105, %dma_wait3A_106] : memref<2x128x128xf32, #tpu.memory_space<vmem>> -> memref<1x128x128xf32, #tpu.memory_space<vmem>>
        %dma_wait3A_108 = tpu.memref_squeeze %dma_wait3A_107 : memref<1x128x128xf32, #tpu.memory_space<vmem>> -> memref<128x128xf32, #tpu.memory_space<vmem>>
        %dma_wait3A_109 = arith.constant 0 : i32
        %dma_wait3A_110 = tpu.memref_slice %arg8[%add3A_74, %dma_wait3A_109] : memref<40x128xi32, #tpu.memory_space<vmem>> -> memref<1x128xi32, #tpu.memory_space<vmem>>
        %dma_wait3A_111 = tpu.memref_squeeze %dma_wait3A_110 : memref<1x128xi32, #tpu.memory_space<vmem>> -> memref<128xi32, #tpu.memory_space<vmem>>
        %dma_wait3A_112 = arith.constant 0 : i32
        %dma_wait3A_113 = arith.constant 0 : i32
        %dma_wait3A_114 = tpu.memref_slice %arg10[%dma_wait3A_112, %dma_wait3A_113] : memref<10112x128xf32, #tpu.memory_space<vmem_shared>> -> memref<10112x128xf32, #tpu.memory_space<vmem_shared>>
        tpu.wait_indirect_dma semaphore(%run_scoped3A_94 : memref<!tpu.dma_semaphore, #tpu.memory_space<semaphore_mem>>) src(%dma_wait3A_108 : memref<128x128xf32, #tpu.memory_space<vmem>>) dst(%dma_wait3A_114 : memref<10112x128xf32, #tpu.memory_space<vmem_shared>>)
        tpu.yield
      }) : () -> ()
    }
    %scan3A_46 = arith.constant 20 : i32
    %barrier3A_47 = arith.constant 0 : index
    tpu.barrier barrier_id(%barrier3A_47)
    %mul3A_48 = arith.constant 632 : i32
    %mul3A_49 = arith.muli %arg1, %mul3A_48 : i32
    %mul3A_50 = arith.constant 632 : i32
    %mul3A_51 = arith.muli %arg1, %mul3A_50 : i32
    "tpu.region"() ({
      %run_scoped3A = tpu.sem_alloc : memref<!tpu.dma_semaphore, #tpu.memory_space<semaphore_mem>>
      %dma_start3A_52 = arith.constant 0 : i32
      %dma_start3A_53 = tpu.memref_slice %arg6[%arg0, %mul3A_51, %dma_start3A_52] : memref<2x10112x128xf32, #tpu.memory_space<hbm>> -> memref<1x632x128xf32, #tpu.memory_space<hbm>>
      %dma_start3A_54 = tpu.memref_squeeze %dma_start3A_53 : memref<1x632x128xf32, #tpu.memory_space<hbm>> -> memref<632x128xf32, #tpu.memory_space<hbm>>
      %dma_start3A_55 = arith.constant 0 : i32
      %dma_start3A_56 = tpu.memref_slice %arg10[%mul3A_49, %dma_start3A_55] : memref<10112x128xf32, #tpu.memory_space<vmem_shared>> -> memref<632x128xf32, #tpu.memory_space<vmem_shared>>
      tpu.enqueue_dma source(%dma_start3A_56 : memref<632x128xf32, #tpu.memory_space<vmem_shared>>) target(%dma_start3A_54 : memref<632x128xf32, #tpu.memory_space<hbm>>) target_semaphore(%run_scoped3A : memref<!tpu.dma_semaphore, #tpu.memory_space<semaphore_mem>>)
      %dma_wait3A = arith.constant 0 : i32
      %dma_wait3A_57 = tpu.memref_slice %arg6[%arg0, %mul3A_51, %dma_wait3A] : memref<2x10112x128xf32, #tpu.memory_space<hbm>> -> memref<1x632x128xf32, #tpu.memory_space<hbm>>
      %dma_wait3A_58 = tpu.memref_squeeze %dma_wait3A_57 : memref<1x632x128xf32, #tpu.memory_space<hbm>> -> memref<632x128xf32, #tpu.memory_space<hbm>>
      %dma_wait3A_59 = arith.constant 0 : i32
      %dma_wait3A_60 = tpu.memref_slice %arg10[%mul3A_49, %dma_wait3A_59] : memref<10112x128xf32, #tpu.memory_space<vmem_shared>> -> memref<632x128xf32, #tpu.memory_space<vmem_shared>>
      tpu.wait_dma2 semaphore(%run_scoped3A : memref<!tpu.dma_semaphore, #tpu.memory_space<semaphore_mem>>) src(%dma_wait3A_60 : memref<632x128xf32, #tpu.memory_space<vmem_shared>>) dst(%dma_wait3A_58 : memref<632x128xf32, #tpu.memory_space<hbm>>)
      tpu.yield
    }) : () -> ()
    return
  }
}

#map = affine_map<(d0, d1) -> (0, 0)>
#map1 = affine_map<(d0, d1) -> (0, 0, 0)>
module attributes {stable_mosaic.version = 14 : i64} {
  func.func @k(%arg0: i32, %arg1: i32, %arg2: memref<10000x128xf32, #tpu.memory_space<hbm>>, %arg3: memref<2560x128xi32, #tpu.memory_space<hbm>>, %arg4: memref<2560x128xi32, #tpu.memory_space<hbm>>, %arg5: memref<10112x128xf32, #tpu.memory_space<hbm>>, %arg6: memref<2x10112x128xf32, #tpu.memory_space<hbm>>, %arg7: memref<40x128xi32, #tpu.memory_space<vmem>>, %arg8: memref<40x128xi32, #tpu.memory_space<vmem>>, %arg9: memref<2x128x128xf32, #tpu.memory_space<vmem>>, %arg10: memref<10112x128xf32, #tpu.memory_space<vmem_shared>>, %arg11: memref<!tpu.dma_semaphore, #tpu.memory_space<semaphore_mem>>) attributes {dimension_semantics = [#tpu.dimension_semantics<core_parallel>, #tpu.dimension_semantics<subcore_parallel>], iteration_bounds = array<i64: 2, 16>, scalar_prefetch = 0 : i64, scratch_operands = 5 : i64, tpu.core_type = #tpu.core_type<sc_vector_subcore>, window_params = [{transform_indices = #map}, {transform_indices = #map}, {transform_indices = #map}, {transform_indices = #map}, {transform_indices = #map1}]} {
    %mul3A = arith.constant 16 : i32
    %mul3A_0 = arith.muli %arg0, %mul3A : i32
    %add3A = arith.addi %mul3A_0, %arg1 : i32
    %mul3A_1 = arith.constant 632 : i32
    %mul3A_2 = arith.muli %arg1, %mul3A_1 : i32
    %mul3A_3 = arith.constant 632 : i32
    %mul3A_4 = arith.muli %arg1, %mul3A_3 : i32
    "tpu.region"() ({
      %run_scoped3A = tpu.sem_alloc : memref<!tpu.dma_semaphore, #tpu.memory_space<semaphore_mem>>
      %dma_start3A_52 = arith.constant 0 : i32
      %dma_start3A_53 = tpu.memref_slice %arg10[%mul3A_4, %dma_start3A_52] : memref<10112x128xf32, #tpu.memory_space<vmem_shared>> -> memref<632x128xf32, #tpu.memory_space<vmem_shared>>
      %dma_start3A_54 = arith.constant 0 : i32
      %dma_start3A_55 = tpu.memref_slice %arg5[%mul3A_2, %dma_start3A_54] : memref<10112x128xf32, #tpu.memory_space<hbm>> -> memref<632x128xf32, #tpu.memory_space<hbm>>
      tpu.enqueue_dma source(%dma_start3A_55 : memref<632x128xf32, #tpu.memory_space<hbm>>) target(%dma_start3A_53 : memref<632x128xf32, #tpu.memory_space<vmem_shared>>) target_semaphore(%run_scoped3A : memref<!tpu.dma_semaphore, #tpu.memory_space<semaphore_mem>>)
      %dma_wait3A = arith.constant 0 : i32
      %dma_wait3A_56 = tpu.memref_slice %arg10[%mul3A_4, %dma_wait3A] : memref<10112x128xf32, #tpu.memory_space<vmem_shared>> -> memref<632x128xf32, #tpu.memory_space<vmem_shared>>
      %dma_wait3A_57 = arith.constant 0 : i32
      %dma_wait3A_58 = tpu.memref_slice %arg5[%mul3A_2, %dma_wait3A_57] : memref<10112x128xf32, #tpu.memory_space<hbm>> -> memref<632x128xf32, #tpu.memory_space<hbm>>
      tpu.wait_dma2 semaphore(%run_scoped3A : memref<!tpu.dma_semaphore, #tpu.memory_space<semaphore_mem>>) src(%dma_wait3A_58 : memref<632x128xf32, #tpu.memory_space<hbm>>) dst(%dma_wait3A_56 : memref<632x128xf32, #tpu.memory_space<vmem_shared>>)
      tpu.yield
    }) : () -> ()
    %barrier3A = arith.constant 0 : index
    tpu.barrier barrier_id(%barrier3A)
    %mul3A_5 = arith.constant 80 : i32
    %mul3A_6 = arith.muli %add3A, %mul3A_5 : i32
    %add3A_7 = arith.constant 0 : i32
    %add3A_8 = arith.addi %mul3A_6, %add3A_7 : i32
    "tpu.region"() ({
      %run_scoped3A = tpu.sem_alloc : memref<!tpu.dma_semaphore, #tpu.memory_space<semaphore_mem>>
      %dma_start3A_52 = arith.constant 0 : i32
      %dma_start3A_53 = tpu.memref_slice %arg3[%add3A_8, %dma_start3A_52] : memref<2560x128xi32, #tpu.memory_space<hbm>> -> memref<40x128xi32, #tpu.memory_space<hbm>>
      %dma_start3A_54 = arith.constant 0 : i32
      %dma_start3A_55 = tpu.memref_slice %arg3[%add3A_8, %dma_start3A_54] : memref<2560x128xi32, #tpu.memory_space<hbm>> -> memref<40x128xi32, #tpu.memory_space<hbm>>
      tpu.enqueue_dma source(%dma_start3A_55 : memref<40x128xi32, #tpu.memory_space<hbm>>) target(%arg7 : memref<40x128xi32, #tpu.memory_space<vmem>>) target_semaphore(%run_scoped3A : memref<!tpu.dma_semaphore, #tpu.memory_space<semaphore_mem>>)
      %dma_wait3A = arith.constant 0 : i32
      %dma_wait3A_56 = tpu.memref_slice %arg3[%add3A_8, %dma_wait3A] : memref<2560x128xi32, #tpu.memory_space<hbm>> -> memref<40x128xi32, #tpu.memory_space<hbm>>
      %dma_wait3A_57 = arith.constant 0 : i32
      %dma_wait3A_58 = tpu.memref_slice %arg3[%add3A_8, %dma_wait3A_57] : memref<2560x128xi32, #tpu.memory_space<hbm>> -> memref<40x128xi32, #tpu.memory_space<hbm>>
      tpu.wait_dma2 semaphore(%run_scoped3A : memref<!tpu.dma_semaphore, #tpu.memory_space<semaphore_mem>>) src(%dma_wait3A_58 : memref<40x128xi32, #tpu.memory_space<hbm>>) dst(%arg7 : memref<40x128xi32, #tpu.memory_space<vmem>>)
      tpu.yield
    }) : () -> ()
    "tpu.region"() ({
      %run_scoped3A = tpu.sem_alloc : memref<!tpu.dma_semaphore, #tpu.memory_space<semaphore_mem>>
      %dma_start3A_52 = arith.constant 0 : i32
      %dma_start3A_53 = tpu.memref_slice %arg4[%add3A_8, %dma_start3A_52] : memref<2560x128xi32, #tpu.memory_space<hbm>> -> memref<40x128xi32, #tpu.memory_space<hbm>>
      %dma_start3A_54 = arith.constant 0 : i32
      %dma_start3A_55 = tpu.memref_slice %arg4[%add3A_8, %dma_start3A_54] : memref<2560x128xi32, #tpu.memory_space<hbm>> -> memref<40x128xi32, #tpu.memory_space<hbm>>
      tpu.enqueue_dma source(%dma_start3A_55 : memref<40x128xi32, #tpu.memory_space<hbm>>) target(%arg8 : memref<40x128xi32, #tpu.memory_space<vmem>>) target_semaphore(%run_scoped3A : memref<!tpu.dma_semaphore, #tpu.memory_space<semaphore_mem>>)
      %dma_wait3A = arith.constant 0 : i32
      %dma_wait3A_56 = tpu.memref_slice %arg4[%add3A_8, %dma_wait3A] : memref<2560x128xi32, #tpu.memory_space<hbm>> -> memref<40x128xi32, #tpu.memory_space<hbm>>
      %dma_wait3A_57 = arith.constant 0 : i32
      %dma_wait3A_58 = tpu.memref_slice %arg4[%add3A_8, %dma_wait3A_57] : memref<2560x128xi32, #tpu.memory_space<hbm>> -> memref<40x128xi32, #tpu.memory_space<hbm>>
      tpu.wait_dma2 semaphore(%run_scoped3A : memref<!tpu.dma_semaphore, #tpu.memory_space<semaphore_mem>>) src(%dma_wait3A_58 : memref<40x128xi32, #tpu.memory_space<hbm>>) dst(%arg8 : memref<40x128xi32, #tpu.memory_space<vmem>>)
      tpu.yield
    }) : () -> ()
    %dma_start3A = arith.constant 0 : i32
    %dma_start3A_9 = arith.constant 0 : i32
    %dma_start3A_10 = arith.constant 0 : i32
    %dma_start3A_11 = arith.constant 0 : i32
    %dma_start3A_12 = tpu.memref_slice %arg9[%dma_start3A_9, %dma_start3A_10, %dma_start3A_11] : memref<2x128x128xf32, #tpu.memory_space<vmem>> -> memref<1x128x128xf32, #tpu.memory_space<vmem>>
    %dma_start3A_13 = tpu.memref_squeeze %dma_start3A_12 : memref<1x128x128xf32, #tpu.memory_space<vmem>> -> memref<128x128xf32, #tpu.memory_space<vmem>>
    %dma_start3A_14 = arith.constant 0 : i32
    %dma_start3A_15 = tpu.memref_slice %arg7[%dma_start3A, %dma_start3A_14] : memref<40x128xi32, #tpu.memory_space<vmem>> -> memref<1x128xi32, #tpu.memory_space<vmem>>
    %dma_start3A_16 = tpu.memref_squeeze %dma_start3A_15 : memref<1x128xi32, #tpu.memory_space<vmem>> -> memref<128xi32, #tpu.memory_space<vmem>>
    %dma_start3A_17 = arith.constant 0 : i32
    %dma_start3A_18 = arith.constant 0 : i32
    %dma_start3A_19 = tpu.memref_slice %arg2[%dma_start3A_17, %dma_start3A_18] : memref<10000x128xf32, #tpu.memory_space<hbm>> -> memref<10000x128xf32, #tpu.memory_space<hbm>>
    tpu.enqueue_indirect_dma source(%dma_start3A_19 : memref<10000x128xf32, #tpu.memory_space<hbm>>) target(%dma_start3A_13 : memref<128x128xf32, #tpu.memory_space<vmem>>) offsets(%dma_start3A_16 : memref<128xi32, #tpu.memory_space<vmem>>) semaphore(%arg11 : memref<!tpu.dma_semaphore, #tpu.memory_space<semaphore_mem>>)
    %scan3A = arith.constant 0 : i32
    %scan3A_20 = arith.constant 0 : i32
    %scan3A_21 = arith.constant 20 : i32
    %scan3A_22 = arith.addi %scan3A_20, %scan3A_21 : i32
    %scan3A_23 = arith.constant 1 : i32
    scf.for %scan3A_52 = %scan3A_20 to %scan3A_22 step %scan3A_23  : i32 {
      %mul3A_53 = arith.constant 2 : i32
      %mul3A_54 = arith.muli %scan3A_52, %mul3A_53 : i32
      %add3A_55 = arith.constant 0 : i32
      %add3A_56 = arith.addi %mul3A_54, %add3A_55 : i32
      %add3A_57 = arith.constant 1 : i32
      %add3A_58 = arith.addi %add3A_56, %add3A_57 : i32
      %lt3A = arith.constant 40 : i32
      %lt3A_59 = arith.cmpi slt, %add3A_58, %lt3A : i32
      %convert_element_type3A = arith.extui %lt3A_59 : i1 to i32
      %cond3A = arith.constant 0 : i32
      %cond3A_60 = arith.cmpi ne, %convert_element_type3A, %cond3A : i32
      scf.if %cond3A_60 {
        %add3A_94 = arith.constant 1 : i32
        %add3A_95 = arith.addi %add3A_56, %add3A_94 : i32
        %dma_start3A_96 = arith.constant 1 : i32
        %dma_start3A_97 = arith.constant 0 : i32
        %dma_start3A_98 = arith.constant 0 : i32
        %dma_start3A_99 = tpu.memref_slice %arg9[%dma_start3A_96, %dma_start3A_97, %dma_start3A_98] : memref<2x128x128xf32, #tpu.memory_space<vmem>> -> memref<1x128x128xf32, #tpu.memory_space<vmem>>
        %dma_start3A_100 = tpu.memref_squeeze %dma_start3A_99 : memref<1x128x128xf32, #tpu.memory_space<vmem>> -> memref<128x128xf32, #tpu.memory_space<vmem>>
        %dma_start3A_101 = arith.constant 0 : i32
        %dma_start3A_102 = tpu.memref_slice %arg7[%add3A_95, %dma_start3A_101] : memref<40x128xi32, #tpu.memory_space<vmem>> -> memref<1x128xi32, #tpu.memory_space<vmem>>
        %dma_start3A_103 = tpu.memref_squeeze %dma_start3A_102 : memref<1x128xi32, #tpu.memory_space<vmem>> -> memref<128xi32, #tpu.memory_space<vmem>>
        %dma_start3A_104 = arith.constant 0 : i32
        %dma_start3A_105 = arith.constant 0 : i32
        %dma_start3A_106 = tpu.memref_slice %arg2[%dma_start3A_104, %dma_start3A_105] : memref<10000x128xf32, #tpu.memory_space<hbm>> -> memref<10000x128xf32, #tpu.memory_space<hbm>>
        tpu.enqueue_indirect_dma source(%dma_start3A_106 : memref<10000x128xf32, #tpu.memory_space<hbm>>) target(%dma_start3A_100 : memref<128x128xf32, #tpu.memory_space<vmem>>) offsets(%dma_start3A_103 : memref<128xi32, #tpu.memory_space<vmem>>) semaphore(%arg11 : memref<!tpu.dma_semaphore, #tpu.memory_space<semaphore_mem>>)
      } else {
      }
      %dma_wait3A = arith.constant 0 : i32
      %dma_wait3A_61 = arith.constant 0 : i32
      %dma_wait3A_62 = arith.constant 0 : i32
      %dma_wait3A_63 = tpu.memref_slice %arg9[%dma_wait3A, %dma_wait3A_61, %dma_wait3A_62] : memref<2x128x128xf32, #tpu.memory_space<vmem>> -> memref<1x128x128xf32, #tpu.memory_space<vmem>>
      %dma_wait3A_64 = tpu.memref_squeeze %dma_wait3A_63 : memref<1x128x128xf32, #tpu.memory_space<vmem>> -> memref<128x128xf32, #tpu.memory_space<vmem>>
      %dma_wait3A_65 = arith.constant 0 : i32
      %dma_wait3A_66 = tpu.memref_slice %arg7[%add3A_56, %dma_wait3A_65] : memref<40x128xi32, #tpu.memory_space<vmem>> -> memref<1x128xi32, #tpu.memory_space<vmem>>
      %dma_wait3A_67 = tpu.memref_squeeze %dma_wait3A_66 : memref<1x128xi32, #tpu.memory_space<vmem>> -> memref<128xi32, #tpu.memory_space<vmem>>
      %dma_wait3A_68 = arith.constant 0 : i32
      %dma_wait3A_69 = arith.constant 0 : i32
      %dma_wait3A_70 = tpu.memref_slice %arg2[%dma_wait3A_68, %dma_wait3A_69] : memref<10000x128xf32, #tpu.memory_space<hbm>> -> memref<10000x128xf32, #tpu.memory_space<hbm>>
      tpu.wait_indirect_dma semaphore(%arg11 : memref<!tpu.dma_semaphore, #tpu.memory_space<semaphore_mem>>) src(%dma_wait3A_70 : memref<10000x128xf32, #tpu.memory_space<hbm>>) dst(%dma_wait3A_64 : memref<128x128xf32, #tpu.memory_space<vmem>>)
      %run_scoped3A = arith.constant 0 : i32
      "tpu.region"() ({
        %run_scoped3A_94 = tpu.sem_alloc : memref<!tpu.dma_semaphore, #tpu.memory_space<semaphore_mem>>
        %dma_start3A_95 = arith.constant 0 : i32
        %dma_start3A_96 = arith.constant 0 : i32
        %dma_start3A_97 = tpu.memref_slice %arg9[%run_scoped3A, %dma_start3A_95, %dma_start3A_96] : memref<2x128x128xf32, #tpu.memory_space<vmem>> -> memref<1x128x128xf32, #tpu.memory_space<vmem>>
        %dma_start3A_98 = tpu.memref_squeeze %dma_start3A_97 : memref<1x128x128xf32, #tpu.memory_space<vmem>> -> memref<128x128xf32, #tpu.memory_space<vmem>>
        %dma_start3A_99 = arith.constant 0 : i32
        %dma_start3A_100 = tpu.memref_slice %arg8[%add3A_56, %dma_start3A_99] : memref<40x128xi32, #tpu.memory_space<vmem>> -> memref<1x128xi32, #tpu.memory_space<vmem>>
        %dma_start3A_101 = tpu.memref_squeeze %dma_start3A_100 : memref<1x128xi32, #tpu.memory_space<vmem>> -> memref<128xi32, #tpu.memory_space<vmem>>
        %dma_start3A_102 = arith.constant 0 : i32
        %dma_start3A_103 = arith.constant 0 : i32
        %dma_start3A_104 = tpu.memref_slice %arg10[%dma_start3A_102, %dma_start3A_103] : memref<10112x128xf32, #tpu.memory_space<vmem_shared>> -> memref<10112x128xf32, #tpu.memory_space<vmem_shared>>
        tpu.enqueue_indirect_dma source(%dma_start3A_98 : memref<128x128xf32, #tpu.memory_space<vmem>>) target(%dma_start3A_104 : memref<10112x128xf32, #tpu.memory_space<vmem_shared>>) offsets(%dma_start3A_101 : memref<128xi32, #tpu.memory_space<vmem>>) semaphore(%run_scoped3A_94 : memref<!tpu.dma_semaphore, #tpu.memory_space<semaphore_mem>>) {add = true}
        %dma_wait3A_105 = arith.constant 0 : i32
        %dma_wait3A_106 = arith.constant 0 : i32
        %dma_wait3A_107 = tpu.memref_slice %arg9[%run_scoped3A, %dma_wait3A_105, %dma_wait3A_106] : memref<2x128x128xf32, #tpu.memory_space<vmem>> -> memref<1x128x128xf32, #tpu.memory_space<vmem>>
        %dma_wait3A_108 = tpu.memref_squeeze %dma_wait3A_107 : memref<1x128x128xf32, #tpu.memory_space<vmem>> -> memref<128x128xf32, #tpu.memory_space<vmem>>
        %dma_wait3A_109 = arith.constant 0 : i32
        %dma_wait3A_110 = tpu.memref_slice %arg8[%add3A_56, %dma_wait3A_109] : memref<40x128xi32, #tpu.memory_space<vmem>> -> memref<1x128xi32, #tpu.memory_space<vmem>>
        %dma_wait3A_111 = tpu.memref_squeeze %dma_wait3A_110 : memref<1x128xi32, #tpu.memory_space<vmem>> -> memref<128xi32, #tpu.memory_space<vmem>>
        %dma_wait3A_112 = arith.constant 0 : i32
        %dma_wait3A_113 = arith.constant 0 : i32
        %dma_wait3A_114 = tpu.memref_slice %arg10[%dma_wait3A_112, %dma_wait3A_113] : memref<10112x128xf32, #tpu.memory_space<vmem_shared>> -> memref<10112x128xf32, #tpu.memory_space<vmem_shared>>
        tpu.wait_indirect_dma semaphore(%run_scoped3A_94 : memref<!tpu.dma_semaphore, #tpu.memory_space<semaphore_mem>>) src(%dma_wait3A_108 : memref<128x128xf32, #tpu.memory_space<vmem>>) dst(%dma_wait3A_114 : memref<10112x128xf32, #tpu.memory_space<vmem_shared>>)
        tpu.yield
      }) : () -> ()
      %mul3A_71 = arith.constant 2 : i32
      %mul3A_72 = arith.muli %scan3A_52, %mul3A_71 : i32
      %add3A_73 = arith.constant 1 : i32
      %add3A_74 = arith.addi %mul3A_72, %add3A_73 : i32
      %add3A_75 = arith.constant 1 : i32
      %add3A_76 = arith.addi %add3A_74, %add3A_75 : i32
      %lt3A_77 = arith.constant 40 : i32
      %lt3A_78 = arith.cmpi slt, %add3A_76, %lt3A_77 : i32
      %convert_element_type3A_79 = arith.extui %lt3A_78 : i1 to i32
      %cond3A_80 = arith.constant 0 : i32
      %cond3A_81 = arith.cmpi ne, %convert_element_type3A_79, %cond3A_80 : i32
      scf.if %cond3A_81 {
        %add3A_94 = arith.constant 1 : i32
        %add3A_95 = arith.addi %add3A_74, %add3A_94 : i32
        %dma_start3A_96 = arith.constant 0 : i32
        %dma_start3A_97 = arith.constant 0 : i32
        %dma_start3A_98 = arith.constant 0 : i32
        %dma_start3A_99 = tpu.memref_slice %arg9[%dma_start3A_96, %dma_start3A_97, %dma_start3A_98] : memref<2x128x128xf32, #tpu.memory_space<vmem>> -> memref<1x128x128xf32, #tpu.memory_space<vmem>>
        %dma_start3A_100 = tpu.memref_squeeze %dma_start3A_99 : memref<1x128x128xf32, #tpu.memory_space<vmem>> -> memref<128x128xf32, #tpu.memory_space<vmem>>
        %dma_start3A_101 = arith.constant 0 : i32
        %dma_start3A_102 = tpu.memref_slice %arg7[%add3A_95, %dma_start3A_101] : memref<40x128xi32, #tpu.memory_space<vmem>> -> memref<1x128xi32, #tpu.memory_space<vmem>>
        %dma_start3A_103 = tpu.memref_squeeze %dma_start3A_102 : memref<1x128xi32, #tpu.memory_space<vmem>> -> memref<128xi32, #tpu.memory_space<vmem>>
        %dma_start3A_104 = arith.constant 0 : i32
        %dma_start3A_105 = arith.constant 0 : i32
        %dma_start3A_106 = tpu.memref_slice %arg2[%dma_start3A_104, %dma_start3A_105] : memref<10000x128xf32, #tpu.memory_space<hbm>> -> memref<10000x128xf32, #tpu.memory_space<hbm>>
        tpu.enqueue_indirect_dma source(%dma_start3A_106 : memref<10000x128xf32, #tpu.memory_space<hbm>>) target(%dma_start3A_100 : memref<128x128xf32, #tpu.memory_space<vmem>>) offsets(%dma_start3A_103 : memref<128xi32, #tpu.memory_space<vmem>>) semaphore(%arg11 : memref<!tpu.dma_semaphore, #tpu.memory_space<semaphore_mem>>)
      } else {
      }
      %dma_wait3A_82 = arith.constant 1 : i32
      %dma_wait3A_83 = arith.constant 0 : i32
      %dma_wait3A_84 = arith.constant 0 : i32
      %dma_wait3A_85 = tpu.memref_slice %arg9[%dma_wait3A_82, %dma_wait3A_83, %dma_wait3A_84] : memref<2x128x128xf32, #tpu.memory_space<vmem>> -> memref<1x128x128xf32, #tpu.memory_space<vmem>>
      %dma_wait3A_86 = tpu.memref_squeeze %dma_wait3A_85 : memref<1x128x128xf32, #tpu.memory_space<vmem>> -> memref<128x128xf32, #tpu.memory_space<vmem>>
      %dma_wait3A_87 = arith.constant 0 : i32
      %dma_wait3A_88 = tpu.memref_slice %arg7[%add3A_74, %dma_wait3A_87] : memref<40x128xi32, #tpu.memory_space<vmem>> -> memref<1x128xi32, #tpu.memory_space<vmem>>
      %dma_wait3A_89 = tpu.memref_squeeze %dma_wait3A_88 : memref<1x128xi32, #tpu.memory_space<vmem>> -> memref<128xi32, #tpu.memory_space<vmem>>
      %dma_wait3A_90 = arith.constant 0 : i32
      %dma_wait3A_91 = arith.constant 0 : i32
      %dma_wait3A_92 = tpu.memref_slice %arg2[%dma_wait3A_90, %dma_wait3A_91] : memref<10000x128xf32, #tpu.memory_space<hbm>> -> memref<10000x128xf32, #tpu.memory_space<hbm>>
      tpu.wait_indirect_dma semaphore(%arg11 : memref<!tpu.dma_semaphore, #tpu.memory_space<semaphore_mem>>) src(%dma_wait3A_92 : memref<10000x128xf32, #tpu.memory_space<hbm>>) dst(%dma_wait3A_86 : memref<128x128xf32, #tpu.memory_space<vmem>>)
      %run_scoped3A_93 = arith.constant 1 : i32
      "tpu.region"() ({
        %run_scoped3A_94 = tpu.sem_alloc : memref<!tpu.dma_semaphore, #tpu.memory_space<semaphore_mem>>
        %dma_start3A_95 = arith.constant 0 : i32
        %dma_start3A_96 = arith.constant 0 : i32
        %dma_start3A_97 = tpu.memref_slice %arg9[%run_scoped3A_93, %dma_start3A_95, %dma_start3A_96] : memref<2x128x128xf32, #tpu.memory_space<vmem>> -> memref<1x128x128xf32, #tpu.memory_space<vmem>>
        %dma_start3A_98 = tpu.memref_squeeze %dma_start3A_97 : memref<1x128x128xf32, #tpu.memory_space<vmem>> -> memref<128x128xf32, #tpu.memory_space<vmem>>
        %dma_start3A_99 = arith.constant 0 : i32
        %dma_start3A_100 = tpu.memref_slice %arg8[%add3A_74, %dma_start3A_99] : memref<40x128xi32, #tpu.memory_space<vmem>> -> memref<1x128xi32, #tpu.memory_space<vmem>>
        %dma_start3A_101 = tpu.memref_squeeze %dma_start3A_100 : memref<1x128xi32, #tpu.memory_space<vmem>> -> memref<128xi32, #tpu.memory_space<vmem>>
        %dma_start3A_102 = arith.constant 0 : i32
        %dma_start3A_103 = arith.constant 0 : i32
        %dma_start3A_104 = tpu.memref_slice %arg10[%dma_start3A_102, %dma_start3A_103] : memref<10112x128xf32, #tpu.memory_space<vmem_shared>> -> memref<10112x128xf32, #tpu.memory_space<vmem_shared>>
        tpu.enqueue_indirect_dma source(%dma_start3A_98 : memref<128x128xf32, #tpu.memory_space<vmem>>) target(%dma_start3A_104 : memref<10112x128xf32, #tpu.memory_space<vmem_shared>>) offsets(%dma_start3A_101 : memref<128xi32, #tpu.memory_space<vmem>>) semaphore(%run_scoped3A_94 : memref<!tpu.dma_semaphore, #tpu.memory_space<semaphore_mem>>) {add = true}
        %dma_wait3A_105 = arith.constant 0 : i32
        %dma_wait3A_106 = arith.constant 0 : i32
        %dma_wait3A_107 = tpu.memref_slice %arg9[%run_scoped3A_93, %dma_wait3A_105, %dma_wait3A_106] : memref<2x128x128xf32, #tpu.memory_space<vmem>> -> memref<1x128x128xf32, #tpu.memory_space<vmem>>
        %dma_wait3A_108 = tpu.memref_squeeze %dma_wait3A_107 : memref<1x128x128xf32, #tpu.memory_space<vmem>> -> memref<128x128xf32, #tpu.memory_space<vmem>>
        %dma_wait3A_109 = arith.constant 0 : i32
        %dma_wait3A_110 = tpu.memref_slice %arg8[%add3A_74, %dma_wait3A_109] : memref<40x128xi32, #tpu.memory_space<vmem>> -> memref<1x128xi32, #tpu.memory_space<vmem>>
        %dma_wait3A_111 = tpu.memref_squeeze %dma_wait3A_110 : memref<1x128xi32, #tpu.memory_space<vmem>> -> memref<128xi32, #tpu.memory_space<vmem>>
        %dma_wait3A_112 = arith.constant 0 : i32
        %dma_wait3A_113 = arith.constant 0 : i32
        %dma_wait3A_114 = tpu.memref_slice %arg10[%dma_wait3A_112, %dma_wait3A_113] : memref<10112x128xf32, #tpu.memory_space<vmem_shared>> -> memref<10112x128xf32, #tpu.memory_space<vmem_shared>>
        tpu.wait_indirect_dma semaphore(%run_scoped3A_94 : memref<!tpu.dma_semaphore, #tpu.memory_space<semaphore_mem>>) src(%dma_wait3A_108 : memref<128x128xf32, #tpu.memory_space<vmem>>) dst(%dma_wait3A_114 : memref<10112x128xf32, #tpu.memory_space<vmem_shared>>)
        tpu.yield
      }) : () -> ()
    }
    %scan3A_24 = arith.constant 20 : i32
    %mul3A_25 = arith.constant 80 : i32
    %mul3A_26 = arith.muli %add3A, %mul3A_25 : i32
    %add3A_27 = arith.constant 40 : i32
    %add3A_28 = arith.addi %mul3A_26, %add3A_27 : i32
    "tpu.region"() ({
      %run_scoped3A = tpu.sem_alloc : memref<!tpu.dma_semaphore, #tpu.memory_space<semaphore_mem>>
      %dma_start3A_52 = arith.constant 0 : i32
      %dma_start3A_53 = tpu.memref_slice %arg3[%add3A_28, %dma_start3A_52] : memref<2560x128xi32, #tpu.memory_space<hbm>> -> memref<40x128xi32, #tpu.memory_space<hbm>>
      %dma_start3A_54 = arith.constant 0 : i32
      %dma_start3A_55 = tpu.memref_slice %arg3[%add3A_28, %dma_start3A_54] : memref<2560x128xi32, #tpu.memory_space<hbm>> -> memref<40x128xi32, #tpu.memory_space<hbm>>
      tpu.enqueue_dma source(%dma_start3A_55 : memref<40x128xi32, #tpu.memory_space<hbm>>) target(%arg7 : memref<40x128xi32, #tpu.memory_space<vmem>>) target_semaphore(%run_scoped3A : memref<!tpu.dma_semaphore, #tpu.memory_space<semaphore_mem>>)
      %dma_wait3A = arith.constant 0 : i32
      %dma_wait3A_56 = tpu.memref_slice %arg3[%add3A_28, %dma_wait3A] : memref<2560x128xi32, #tpu.memory_space<hbm>> -> memref<40x128xi32, #tpu.memory_space<hbm>>
      %dma_wait3A_57 = arith.constant 0 : i32
      %dma_wait3A_58 = tpu.memref_slice %arg3[%add3A_28, %dma_wait3A_57] : memref<2560x128xi32, #tpu.memory_space<hbm>> -> memref<40x128xi32, #tpu.memory_space<hbm>>
      tpu.wait_dma2 semaphore(%run_scoped3A : memref<!tpu.dma_semaphore, #tpu.memory_space<semaphore_mem>>) src(%dma_wait3A_58 : memref<40x128xi32, #tpu.memory_space<hbm>>) dst(%arg7 : memref<40x128xi32, #tpu.memory_space<vmem>>)
      tpu.yield
    }) : () -> ()
    "tpu.region"() ({
      %run_scoped3A = tpu.sem_alloc : memref<!tpu.dma_semaphore, #tpu.memory_space<semaphore_mem>>
      %dma_start3A_52 = arith.constant 0 : i32
      %dma_start3A_53 = tpu.memref_slice %arg4[%add3A_28, %dma_start3A_52] : memref<2560x128xi32, #tpu.memory_space<hbm>> -> memref<40x128xi32, #tpu.memory_space<hbm>>
      %dma_start3A_54 = arith.constant 0 : i32
      %dma_start3A_55 = tpu.memref_slice %arg4[%add3A_28, %dma_start3A_54] : memref<2560x128xi32, #tpu.memory_space<hbm>> -> memref<40x128xi32, #tpu.memory_space<hbm>>
      tpu.enqueue_dma source(%dma_start3A_55 : memref<40x128xi32, #tpu.memory_space<hbm>>) target(%arg8 : memref<40x128xi32, #tpu.memory_space<vmem>>) target_semaphore(%run_scoped3A : memref<!tpu.dma_semaphore, #tpu.memory_space<semaphore_mem>>)
      %dma_wait3A = arith.constant 0 : i32
      %dma_wait3A_56 = tpu.memref_slice %arg4[%add3A_28, %dma_wait3A] : memref<2560x128xi32, #tpu.memory_space<hbm>> -> memref<40x128xi32, #tpu.memory_space<hbm>>
      %dma_wait3A_57 = arith.constant 0 : i32
      %dma_wait3A_58 = tpu.memref_slice %arg4[%add3A_28, %dma_wait3A_57] : memref<2560x128xi32, #tpu.memory_space<hbm>> -> memref<40x128xi32, #tpu.memory_space<hbm>>
      tpu.wait_dma2 semaphore(%run_scoped3A : memref<!tpu.dma_semaphore, #tpu.memory_space<semaphore_mem>>) src(%dma_wait3A_58 : memref<40x128xi32, #tpu.memory_space<hbm>>) dst(%arg8 : memref<40x128xi32, #tpu.memory_space<vmem>>)
      tpu.yield
    }) : () -> ()
    %dma_start3A_29 = arith.constant 0 : i32
    %dma_start3A_30 = arith.constant 0 : i32
    %dma_start3A_31 = arith.constant 0 : i32
    %dma_start3A_32 = arith.constant 0 : i32
    %dma_start3A_33 = tpu.memref_slice %arg9[%dma_start3A_30, %dma_start3A_31, %dma_start3A_32] : memref<2x128x128xf32, #tpu.memory_space<vmem>> -> memref<1x128x128xf32, #tpu.memory_space<vmem>>
    %dma_start3A_34 = tpu.memref_squeeze %dma_start3A_33 : memref<1x128x128xf32, #tpu.memory_space<vmem>> -> memref<128x128xf32, #tpu.memory_space<vmem>>
    %dma_start3A_35 = arith.constant 0 : i32
    %dma_start3A_36 = tpu.memref_slice %arg7[%dma_start3A_29, %dma_start3A_35] : memref<40x128xi32, #tpu.memory_space<vmem>> -> memref<1x128xi32, #tpu.memory_space<vmem>>
    %dma_start3A_37 = tpu.memref_squeeze %dma_start3A_36 : memref<1x128xi32, #tpu.memory_space<vmem>> -> memref<128xi32, #tpu.memory_space<vmem>>
    %dma_start3A_38 = arith.constant 0 : i32
    %dma_start3A_39 = arith.constant 0 : i32
    %dma_start3A_40 = tpu.memref_slice %arg2[%dma_start3A_38, %dma_start3A_39] : memref<10000x128xf32, #tpu.memory_space<hbm>> -> memref<10000x128xf32, #tpu.memory_space<hbm>>
    tpu.enqueue_indirect_dma source(%dma_start3A_40 : memref<10000x128xf32, #tpu.memory_space<hbm>>) target(%dma_start3A_34 : memref<128x128xf32, #tpu.memory_space<vmem>>) offsets(%dma_start3A_37 : memref<128xi32, #tpu.memory_space<vmem>>) semaphore(%arg11 : memref<!tpu.dma_semaphore, #tpu.memory_space<semaphore_mem>>)
    %scan3A_41 = arith.constant 0 : i32
    %scan3A_42 = arith.constant 0 : i32
    %scan3A_43 = arith.constant 20 : i32
    %scan3A_44 = arith.addi %scan3A_42, %scan3A_43 : i32
    %scan3A_45 = arith.constant 1 : i32
    scf.for %scan3A_52 = %scan3A_42 to %scan3A_44 step %scan3A_45  : i32 {
      %mul3A_53 = arith.constant 2 : i32
      %mul3A_54 = arith.muli %scan3A_52, %mul3A_53 : i32
      %add3A_55 = arith.constant 0 : i32
      %add3A_56 = arith.addi %mul3A_54, %add3A_55 : i32
      %add3A_57 = arith.constant 1 : i32
      %add3A_58 = arith.addi %add3A_56, %add3A_57 : i32
      %lt3A = arith.constant 40 : i32
      %lt3A_59 = arith.cmpi slt, %add3A_58, %lt3A : i32
      %convert_element_type3A = arith.extui %lt3A_59 : i1 to i32
      %cond3A = arith.constant 0 : i32
      %cond3A_60 = arith.cmpi ne, %convert_element_type3A, %cond3A : i32
      scf.if %cond3A_60 {
        %add3A_94 = arith.constant 1 : i32
        %add3A_95 = arith.addi %add3A_56, %add3A_94 : i32
        %dma_start3A_96 = arith.constant 1 : i32
        %dma_start3A_97 = arith.constant 0 : i32
        %dma_start3A_98 = arith.constant 0 : i32
        %dma_start3A_99 = tpu.memref_slice %arg9[%dma_start3A_96, %dma_start3A_97, %dma_start3A_98] : memref<2x128x128xf32, #tpu.memory_space<vmem>> -> memref<1x128x128xf32, #tpu.memory_space<vmem>>
        %dma_start3A_100 = tpu.memref_squeeze %dma_start3A_99 : memref<1x128x128xf32, #tpu.memory_space<vmem>> -> memref<128x128xf32, #tpu.memory_space<vmem>>
        %dma_start3A_101 = arith.constant 0 : i32
        %dma_start3A_102 = tpu.memref_slice %arg7[%add3A_95, %dma_start3A_101] : memref<40x128xi32, #tpu.memory_space<vmem>> -> memref<1x128xi32, #tpu.memory_space<vmem>>
        %dma_start3A_103 = tpu.memref_squeeze %dma_start3A_102 : memref<1x128xi32, #tpu.memory_space<vmem>> -> memref<128xi32, #tpu.memory_space<vmem>>
        %dma_start3A_104 = arith.constant 0 : i32
        %dma_start3A_105 = arith.constant 0 : i32
        %dma_start3A_106 = tpu.memref_slice %arg2[%dma_start3A_104, %dma_start3A_105] : memref<10000x128xf32, #tpu.memory_space<hbm>> -> memref<10000x128xf32, #tpu.memory_space<hbm>>
        tpu.enqueue_indirect_dma source(%dma_start3A_106 : memref<10000x128xf32, #tpu.memory_space<hbm>>) target(%dma_start3A_100 : memref<128x128xf32, #tpu.memory_space<vmem>>) offsets(%dma_start3A_103 : memref<128xi32, #tpu.memory_space<vmem>>) semaphore(%arg11 : memref<!tpu.dma_semaphore, #tpu.memory_space<semaphore_mem>>)
      } else {
      }
      %dma_wait3A = arith.constant 0 : i32
      %dma_wait3A_61 = arith.constant 0 : i32
      %dma_wait3A_62 = arith.constant 0 : i32
      %dma_wait3A_63 = tpu.memref_slice %arg9[%dma_wait3A, %dma_wait3A_61, %dma_wait3A_62] : memref<2x128x128xf32, #tpu.memory_space<vmem>> -> memref<1x128x128xf32, #tpu.memory_space<vmem>>
      %dma_wait3A_64 = tpu.memref_squeeze %dma_wait3A_63 : memref<1x128x128xf32, #tpu.memory_space<vmem>> -> memref<128x128xf32, #tpu.memory_space<vmem>>
      %dma_wait3A_65 = arith.constant 0 : i32
      %dma_wait3A_66 = tpu.memref_slice %arg7[%add3A_56, %dma_wait3A_65] : memref<40x128xi32, #tpu.memory_space<vmem>> -> memref<1x128xi32, #tpu.memory_space<vmem>>
      %dma_wait3A_67 = tpu.memref_squeeze %dma_wait3A_66 : memref<1x128xi32, #tpu.memory_space<vmem>> -> memref<128xi32, #tpu.memory_space<vmem>>
      %dma_wait3A_68 = arith.constant 0 : i32
      %dma_wait3A_69 = arith.constant 0 : i32
      %dma_wait3A_70 = tpu.memref_slice %arg2[%dma_wait3A_68, %dma_wait3A_69] : memref<10000x128xf32, #tpu.memory_space<hbm>> -> memref<10000x128xf32, #tpu.memory_space<hbm>>
      tpu.wait_indirect_dma semaphore(%arg11 : memref<!tpu.dma_semaphore, #tpu.memory_space<semaphore_mem>>) src(%dma_wait3A_70 : memref<10000x128xf32, #tpu.memory_space<hbm>>) dst(%dma_wait3A_64 : memref<128x128xf32, #tpu.memory_space<vmem>>)
      %run_scoped3A = arith.constant 0 : i32
      "tpu.region"() ({
        %run_scoped3A_94 = tpu.sem_alloc : memref<!tpu.dma_semaphore, #tpu.memory_space<semaphore_mem>>
        %dma_start3A_95 = arith.constant 0 : i32
        %dma_start3A_96 = arith.constant 0 : i32
        %dma_start3A_97 = tpu.memref_slice %arg9[%run_scoped3A, %dma_start3A_95, %dma_start3A_96] : memref<2x128x128xf32, #tpu.memory_space<vmem>> -> memref<1x128x128xf32, #tpu.memory_space<vmem>>
        %dma_start3A_98 = tpu.memref_squeeze %dma_start3A_97 : memref<1x128x128xf32, #tpu.memory_space<vmem>> -> memref<128x128xf32, #tpu.memory_space<vmem>>
        %dma_start3A_99 = arith.constant 0 : i32
        %dma_start3A_100 = tpu.memref_slice %arg8[%add3A_56, %dma_start3A_99] : memref<40x128xi32, #tpu.memory_space<vmem>> -> memref<1x128xi32, #tpu.memory_space<vmem>>
        %dma_start3A_101 = tpu.memref_squeeze %dma_start3A_100 : memref<1x128xi32, #tpu.memory_space<vmem>> -> memref<128xi32, #tpu.memory_space<vmem>>
        %dma_start3A_102 = arith.constant 0 : i32
        %dma_start3A_103 = arith.constant 0 : i32
        %dma_start3A_104 = tpu.memref_slice %arg10[%dma_start3A_102, %dma_start3A_103] : memref<10112x128xf32, #tpu.memory_space<vmem_shared>> -> memref<10112x128xf32, #tpu.memory_space<vmem_shared>>
        tpu.enqueue_indirect_dma source(%dma_start3A_98 : memref<128x128xf32, #tpu.memory_space<vmem>>) target(%dma_start3A_104 : memref<10112x128xf32, #tpu.memory_space<vmem_shared>>) offsets(%dma_start3A_101 : memref<128xi32, #tpu.memory_space<vmem>>) semaphore(%run_scoped3A_94 : memref<!tpu.dma_semaphore, #tpu.memory_space<semaphore_mem>>) {add = true}
        %dma_wait3A_105 = arith.constant 0 : i32
        %dma_wait3A_106 = arith.constant 0 : i32
        %dma_wait3A_107 = tpu.memref_slice %arg9[%run_scoped3A, %dma_wait3A_105, %dma_wait3A_106] : memref<2x128x128xf32, #tpu.memory_space<vmem>> -> memref<1x128x128xf32, #tpu.memory_space<vmem>>
        %dma_wait3A_108 = tpu.memref_squeeze %dma_wait3A_107 : memref<1x128x128xf32, #tpu.memory_space<vmem>> -> memref<128x128xf32, #tpu.memory_space<vmem>>
        %dma_wait3A_109 = arith.constant 0 : i32
        %dma_wait3A_110 = tpu.memref_slice %arg8[%add3A_56, %dma_wait3A_109] : memref<40x128xi32, #tpu.memory_space<vmem>> -> memref<1x128xi32, #tpu.memory_space<vmem>>
        %dma_wait3A_111 = tpu.memref_squeeze %dma_wait3A_110 : memref<1x128xi32, #tpu.memory_space<vmem>> -> memref<128xi32, #tpu.memory_space<vmem>>
        %dma_wait3A_112 = arith.constant 0 : i32
        %dma_wait3A_113 = arith.constant 0 : i32
        %dma_wait3A_114 = tpu.memref_slice %arg10[%dma_wait3A_112, %dma_wait3A_113] : memref<10112x128xf32, #tpu.memory_space<vmem_shared>> -> memref<10112x128xf32, #tpu.memory_space<vmem_shared>>
        tpu.wait_indirect_dma semaphore(%run_scoped3A_94 : memref<!tpu.dma_semaphore, #tpu.memory_space<semaphore_mem>>) src(%dma_wait3A_108 : memref<128x128xf32, #tpu.memory_space<vmem>>) dst(%dma_wait3A_114 : memref<10112x128xf32, #tpu.memory_space<vmem_shared>>)
        tpu.yield
      }) : () -> ()
      %mul3A_71 = arith.constant 2 : i32
      %mul3A_72 = arith.muli %scan3A_52, %mul3A_71 : i32
      %add3A_73 = arith.constant 1 : i32
      %add3A_74 = arith.addi %mul3A_72, %add3A_73 : i32
      %add3A_75 = arith.constant 1 : i32
      %add3A_76 = arith.addi %add3A_74, %add3A_75 : i32
      %lt3A_77 = arith.constant 40 : i32
      %lt3A_78 = arith.cmpi slt, %add3A_76, %lt3A_77 : i32
      %convert_element_type3A_79 = arith.extui %lt3A_78 : i1 to i32
      %cond3A_80 = arith.constant 0 : i32
      %cond3A_81 = arith.cmpi ne, %convert_element_type3A_79, %cond3A_80 : i32
      scf.if %cond3A_81 {
        %add3A_94 = arith.constant 1 : i32
        %add3A_95 = arith.addi %add3A_74, %add3A_94 : i32
        %dma_start3A_96 = arith.constant 0 : i32
        %dma_start3A_97 = arith.constant 0 : i32
        %dma_start3A_98 = arith.constant 0 : i32
        %dma_start3A_99 = tpu.memref_slice %arg9[%dma_start3A_96, %dma_start3A_97, %dma_start3A_98] : memref<2x128x128xf32, #tpu.memory_space<vmem>> -> memref<1x128x128xf32, #tpu.memory_space<vmem>>
        %dma_start3A_100 = tpu.memref_squeeze %dma_start3A_99 : memref<1x128x128xf32, #tpu.memory_space<vmem>> -> memref<128x128xf32, #tpu.memory_space<vmem>>
        %dma_start3A_101 = arith.constant 0 : i32
        %dma_start3A_102 = tpu.memref_slice %arg7[%add3A_95, %dma_start3A_101] : memref<40x128xi32, #tpu.memory_space<vmem>> -> memref<1x128xi32, #tpu.memory_space<vmem>>
        %dma_start3A_103 = tpu.memref_squeeze %dma_start3A_102 : memref<1x128xi32, #tpu.memory_space<vmem>> -> memref<128xi32, #tpu.memory_space<vmem>>
        %dma_start3A_104 = arith.constant 0 : i32
        %dma_start3A_105 = arith.constant 0 : i32
        %dma_start3A_106 = tpu.memref_slice %arg2[%dma_start3A_104, %dma_start3A_105] : memref<10000x128xf32, #tpu.memory_space<hbm>> -> memref<10000x128xf32, #tpu.memory_space<hbm>>
        tpu.enqueue_indirect_dma source(%dma_start3A_106 : memref<10000x128xf32, #tpu.memory_space<hbm>>) target(%dma_start3A_100 : memref<128x128xf32, #tpu.memory_space<vmem>>) offsets(%dma_start3A_103 : memref<128xi32, #tpu.memory_space<vmem>>) semaphore(%arg11 : memref<!tpu.dma_semaphore, #tpu.memory_space<semaphore_mem>>)
      } else {
      }
      %dma_wait3A_82 = arith.constant 1 : i32
      %dma_wait3A_83 = arith.constant 0 : i32
      %dma_wait3A_84 = arith.constant 0 : i32
      %dma_wait3A_85 = tpu.memref_slice %arg9[%dma_wait3A_82, %dma_wait3A_83, %dma_wait3A_84] : memref<2x128x128xf32, #tpu.memory_space<vmem>> -> memref<1x128x128xf32, #tpu.memory_space<vmem>>
      %dma_wait3A_86 = tpu.memref_squeeze %dma_wait3A_85 : memref<1x128x128xf32, #tpu.memory_space<vmem>> -> memref<128x128xf32, #tpu.memory_space<vmem>>
      %dma_wait3A_87 = arith.constant 0 : i32
      %dma_wait3A_88 = tpu.memref_slice %arg7[%add3A_74, %dma_wait3A_87] : memref<40x128xi32, #tpu.memory_space<vmem>> -> memref<1x128xi32, #tpu.memory_space<vmem>>
      %dma_wait3A_89 = tpu.memref_squeeze %dma_wait3A_88 : memref<1x128xi32, #tpu.memory_space<vmem>> -> memref<128xi32, #tpu.memory_space<vmem>>
      %dma_wait3A_90 = arith.constant 0 : i32
      %dma_wait3A_91 = arith.constant 0 : i32
      %dma_wait3A_92 = tpu.memref_slice %arg2[%dma_wait3A_90, %dma_wait3A_91] : memref<10000x128xf32, #tpu.memory_space<hbm>> -> memref<10000x128xf32, #tpu.memory_space<hbm>>
      tpu.wait_indirect_dma semaphore(%arg11 : memref<!tpu.dma_semaphore, #tpu.memory_space<semaphore_mem>>) src(%dma_wait3A_92 : memref<10000x128xf32, #tpu.memory_space<hbm>>) dst(%dma_wait3A_86 : memref<128x128xf32, #tpu.memory_space<vmem>>)
      %run_scoped3A_93 = arith.constant 1 : i32
      "tpu.region"() ({
        %run_scoped3A_94 = tpu.sem_alloc : memref<!tpu.dma_semaphore, #tpu.memory_space<semaphore_mem>>
        %dma_start3A_95 = arith.constant 0 : i32
        %dma_start3A_96 = arith.constant 0 : i32
        %dma_start3A_97 = tpu.memref_slice %arg9[%run_scoped3A_93, %dma_start3A_95, %dma_start3A_96] : memref<2x128x128xf32, #tpu.memory_space<vmem>> -> memref<1x128x128xf32, #tpu.memory_space<vmem>>
        %dma_start3A_98 = tpu.memref_squeeze %dma_start3A_97 : memref<1x128x128xf32, #tpu.memory_space<vmem>> -> memref<128x128xf32, #tpu.memory_space<vmem>>
        %dma_start3A_99 = arith.constant 0 : i32
        %dma_start3A_100 = tpu.memref_slice %arg8[%add3A_74, %dma_start3A_99] : memref<40x128xi32, #tpu.memory_space<vmem>> -> memref<1x128xi32, #tpu.memory_space<vmem>>
        %dma_start3A_101 = tpu.memref_squeeze %dma_start3A_100 : memref<1x128xi32, #tpu.memory_space<vmem>> -> memref<128xi32, #tpu.memory_space<vmem>>
        %dma_start3A_102 = arith.constant 0 : i32
        %dma_start3A_103 = arith.constant 0 : i32
        %dma_start3A_104 = tpu.memref_slice %arg10[%dma_start3A_102, %dma_start3A_103] : memref<10112x128xf32, #tpu.memory_space<vmem_shared>> -> memref<10112x128xf32, #tpu.memory_space<vmem_shared>>
        tpu.enqueue_indirect_dma source(%dma_start3A_98 : memref<128x128xf32, #tpu.memory_space<vmem>>) target(%dma_start3A_104 : memref<10112x128xf32, #tpu.memory_space<vmem_shared>>) offsets(%dma_start3A_101 : memref<128xi32, #tpu.memory_space<vmem>>) semaphore(%run_scoped3A_94 : memref<!tpu.dma_semaphore, #tpu.memory_space<semaphore_mem>>) {add = true}
        %dma_wait3A_105 = arith.constant 0 : i32
        %dma_wait3A_106 = arith.constant 0 : i32
        %dma_wait3A_107 = tpu.memref_slice %arg9[%run_scoped3A_93, %dma_wait3A_105, %dma_wait3A_106] : memref<2x128x128xf32, #tpu.memory_space<vmem>> -> memref<1x128x128xf32, #tpu.memory_space<vmem>>
        %dma_wait3A_108 = tpu.memref_squeeze %dma_wait3A_107 : memref<1x128x128xf32, #tpu.memory_space<vmem>> -> memref<128x128xf32, #tpu.memory_space<vmem>>
        %dma_wait3A_109 = arith.constant 0 : i32
        %dma_wait3A_110 = tpu.memref_slice %arg8[%add3A_74, %dma_wait3A_109] : memref<40x128xi32, #tpu.memory_space<vmem>> -> memref<1x128xi32, #tpu.memory_space<vmem>>
        %dma_wait3A_111 = tpu.memref_squeeze %dma_wait3A_110 : memref<1x128xi32, #tpu.memory_space<vmem>> -> memref<128xi32, #tpu.memory_space<vmem>>
        %dma_wait3A_112 = arith.constant 0 : i32
        %dma_wait3A_113 = arith.constant 0 : i32
        %dma_wait3A_114 = tpu.memref_slice %arg10[%dma_wait3A_112, %dma_wait3A_113] : memref<10112x128xf32, #tpu.memory_space<vmem_shared>> -> memref<10112x128xf32, #tpu.memory_space<vmem_shared>>
        tpu.wait_indirect_dma semaphore(%run_scoped3A_94 : memref<!tpu.dma_semaphore, #tpu.memory_space<semaphore_mem>>) src(%dma_wait3A_108 : memref<128x128xf32, #tpu.memory_space<vmem>>) dst(%dma_wait3A_114 : memref<10112x128xf32, #tpu.memory_space<vmem_shared>>)
        tpu.yield
      }) : () -> ()
    }
    %scan3A_46 = arith.constant 20 : i32
    %barrier3A_47 = arith.constant 0 : index
    tpu.barrier barrier_id(%barrier3A_47)
    %mul3A_48 = arith.constant 632 : i32
    %mul3A_49 = arith.muli %arg1, %mul3A_48 : i32
    %mul3A_50 = arith.constant 632 : i32
    %mul3A_51 = arith.muli %arg1, %mul3A_50 : i32
    "tpu.region"() ({
      %run_scoped3A = tpu.sem_alloc : memref<!tpu.dma_semaphore, #tpu.memory_space<semaphore_mem>>
      %dma_start3A_52 = arith.constant 0 : i32
      %dma_start3A_53 = tpu.memref_slice %arg6[%arg0, %mul3A_51, %dma_start3A_52] : memref<2x10112x128xf32, #tpu.memory_space<hbm>> -> memref<1x632x128xf32, #tpu.memory_space<hbm>>
      %dma_start3A_54 = tpu.memref_squeeze %dma_start3A_53 : memref<1x632x128xf32, #tpu.memory_space<hbm>> -> memref<632x128xf32, #tpu.memory_space<hbm>>
      %dma_start3A_55 = arith.constant 0 : i32
      %dma_start3A_56 = tpu.memref_slice %arg10[%mul3A_49, %dma_start3A_55] : memref<10112x128xf32, #tpu.memory_space<vmem_shared>> -> memref<632x128xf32, #tpu.memory_space<vmem_shared>>
      tpu.enqueue_dma source(%dma_start3A_56 : memref<632x128xf32, #tpu.memory_space<vmem_shared>>) target(%dma_start3A_54 : memref<632x128xf32, #tpu.memory_space<hbm>>) target_semaphore(%run_scoped3A : memref<!tpu.dma_semaphore, #tpu.memory_space<semaphore_mem>>)
      %dma_wait3A = arith.constant 0 : i32
      %dma_wait3A_57 = tpu.memref_slice %arg6[%arg0, %mul3A_51, %dma_wait3A] : memref<2x10112x128xf32, #tpu.memory_space<hbm>> -> memref<1x632x128xf32, #tpu.memory_space<hbm>>
      %dma_wait3A_58 = tpu.memref_squeeze %dma_wait3A_57 : memref<1x632x128xf32, #tpu.memory_space<hbm>> -> memref<632x128xf32, #tpu.memory_space<hbm>>
      %dma_wait3A_59 = arith.constant 0 : i32
      %dma_wait3A_60 = tpu.memref_slice %arg10[%mul3A_49, %dma_wait3A_59] : memref<10112x128xf32, #tpu.memory_space<vmem_shared>> -> memref<632x128xf32, #tpu.memory_space<vmem_shared>>
      tpu.wait_dma2 semaphore(%run_scoped3A : memref<!tpu.dma_semaphore, #tpu.memory_space<semaphore_mem>>) src(%dma_wait3A_60 : memref<632x128xf32, #tpu.memory_space<vmem_shared>>) dst(%dma_wait3A_58 : memref<632x128xf32, #tpu.memory_space<hbm>>)
      tpu.yield
    }) : () -> ()
    return
  }
}

module attributes {stable_mosaic.version = 14 : i64} {
  func.func @body(%arg0: i32, %arg1: memref<2000x128xf32, #tpu.memory_space<vmem>>, %arg2: memref<128x128xf32, #tpu.memory_space<vmem>>, %arg3: memref<1x128xf32, #tpu.memory_space<vmem>>, %arg4: memref<128x128xf32, #tpu.memory_space<vmem>>, %arg5: memref<2000x128xf32, #tpu.memory_space<vmem>>, %arg6: memref<2000x128xf32, #tpu.memory_space<vmem>>) attributes {dimension_semantics = [#tpu.dimension_semantics<arbitrary>], iteration_bounds = array<i64: 5>, scalar_prefetch = 0 : i64, scratch_operands = 0 : i64, tpu.core_type = #tpu.core_type<tc>, window_params = [{transform_indices = @transform_0, window_bounds = array<i64: 2000, 128>}, {pipeline_mode = #tpu.pipeline_mode<synchronous>, transform_indices = @transform_1, window_bounds = array<i64: 128, 128>}, {pipeline_mode = #tpu.pipeline_mode<synchronous>, transform_indices = @transform_2, window_bounds = array<i64: 1, 128>}, {pipeline_mode = #tpu.pipeline_mode<synchronous>, transform_indices = @transform_3, window_bounds = array<i64: 128, 128>}, {transform_indices = @transform_4, window_bounds = array<i64: 2000, 128>}, {transform_indices = @transform_5, window_bounds = array<i64: 2000, 128>}]} {
    %get3A = arith.constant 0 : index
    %get3A_0 = arith.constant 0 : index
    %get3A_1 = vector.load %arg1[%get3A, %get3A_0] : memref<2000x128xf32, #tpu.memory_space<vmem>>, vector<2000x128xf32>
    %get3A_2 = arith.constant 0 : index
    %get3A_3 = arith.constant 0 : index
    %get3A_4 = vector.load %arg2[%get3A_2, %get3A_3] : memref<128x128xf32, #tpu.memory_space<vmem>>, vector<128x128xf32>
    %dot_general3A = arith.constant dense<0.000000e+00> : vector<2000x128xf32>
    %dot_general3A_5 = tpu.matmul %get3A_1, %get3A_4, %dot_general3A {dimension_numbers = #tpu.dot_dimension_numbers<[1], [0], [0], [1], [0, 0, 1, 1], [], []>, transpose_lhs_hint = false} : vector<2000x128xf32>, vector<128x128xf32>, vector<2000x128xf32> -> vector<2000x128xf32>
    %get3A_6 = arith.constant 0 : index
    %get3A_7 = arith.constant 0 : index
    %get3A_8 = vector.load %arg3[%get3A_6, %get3A_7] : memref<1x128xf32, #tpu.memory_space<vmem>>, vector<1x128xf32>
    %add3A = vector.broadcast %get3A_8 : vector<1x128xf32> to vector<2000x128xf32>
    %add3A_9 = arith.addf %dot_general3A_5, %add3A : vector<2000x128xf32>
    %swap3A = arith.constant 0 : index
    %swap3A_10 = arith.constant 0 : index
    %swap3A_11 = vector.load %arg5[%swap3A, %swap3A_10] : memref<2000x128xf32, #tpu.memory_space<vmem>>, vector<2000x128xf32>
    tpu.vector_store %arg5[%swap3A, %swap3A_10], %add3A_9 {strides = array<i32>} : memref<2000x128xf32, #tpu.memory_space<vmem>>, vector<2000x128xf32>,
    %get3A_12 = arith.constant 0 : index
    %get3A_13 = arith.constant 0 : index
    %get3A_14 = vector.load %arg4[%get3A_12, %get3A_13] : memref<128x128xf32, #tpu.memory_space<vmem>>, vector<128x128xf32>
    %dot_general3A_15 = arith.constant dense<0.000000e+00> : vector<2000x128xf32>
    %dot_general3A_16 = tpu.matmul %get3A_1, %get3A_14, %dot_general3A_15 {dimension_numbers = #tpu.dot_dimension_numbers<[1], [0], [0], [1], [0, 0, 1, 1], [], []>, transpose_lhs_hint = false} : vector<2000x128xf32>, vector<128x128xf32>, vector<2000x128xf32> -> vector<2000x128xf32>
    %swap3A_17 = arith.constant 0 : index
    %swap3A_18 = arith.constant 0 : index
    %swap3A_19 = vector.load %arg6[%swap3A_17, %swap3A_18] : memref<2000x128xf32, #tpu.memory_space<vmem>>, vector<2000x128xf32>
    tpu.vector_store %arg6[%swap3A_17, %swap3A_18], %dot_general3A_16 {strides = array<i32>} : memref<2000x128xf32, #tpu.memory_space<vmem>>, vector<2000x128xf32>,
    return
  }
  func.func @transform_0(%arg0: i32) -> (i32, i32) {
    %c0_i32 = arith.constant 0 : i32
    %c0_i32_0 = arith.constant 0 : i32
    return %arg0, %c0_i32 : i32, i32
  }
  func.func @transform_1(%arg0: i32) -> (i32, i32) {
    %c0_i32 = arith.constant 0 : i32
    %c0_i32_0 = arith.constant 0 : i32
    %c0_i32_1 = arith.constant 0 : i32
    return %c0_i32, %c0_i32_0 : i32, i32
  }
  func.func @transform_2(%arg0: i32) -> (i32, i32) {
    %c0_i32 = arith.constant 0 : i32
    %c0_i32_0 = arith.constant 0 : i32
    %c0_i32_1 = arith.constant 0 : i32
    return %c0_i32, %c0_i32_0 : i32, i32
  }
  func.func @transform_3(%arg0: i32) -> (i32, i32) {
    %c0_i32 = arith.constant 0 : i32
    %c0_i32_0 = arith.constant 0 : i32
    %c0_i32_1 = arith.constant 0 : i32
    return %c0_i32, %c0_i32_0 : i32, i32
  }
  func.func @transform_4(%arg0: i32) -> (i32, i32) {
    %c0_i32 = arith.constant 0 : i32
    %c0_i32_0 = arith.constant 0 : i32
    return %arg0, %c0_i32 : i32, i32
  }
  func.func @transform_5(%arg0: i32) -> (i32, i32) {
    %c0_i32 = arith.constant 0 : i32
    %c0_i32_0 = arith.constant 0 : i32
    return %arg0, %c0_i32 : i32, i32
  }
}

module attributes {stable_mosaic.version = 14 : i64} {
  func.func @body(%arg0: i32, %arg1: memref<16x128xi32, #tpu.memory_space<vmem>>, %arg2: memref<128x128xf32, #tpu.memory_space<vmem>>) attributes {dimension_semantics = [#tpu.dimension_semantics<arbitrary>], iteration_bounds = array<i64: 160>, scalar_prefetch = 0 : i64, scratch_operands = 0 : i64, tpu.core_type = #tpu.core_type<tc>, window_params = [{transform_indices = @transform_0, window_bounds = array<i64: 16, 128>}, {pipeline_mode = #tpu.pipeline_mode<synchronous>, transform_indices = @transform_1, window_bounds = array<i64: 128, 128>}]} {
    %eq3A = arith.constant 0 : i32
    %eq3A_0 = arith.cmpi eq, %arg0, %eq3A : i32
    %convert_element_type3A = arith.extui %eq3A_0 : i1 to i32
    %cond3A = arith.constant 0 : i32
    %cond3A_1 = arith.cmpi ne, %convert_element_type3A, %cond3A : i32
    scf.if %cond3A_1 {
      %broadcast_in_dim3A_786 = arith.constant 0.000000e+00 : f32
      %broadcast_in_dim3A_787 = vector.broadcast %broadcast_in_dim3A_786 : f32 to vector<128x128xf32>
      %swap3A_788 = arith.constant 0 : index
      %swap3A_789 = arith.constant 0 : index
      %swap3A_790 = vector.load %arg2[%swap3A_788, %swap3A_789] : memref<128x128xf32, #tpu.memory_space<vmem>>, vector<128x128xf32>
      tpu.vector_store %arg2[%swap3A_788, %swap3A_789], %broadcast_in_dim3A_787 {strides = array<i32>} : memref<128x128xf32, #tpu.memory_space<vmem>>, vector<128x128xf32>,
    } else {
    }
    %iota3A = tpu.iota {dimensions = array<i32: 0>} : vector<128x128xi32>
    %broadcast_in_dim3A = arith.constant 0.000000e+00 : f32
    %broadcast_in_dim3A_2 = vector.broadcast %broadcast_in_dim3A : f32 to vector<128x128xf32>
    %get3A = arith.constant 0 : index
    %get3A_3 = arith.constant 0 : index
    %get3A_4 = vector.load %arg1[%get3A, %get3A_3] : memref<16x128xi32, #tpu.memory_space<vmem>>, vector<1x128xi32>
    %jit3A = arith.constant 128 : i32
    %div3A = vector.broadcast %jit3A : i32 to vector<1x128xi32>
    %div3A_5 = arith.divsi %get3A_4, %div3A : vector<1x128xi32>
    %sign3A = arith.constant 0 : i32
    %sign3A_6 = vector.broadcast %sign3A : i32 to vector<1x128xi32>
    %sign3A_7 = arith.cmpi sgt, %get3A_4, %sign3A_6 : vector<1x128xi32>
    %sign3A_8 = arith.extui %sign3A_7 : vector<1x128xi1> to vector<1x128xi32>
    %sign3A_9 = arith.constant 0 : i32
    %sign3A_10 = vector.broadcast %sign3A_9 : i32 to vector<1x128xi32>
    %sign3A_11 = arith.cmpi slt, %get3A_4, %sign3A_10 : vector<1x128xi32>
    %sign3A_12 = arith.extui %sign3A_11 : vector<1x128xi1> to vector<1x128xi32>
    %sign3A_13 = arith.subi %sign3A_8, %sign3A_12 : vector<1x128xi32>
    %sign3A_14 = arith.constant 0 : i32
    %sign3A_15 = arith.cmpi sgt, %jit3A, %sign3A_14 : i32
    %sign3A_16 = arith.extui %sign3A_15 : i1 to i32
    %sign3A_17 = arith.constant 0 : i32
    %sign3A_18 = arith.cmpi slt, %jit3A, %sign3A_17 : i32
    %sign3A_19 = arith.extui %sign3A_18 : i1 to i32
    %sign3A_20 = arith.subi %sign3A_16, %sign3A_19 : i32
    %ne3A = vector.broadcast %sign3A_20 : i32 to vector<1x128xi32>
    %ne3A_21 = arith.cmpi ne, %sign3A_13, %ne3A : vector<1x128xi32>
    %rem3A = vector.broadcast %jit3A : i32 to vector<1x128xi32>
    %rem3A_22 = arith.remsi %get3A_4, %rem3A : vector<1x128xi32>
    %ne3A_23 = arith.constant 0 : i32
    %ne3A_24 = vector.broadcast %ne3A_23 : i32 to vector<1x128xi32>
    %ne3A_25 = arith.cmpi ne, %rem3A_22, %ne3A_24 : vector<1x128xi32>
    %and3A = arith.andi %ne3A_21, %ne3A_25 : vector<1x128xi1>
    %sub3A = arith.constant 1 : i32
    %sub3A_26 = vector.broadcast %sub3A : i32 to vector<1x128xi32>
    %sub3A_27 = arith.subi %div3A_5, %sub3A_26 : vector<1x128xi32>
    %select_n3A = arith.select %and3A, %sub3A_27, %div3A_5 : vector<1x128xi1>, vector<1x128xi32>
    %mul3A = arith.constant 128 : i32
    %mul3A_28 = vector.broadcast %mul3A : i32 to vector<1x128xi32>
    %mul3A_29 = arith.muli %select_n3A, %mul3A_28 : vector<1x128xi32>
    %sub3A_30 = arith.subi %get3A_4, %mul3A_29 : vector<1x128xi32>
    %eq3A_31 = vector.broadcast %select_n3A : vector<1x128xi32> to vector<128x128xi32>
    %eq3A_32 = arith.cmpi eq, %eq3A_31, %iota3A : vector<128x128xi32>
    %convert_element_type3A_33 = arith.extui %eq3A_32 : vector<128x128xi1> to vector<128x128xi32>
    %convert_element_type3A_34 = arith.sitofp %convert_element_type3A_33 : vector<128x128xi32> to vector<128x128xf32>
    %eq3A_35 = vector.broadcast %sub3A_30 : vector<1x128xi32> to vector<128x128xi32>
    %eq3A_36 = arith.cmpi eq, %eq3A_35, %iota3A : vector<128x128xi32>
    %convert_element_type3A_37 = arith.extui %eq3A_36 : vector<128x128xi1> to vector<128x128xi32>
    %convert_element_type3A_38 = arith.sitofp %convert_element_type3A_37 : vector<128x128xi32> to vector<128x128xf32>
    %dot_general3A = arith.constant dense<0.000000e+00> : vector<128x128xf32>
    %dot_general3A_39 = tpu.matmul %convert_element_type3A_34, %convert_element_type3A_38, %dot_general3A {dimension_numbers = #tpu.dot_dimension_numbers<[1], [1], [0], [0], [0, 0, 1, 0], [], []>, transpose_lhs_hint = false} : vector<128x128xf32>, vector<128x128xf32>, vector<128x128xf32> -> vector<128x128xf32>
    %add3A = arith.addf %broadcast_in_dim3A_2, %dot_general3A_39 : vector<128x128xf32>
    %get3A_40 = arith.constant 1 : index
    %get3A_41 = arith.constant 0 : index
    %get3A_42 = vector.load %arg1[%get3A_40, %get3A_41] : memref<16x128xi32, #tpu.memory_space<vmem>>, vector<1x128xi32>
    %jit3A_43 = arith.constant 128 : i32
    %div3A_44 = vector.broadcast %jit3A_43 : i32 to vector<1x128xi32>
    %div3A_45 = arith.divsi %get3A_42, %div3A_44 : vector<1x128xi32>
    %sign3A_46 = arith.constant 0 : i32
    %sign3A_47 = vector.broadcast %sign3A_46 : i32 to vector<1x128xi32>
    %sign3A_48 = arith.cmpi sgt, %get3A_42, %sign3A_47 : vector<1x128xi32>
    %sign3A_49 = arith.extui %sign3A_48 : vector<1x128xi1> to vector<1x128xi32>
    %sign3A_50 = arith.constant 0 : i32
    %sign3A_51 = vector.broadcast %sign3A_50 : i32 to vector<1x128xi32>
    %sign3A_52 = arith.cmpi slt, %get3A_42, %sign3A_51 : vector<1x128xi32>
    %sign3A_53 = arith.extui %sign3A_52 : vector<1x128xi1> to vector<1x128xi32>
    %sign3A_54 = arith.subi %sign3A_49, %sign3A_53 : vector<1x128xi32>
    %sign3A_55 = arith.constant 0 : i32
    %sign3A_56 = arith.cmpi sgt, %jit3A_43, %sign3A_55 : i32
    %sign3A_57 = arith.extui %sign3A_56 : i1 to i32
    %sign3A_58 = arith.constant 0 : i32
    %sign3A_59 = arith.cmpi slt, %jit3A_43, %sign3A_58 : i32
    %sign3A_60 = arith.extui %sign3A_59 : i1 to i32
    %sign3A_61 = arith.subi %sign3A_57, %sign3A_60 : i32
    %ne3A_62 = vector.broadcast %sign3A_61 : i32 to vector<1x128xi32>
    %ne3A_63 = arith.cmpi ne, %sign3A_54, %ne3A_62 : vector<1x128xi32>
    %rem3A_64 = vector.broadcast %jit3A_43 : i32 to vector<1x128xi32>
    %rem3A_65 = arith.remsi %get3A_42, %rem3A_64 : vector<1x128xi32>
    %ne3A_66 = arith.constant 0 : i32
    %ne3A_67 = vector.broadcast %ne3A_66 : i32 to vector<1x128xi32>
    %ne3A_68 = arith.cmpi ne, %rem3A_65, %ne3A_67 : vector<1x128xi32>
    %and3A_69 = arith.andi %ne3A_63, %ne3A_68 : vector<1x128xi1>
    %sub3A_70 = arith.constant 1 : i32
    %sub3A_71 = vector.broadcast %sub3A_70 : i32 to vector<1x128xi32>
    %sub3A_72 = arith.subi %div3A_45, %sub3A_71 : vector<1x128xi32>
    %select_n3A_73 = arith.select %and3A_69, %sub3A_72, %div3A_45 : vector<1x128xi1>, vector<1x128xi32>
    %mul3A_74 = arith.constant 128 : i32
    %mul3A_75 = vector.broadcast %mul3A_74 : i32 to vector<1x128xi32>
    %mul3A_76 = arith.muli %select_n3A_73, %mul3A_75 : vector<1x128xi32>
    %sub3A_77 = arith.subi %get3A_42, %mul3A_76 : vector<1x128xi32>
    %eq3A_78 = vector.broadcast %select_n3A_73 : vector<1x128xi32> to vector<128x128xi32>
    %eq3A_79 = arith.cmpi eq, %eq3A_78, %iota3A : vector<128x128xi32>
    %convert_element_type3A_80 = arith.extui %eq3A_79 : vector<128x128xi1> to vector<128x128xi32>
    %convert_element_type3A_81 = arith.sitofp %convert_element_type3A_80 : vector<128x128xi32> to vector<128x128xf32>
    %eq3A_82 = vector.broadcast %sub3A_77 : vector<1x128xi32> to vector<128x128xi32>
    %eq3A_83 = arith.cmpi eq, %eq3A_82, %iota3A : vector<128x128xi32>
    %convert_element_type3A_84 = arith.extui %eq3A_83 : vector<128x128xi1> to vector<128x128xi32>
    %convert_element_type3A_85 = arith.sitofp %convert_element_type3A_84 : vector<128x128xi32> to vector<128x128xf32>
    %dot_general3A_86 = arith.constant dense<0.000000e+00> : vector<128x128xf32>
    %dot_general3A_87 = tpu.matmul %convert_element_type3A_81, %convert_element_type3A_85, %dot_general3A_86 {dimension_numbers = #tpu.dot_dimension_numbers<[1], [1], [0], [0], [0, 0, 1, 0], [], []>, transpose_lhs_hint = false} : vector<128x128xf32>, vector<128x128xf32>, vector<128x128xf32> -> vector<128x128xf32>
    %add3A_88 = arith.addf %add3A, %dot_general3A_87 : vector<128x128xf32>
    %get3A_89 = arith.constant 2 : index
    %get3A_90 = arith.constant 0 : index
    %get3A_91 = vector.load %arg1[%get3A_89, %get3A_90] : memref<16x128xi32, #tpu.memory_space<vmem>>, vector<1x128xi32>
    %jit3A_92 = arith.constant 128 : i32
    %div3A_93 = vector.broadcast %jit3A_92 : i32 to vector<1x128xi32>
    %div3A_94 = arith.divsi %get3A_91, %div3A_93 : vector<1x128xi32>
    %sign3A_95 = arith.constant 0 : i32
    %sign3A_96 = vector.broadcast %sign3A_95 : i32 to vector<1x128xi32>
    %sign3A_97 = arith.cmpi sgt, %get3A_91, %sign3A_96 : vector<1x128xi32>
    %sign3A_98 = arith.extui %sign3A_97 : vector<1x128xi1> to vector<1x128xi32>
    %sign3A_99 = arith.constant 0 : i32
    %sign3A_100 = vector.broadcast %sign3A_99 : i32 to vector<1x128xi32>
    %sign3A_101 = arith.cmpi slt, %get3A_91, %sign3A_100 : vector<1x128xi32>
    %sign3A_102 = arith.extui %sign3A_101 : vector<1x128xi1> to vector<1x128xi32>
    %sign3A_103 = arith.subi %sign3A_98, %sign3A_102 : vector<1x128xi32>
    %sign3A_104 = arith.constant 0 : i32
    %sign3A_105 = arith.cmpi sgt, %jit3A_92, %sign3A_104 : i32
    %sign3A_106 = arith.extui %sign3A_105 : i1 to i32
    %sign3A_107 = arith.constant 0 : i32
    %sign3A_108 = arith.cmpi slt, %jit3A_92, %sign3A_107 : i32
    %sign3A_109 = arith.extui %sign3A_108 : i1 to i32
    %sign3A_110 = arith.subi %sign3A_106, %sign3A_109 : i32
    %ne3A_111 = vector.broadcast %sign3A_110 : i32 to vector<1x128xi32>
    %ne3A_112 = arith.cmpi ne, %sign3A_103, %ne3A_111 : vector<1x128xi32>
    %rem3A_113 = vector.broadcast %jit3A_92 : i32 to vector<1x128xi32>
    %rem3A_114 = arith.remsi %get3A_91, %rem3A_113 : vector<1x128xi32>
    %ne3A_115 = arith.constant 0 : i32
    %ne3A_116 = vector.broadcast %ne3A_115 : i32 to vector<1x128xi32>
    %ne3A_117 = arith.cmpi ne, %rem3A_114, %ne3A_116 : vector<1x128xi32>
    %and3A_118 = arith.andi %ne3A_112, %ne3A_117 : vector<1x128xi1>
    %sub3A_119 = arith.constant 1 : i32
    %sub3A_120 = vector.broadcast %sub3A_119 : i32 to vector<1x128xi32>
    %sub3A_121 = arith.subi %div3A_94, %sub3A_120 : vector<1x128xi32>
    %select_n3A_122 = arith.select %and3A_118, %sub3A_121, %div3A_94 : vector<1x128xi1>, vector<1x128xi32>
    %mul3A_123 = arith.constant 128 : i32
    %mul3A_124 = vector.broadcast %mul3A_123 : i32 to vector<1x128xi32>
    %mul3A_125 = arith.muli %select_n3A_122, %mul3A_124 : vector<1x128xi32>
    %sub3A_126 = arith.subi %get3A_91, %mul3A_125 : vector<1x128xi32>
    %eq3A_127 = vector.broadcast %select_n3A_122 : vector<1x128xi32> to vector<128x128xi32>
    %eq3A_128 = arith.cmpi eq, %eq3A_127, %iota3A : vector<128x128xi32>
    %convert_element_type3A_129 = arith.extui %eq3A_128 : vector<128x128xi1> to vector<128x128xi32>
    %convert_element_type3A_130 = arith.sitofp %convert_element_type3A_129 : vector<128x128xi32> to vector<128x128xf32>
    %eq3A_131 = vector.broadcast %sub3A_126 : vector<1x128xi32> to vector<128x128xi32>
    %eq3A_132 = arith.cmpi eq, %eq3A_131, %iota3A : vector<128x128xi32>
    %convert_element_type3A_133 = arith.extui %eq3A_132 : vector<128x128xi1> to vector<128x128xi32>
    %convert_element_type3A_134 = arith.sitofp %convert_element_type3A_133 : vector<128x128xi32> to vector<128x128xf32>
    %dot_general3A_135 = arith.constant dense<0.000000e+00> : vector<128x128xf32>
    %dot_general3A_136 = tpu.matmul %convert_element_type3A_130, %convert_element_type3A_134, %dot_general3A_135 {dimension_numbers = #tpu.dot_dimension_numbers<[1], [1], [0], [0], [0, 0, 1, 0], [], []>, transpose_lhs_hint = false} : vector<128x128xf32>, vector<128x128xf32>, vector<128x128xf32> -> vector<128x128xf32>
    %add3A_137 = arith.addf %add3A_88, %dot_general3A_136 : vector<128x128xf32>
    %get3A_138 = arith.constant 3 : index
    %get3A_139 = arith.constant 0 : index
    %get3A_140 = vector.load %arg1[%get3A_138, %get3A_139] : memref<16x128xi32, #tpu.memory_space<vmem>>, vector<1x128xi32>
    %jit3A_141 = arith.constant 128 : i32
    %div3A_142 = vector.broadcast %jit3A_141 : i32 to vector<1x128xi32>
    %div3A_143 = arith.divsi %get3A_140, %div3A_142 : vector<1x128xi32>
    %sign3A_144 = arith.constant 0 : i32
    %sign3A_145 = vector.broadcast %sign3A_144 : i32 to vector<1x128xi32>
    %sign3A_146 = arith.cmpi sgt, %get3A_140, %sign3A_145 : vector<1x128xi32>
    %sign3A_147 = arith.extui %sign3A_146 : vector<1x128xi1> to vector<1x128xi32>
    %sign3A_148 = arith.constant 0 : i32
    %sign3A_149 = vector.broadcast %sign3A_148 : i32 to vector<1x128xi32>
    %sign3A_150 = arith.cmpi slt, %get3A_140, %sign3A_149 : vector<1x128xi32>
    %sign3A_151 = arith.extui %sign3A_150 : vector<1x128xi1> to vector<1x128xi32>
    %sign3A_152 = arith.subi %sign3A_147, %sign3A_151 : vector<1x128xi32>
    %sign3A_153 = arith.constant 0 : i32
    %sign3A_154 = arith.cmpi sgt, %jit3A_141, %sign3A_153 : i32
    %sign3A_155 = arith.extui %sign3A_154 : i1 to i32
    %sign3A_156 = arith.constant 0 : i32
    %sign3A_157 = arith.cmpi slt, %jit3A_141, %sign3A_156 : i32
    %sign3A_158 = arith.extui %sign3A_157 : i1 to i32
    %sign3A_159 = arith.subi %sign3A_155, %sign3A_158 : i32
    %ne3A_160 = vector.broadcast %sign3A_159 : i32 to vector<1x128xi32>
    %ne3A_161 = arith.cmpi ne, %sign3A_152, %ne3A_160 : vector<1x128xi32>
    %rem3A_162 = vector.broadcast %jit3A_141 : i32 to vector<1x128xi32>
    %rem3A_163 = arith.remsi %get3A_140, %rem3A_162 : vector<1x128xi32>
    %ne3A_164 = arith.constant 0 : i32
    %ne3A_165 = vector.broadcast %ne3A_164 : i32 to vector<1x128xi32>
    %ne3A_166 = arith.cmpi ne, %rem3A_163, %ne3A_165 : vector<1x128xi32>
    %and3A_167 = arith.andi %ne3A_161, %ne3A_166 : vector<1x128xi1>
    %sub3A_168 = arith.constant 1 : i32
    %sub3A_169 = vector.broadcast %sub3A_168 : i32 to vector<1x128xi32>
    %sub3A_170 = arith.subi %div3A_143, %sub3A_169 : vector<1x128xi32>
    %select_n3A_171 = arith.select %and3A_167, %sub3A_170, %div3A_143 : vector<1x128xi1>, vector<1x128xi32>
    %mul3A_172 = arith.constant 128 : i32
    %mul3A_173 = vector.broadcast %mul3A_172 : i32 to vector<1x128xi32>
    %mul3A_174 = arith.muli %select_n3A_171, %mul3A_173 : vector<1x128xi32>
    %sub3A_175 = arith.subi %get3A_140, %mul3A_174 : vector<1x128xi32>
    %eq3A_176 = vector.broadcast %select_n3A_171 : vector<1x128xi32> to vector<128x128xi32>
    %eq3A_177 = arith.cmpi eq, %eq3A_176, %iota3A : vector<128x128xi32>
    %convert_element_type3A_178 = arith.extui %eq3A_177 : vector<128x128xi1> to vector<128x128xi32>
    %convert_element_type3A_179 = arith.sitofp %convert_element_type3A_178 : vector<128x128xi32> to vector<128x128xf32>
    %eq3A_180 = vector.broadcast %sub3A_175 : vector<1x128xi32> to vector<128x128xi32>
    %eq3A_181 = arith.cmpi eq, %eq3A_180, %iota3A : vector<128x128xi32>
    %convert_element_type3A_182 = arith.extui %eq3A_181 : vector<128x128xi1> to vector<128x128xi32>
    %convert_element_type3A_183 = arith.sitofp %convert_element_type3A_182 : vector<128x128xi32> to vector<128x128xf32>
    %dot_general3A_184 = arith.constant dense<0.000000e+00> : vector<128x128xf32>
    %dot_general3A_185 = tpu.matmul %convert_element_type3A_179, %convert_element_type3A_183, %dot_general3A_184 {dimension_numbers = #tpu.dot_dimension_numbers<[1], [1], [0], [0], [0, 0, 1, 0], [], []>, transpose_lhs_hint = false} : vector<128x128xf32>, vector<128x128xf32>, vector<128x128xf32> -> vector<128x128xf32>
    %add3A_186 = arith.addf %add3A_137, %dot_general3A_185 : vector<128x128xf32>
    %get3A_187 = arith.constant 4 : index
    %get3A_188 = arith.constant 0 : index
    %get3A_189 = vector.load %arg1[%get3A_187, %get3A_188] : memref<16x128xi32, #tpu.memory_space<vmem>>, vector<1x128xi32>
    %jit3A_190 = arith.constant 128 : i32
    %div3A_191 = vector.broadcast %jit3A_190 : i32 to vector<1x128xi32>
    %div3A_192 = arith.divsi %get3A_189, %div3A_191 : vector<1x128xi32>
    %sign3A_193 = arith.constant 0 : i32
    %sign3A_194 = vector.broadcast %sign3A_193 : i32 to vector<1x128xi32>
    %sign3A_195 = arith.cmpi sgt, %get3A_189, %sign3A_194 : vector<1x128xi32>
    %sign3A_196 = arith.extui %sign3A_195 : vector<1x128xi1> to vector<1x128xi32>
    %sign3A_197 = arith.constant 0 : i32
    %sign3A_198 = vector.broadcast %sign3A_197 : i32 to vector<1x128xi32>
    %sign3A_199 = arith.cmpi slt, %get3A_189, %sign3A_198 : vector<1x128xi32>
    %sign3A_200 = arith.extui %sign3A_199 : vector<1x128xi1> to vector<1x128xi32>
    %sign3A_201 = arith.subi %sign3A_196, %sign3A_200 : vector<1x128xi32>
    %sign3A_202 = arith.constant 0 : i32
    %sign3A_203 = arith.cmpi sgt, %jit3A_190, %sign3A_202 : i32
    %sign3A_204 = arith.extui %sign3A_203 : i1 to i32
    %sign3A_205 = arith.constant 0 : i32
    %sign3A_206 = arith.cmpi slt, %jit3A_190, %sign3A_205 : i32
    %sign3A_207 = arith.extui %sign3A_206 : i1 to i32
    %sign3A_208 = arith.subi %sign3A_204, %sign3A_207 : i32
    %ne3A_209 = vector.broadcast %sign3A_208 : i32 to vector<1x128xi32>
    %ne3A_210 = arith.cmpi ne, %sign3A_201, %ne3A_209 : vector<1x128xi32>
    %rem3A_211 = vector.broadcast %jit3A_190 : i32 to vector<1x128xi32>
    %rem3A_212 = arith.remsi %get3A_189, %rem3A_211 : vector<1x128xi32>
    %ne3A_213 = arith.constant 0 : i32
    %ne3A_214 = vector.broadcast %ne3A_213 : i32 to vector<1x128xi32>
    %ne3A_215 = arith.cmpi ne, %rem3A_212, %ne3A_214 : vector<1x128xi32>
    %and3A_216 = arith.andi %ne3A_210, %ne3A_215 : vector<1x128xi1>
    %sub3A_217 = arith.constant 1 : i32
    %sub3A_218 = vector.broadcast %sub3A_217 : i32 to vector<1x128xi32>
    %sub3A_219 = arith.subi %div3A_192, %sub3A_218 : vector<1x128xi32>
    %select_n3A_220 = arith.select %and3A_216, %sub3A_219, %div3A_192 : vector<1x128xi1>, vector<1x128xi32>
    %mul3A_221 = arith.constant 128 : i32
    %mul3A_222 = vector.broadcast %mul3A_221 : i32 to vector<1x128xi32>
    %mul3A_223 = arith.muli %select_n3A_220, %mul3A_222 : vector<1x128xi32>
    %sub3A_224 = arith.subi %get3A_189, %mul3A_223 : vector<1x128xi32>
    %eq3A_225 = vector.broadcast %select_n3A_220 : vector<1x128xi32> to vector<128x128xi32>
    %eq3A_226 = arith.cmpi eq, %eq3A_225, %iota3A : vector<128x128xi32>
    %convert_element_type3A_227 = arith.extui %eq3A_226 : vector<128x128xi1> to vector<128x128xi32>
    %convert_element_type3A_228 = arith.sitofp %convert_element_type3A_227 : vector<128x128xi32> to vector<128x128xf32>
    %eq3A_229 = vector.broadcast %sub3A_224 : vector<1x128xi32> to vector<128x128xi32>
    %eq3A_230 = arith.cmpi eq, %eq3A_229, %iota3A : vector<128x128xi32>
    %convert_element_type3A_231 = arith.extui %eq3A_230 : vector<128x128xi1> to vector<128x128xi32>
    %convert_element_type3A_232 = arith.sitofp %convert_element_type3A_231 : vector<128x128xi32> to vector<128x128xf32>
    %dot_general3A_233 = arith.constant dense<0.000000e+00> : vector<128x128xf32>
    %dot_general3A_234 = tpu.matmul %convert_element_type3A_228, %convert_element_type3A_232, %dot_general3A_233 {dimension_numbers = #tpu.dot_dimension_numbers<[1], [1], [0], [0], [0, 0, 1, 0], [], []>, transpose_lhs_hint = false} : vector<128x128xf32>, vector<128x128xf32>, vector<128x128xf32> -> vector<128x128xf32>
    %add3A_235 = arith.addf %add3A_186, %dot_general3A_234 : vector<128x128xf32>
    %get3A_236 = arith.constant 5 : index
    %get3A_237 = arith.constant 0 : index
    %get3A_238 = vector.load %arg1[%get3A_236, %get3A_237] : memref<16x128xi32, #tpu.memory_space<vmem>>, vector<1x128xi32>
    %jit3A_239 = arith.constant 128 : i32
    %div3A_240 = vector.broadcast %jit3A_239 : i32 to vector<1x128xi32>
    %div3A_241 = arith.divsi %get3A_238, %div3A_240 : vector<1x128xi32>
    %sign3A_242 = arith.constant 0 : i32
    %sign3A_243 = vector.broadcast %sign3A_242 : i32 to vector<1x128xi32>
    %sign3A_244 = arith.cmpi sgt, %get3A_238, %sign3A_243 : vector<1x128xi32>
    %sign3A_245 = arith.extui %sign3A_244 : vector<1x128xi1> to vector<1x128xi32>
    %sign3A_246 = arith.constant 0 : i32
    %sign3A_247 = vector.broadcast %sign3A_246 : i32 to vector<1x128xi32>
    %sign3A_248 = arith.cmpi slt, %get3A_238, %sign3A_247 : vector<1x128xi32>
    %sign3A_249 = arith.extui %sign3A_248 : vector<1x128xi1> to vector<1x128xi32>
    %sign3A_250 = arith.subi %sign3A_245, %sign3A_249 : vector<1x128xi32>
    %sign3A_251 = arith.constant 0 : i32
    %sign3A_252 = arith.cmpi sgt, %jit3A_239, %sign3A_251 : i32
    %sign3A_253 = arith.extui %sign3A_252 : i1 to i32
    %sign3A_254 = arith.constant 0 : i32
    %sign3A_255 = arith.cmpi slt, %jit3A_239, %sign3A_254 : i32
    %sign3A_256 = arith.extui %sign3A_255 : i1 to i32
    %sign3A_257 = arith.subi %sign3A_253, %sign3A_256 : i32
    %ne3A_258 = vector.broadcast %sign3A_257 : i32 to vector<1x128xi32>
    %ne3A_259 = arith.cmpi ne, %sign3A_250, %ne3A_258 : vector<1x128xi32>
    %rem3A_260 = vector.broadcast %jit3A_239 : i32 to vector<1x128xi32>
    %rem3A_261 = arith.remsi %get3A_238, %rem3A_260 : vector<1x128xi32>
    %ne3A_262 = arith.constant 0 : i32
    %ne3A_263 = vector.broadcast %ne3A_262 : i32 to vector<1x128xi32>
    %ne3A_264 = arith.cmpi ne, %rem3A_261, %ne3A_263 : vector<1x128xi32>
    %and3A_265 = arith.andi %ne3A_259, %ne3A_264 : vector<1x128xi1>
    %sub3A_266 = arith.constant 1 : i32
    %sub3A_267 = vector.broadcast %sub3A_266 : i32 to vector<1x128xi32>
    %sub3A_268 = arith.subi %div3A_241, %sub3A_267 : vector<1x128xi32>
    %select_n3A_269 = arith.select %and3A_265, %sub3A_268, %div3A_241 : vector<1x128xi1>, vector<1x128xi32>
    %mul3A_270 = arith.constant 128 : i32
    %mul3A_271 = vector.broadcast %mul3A_270 : i32 to vector<1x128xi32>
    %mul3A_272 = arith.muli %select_n3A_269, %mul3A_271 : vector<1x128xi32>
    %sub3A_273 = arith.subi %get3A_238, %mul3A_272 : vector<1x128xi32>
    %eq3A_274 = vector.broadcast %select_n3A_269 : vector<1x128xi32> to vector<128x128xi32>
    %eq3A_275 = arith.cmpi eq, %eq3A_274, %iota3A : vector<128x128xi32>
    %convert_element_type3A_276 = arith.extui %eq3A_275 : vector<128x128xi1> to vector<128x128xi32>
    %convert_element_type3A_277 = arith.sitofp %convert_element_type3A_276 : vector<128x128xi32> to vector<128x128xf32>
    %eq3A_278 = vector.broadcast %sub3A_273 : vector<1x128xi32> to vector<128x128xi32>
    %eq3A_279 = arith.cmpi eq, %eq3A_278, %iota3A : vector<128x128xi32>
    %convert_element_type3A_280 = arith.extui %eq3A_279 : vector<128x128xi1> to vector<128x128xi32>
    %convert_element_type3A_281 = arith.sitofp %convert_element_type3A_280 : vector<128x128xi32> to vector<128x128xf32>
    %dot_general3A_282 = arith.constant dense<0.000000e+00> : vector<128x128xf32>
    %dot_general3A_283 = tpu.matmul %convert_element_type3A_277, %convert_element_type3A_281, %dot_general3A_282 {dimension_numbers = #tpu.dot_dimension_numbers<[1], [1], [0], [0], [0, 0, 1, 0], [], []>, transpose_lhs_hint = false} : vector<128x128xf32>, vector<128x128xf32>, vector<128x128xf32> -> vector<128x128xf32>
    %add3A_284 = arith.addf %add3A_235, %dot_general3A_283 : vector<128x128xf32>
    %get3A_285 = arith.constant 6 : index
    %get3A_286 = arith.constant 0 : index
    %get3A_287 = vector.load %arg1[%get3A_285, %get3A_286] : memref<16x128xi32, #tpu.memory_space<vmem>>, vector<1x128xi32>
    %jit3A_288 = arith.constant 128 : i32
    %div3A_289 = vector.broadcast %jit3A_288 : i32 to vector<1x128xi32>
    %div3A_290 = arith.divsi %get3A_287, %div3A_289 : vector<1x128xi32>
    %sign3A_291 = arith.constant 0 : i32
    %sign3A_292 = vector.broadcast %sign3A_291 : i32 to vector<1x128xi32>
    %sign3A_293 = arith.cmpi sgt, %get3A_287, %sign3A_292 : vector<1x128xi32>
    %sign3A_294 = arith.extui %sign3A_293 : vector<1x128xi1> to vector<1x128xi32>
    %sign3A_295 = arith.constant 0 : i32
    %sign3A_296 = vector.broadcast %sign3A_295 : i32 to vector<1x128xi32>
    %sign3A_297 = arith.cmpi slt, %get3A_287, %sign3A_296 : vector<1x128xi32>
    %sign3A_298 = arith.extui %sign3A_297 : vector<1x128xi1> to vector<1x128xi32>
    %sign3A_299 = arith.subi %sign3A_294, %sign3A_298 : vector<1x128xi32>
    %sign3A_300 = arith.constant 0 : i32
    %sign3A_301 = arith.cmpi sgt, %jit3A_288, %sign3A_300 : i32
    %sign3A_302 = arith.extui %sign3A_301 : i1 to i32
    %sign3A_303 = arith.constant 0 : i32
    %sign3A_304 = arith.cmpi slt, %jit3A_288, %sign3A_303 : i32
    %sign3A_305 = arith.extui %sign3A_304 : i1 to i32
    %sign3A_306 = arith.subi %sign3A_302, %sign3A_305 : i32
    %ne3A_307 = vector.broadcast %sign3A_306 : i32 to vector<1x128xi32>
    %ne3A_308 = arith.cmpi ne, %sign3A_299, %ne3A_307 : vector<1x128xi32>
    %rem3A_309 = vector.broadcast %jit3A_288 : i32 to vector<1x128xi32>
    %rem3A_310 = arith.remsi %get3A_287, %rem3A_309 : vector<1x128xi32>
    %ne3A_311 = arith.constant 0 : i32
    %ne3A_312 = vector.broadcast %ne3A_311 : i32 to vector<1x128xi32>
    %ne3A_313 = arith.cmpi ne, %rem3A_310, %ne3A_312 : vector<1x128xi32>
    %and3A_314 = arith.andi %ne3A_308, %ne3A_313 : vector<1x128xi1>
    %sub3A_315 = arith.constant 1 : i32
    %sub3A_316 = vector.broadcast %sub3A_315 : i32 to vector<1x128xi32>
    %sub3A_317 = arith.subi %div3A_290, %sub3A_316 : vector<1x128xi32>
    %select_n3A_318 = arith.select %and3A_314, %sub3A_317, %div3A_290 : vector<1x128xi1>, vector<1x128xi32>
    %mul3A_319 = arith.constant 128 : i32
    %mul3A_320 = vector.broadcast %mul3A_319 : i32 to vector<1x128xi32>
    %mul3A_321 = arith.muli %select_n3A_318, %mul3A_320 : vector<1x128xi32>
    %sub3A_322 = arith.subi %get3A_287, %mul3A_321 : vector<1x128xi32>
    %eq3A_323 = vector.broadcast %select_n3A_318 : vector<1x128xi32> to vector<128x128xi32>
    %eq3A_324 = arith.cmpi eq, %eq3A_323, %iota3A : vector<128x128xi32>
    %convert_element_type3A_325 = arith.extui %eq3A_324 : vector<128x128xi1> to vector<128x128xi32>
    %convert_element_type3A_326 = arith.sitofp %convert_element_type3A_325 : vector<128x128xi32> to vector<128x128xf32>
    %eq3A_327 = vector.broadcast %sub3A_322 : vector<1x128xi32> to vector<128x128xi32>
    %eq3A_328 = arith.cmpi eq, %eq3A_327, %iota3A : vector<128x128xi32>
    %convert_element_type3A_329 = arith.extui %eq3A_328 : vector<128x128xi1> to vector<128x128xi32>
    %convert_element_type3A_330 = arith.sitofp %convert_element_type3A_329 : vector<128x128xi32> to vector<128x128xf32>
    %dot_general3A_331 = arith.constant dense<0.000000e+00> : vector<128x128xf32>
    %dot_general3A_332 = tpu.matmul %convert_element_type3A_326, %convert_element_type3A_330, %dot_general3A_331 {dimension_numbers = #tpu.dot_dimension_numbers<[1], [1], [0], [0], [0, 0, 1, 0], [], []>, transpose_lhs_hint = false} : vector<128x128xf32>, vector<128x128xf32>, vector<128x128xf32> -> vector<128x128xf32>
    %add3A_333 = arith.addf %add3A_284, %dot_general3A_332 : vector<128x128xf32>
    %get3A_334 = arith.constant 7 : index
    %get3A_335 = arith.constant 0 : index
    %get3A_336 = vector.load %arg1[%get3A_334, %get3A_335] : memref<16x128xi32, #tpu.memory_space<vmem>>, vector<1x128xi32>
    %jit3A_337 = arith.constant 128 : i32
    %div3A_338 = vector.broadcast %jit3A_337 : i32 to vector<1x128xi32>
    %div3A_339 = arith.divsi %get3A_336, %div3A_338 : vector<1x128xi32>
    %sign3A_340 = arith.constant 0 : i32
    %sign3A_341 = vector.broadcast %sign3A_340 : i32 to vector<1x128xi32>
    %sign3A_342 = arith.cmpi sgt, %get3A_336, %sign3A_341 : vector<1x128xi32>
    %sign3A_343 = arith.extui %sign3A_342 : vector<1x128xi1> to vector<1x128xi32>
    %sign3A_344 = arith.constant 0 : i32
    %sign3A_345 = vector.broadcast %sign3A_344 : i32 to vector<1x128xi32>
    %sign3A_346 = arith.cmpi slt, %get3A_336, %sign3A_345 : vector<1x128xi32>
    %sign3A_347 = arith.extui %sign3A_346 : vector<1x128xi1> to vector<1x128xi32>
    %sign3A_348 = arith.subi %sign3A_343, %sign3A_347 : vector<1x128xi32>
    %sign3A_349 = arith.constant 0 : i32
    %sign3A_350 = arith.cmpi sgt, %jit3A_337, %sign3A_349 : i32
    %sign3A_351 = arith.extui %sign3A_350 : i1 to i32
    %sign3A_352 = arith.constant 0 : i32
    %sign3A_353 = arith.cmpi slt, %jit3A_337, %sign3A_352 : i32
    %sign3A_354 = arith.extui %sign3A_353 : i1 to i32
    %sign3A_355 = arith.subi %sign3A_351, %sign3A_354 : i32
    %ne3A_356 = vector.broadcast %sign3A_355 : i32 to vector<1x128xi32>
    %ne3A_357 = arith.cmpi ne, %sign3A_348, %ne3A_356 : vector<1x128xi32>
    %rem3A_358 = vector.broadcast %jit3A_337 : i32 to vector<1x128xi32>
    %rem3A_359 = arith.remsi %get3A_336, %rem3A_358 : vector<1x128xi32>
    %ne3A_360 = arith.constant 0 : i32
    %ne3A_361 = vector.broadcast %ne3A_360 : i32 to vector<1x128xi32>
    %ne3A_362 = arith.cmpi ne, %rem3A_359, %ne3A_361 : vector<1x128xi32>
    %and3A_363 = arith.andi %ne3A_357, %ne3A_362 : vector<1x128xi1>
    %sub3A_364 = arith.constant 1 : i32
    %sub3A_365 = vector.broadcast %sub3A_364 : i32 to vector<1x128xi32>
    %sub3A_366 = arith.subi %div3A_339, %sub3A_365 : vector<1x128xi32>
    %select_n3A_367 = arith.select %and3A_363, %sub3A_366, %div3A_339 : vector<1x128xi1>, vector<1x128xi32>
    %mul3A_368 = arith.constant 128 : i32
    %mul3A_369 = vector.broadcast %mul3A_368 : i32 to vector<1x128xi32>
    %mul3A_370 = arith.muli %select_n3A_367, %mul3A_369 : vector<1x128xi32>
    %sub3A_371 = arith.subi %get3A_336, %mul3A_370 : vector<1x128xi32>
    %eq3A_372 = vector.broadcast %select_n3A_367 : vector<1x128xi32> to vector<128x128xi32>
    %eq3A_373 = arith.cmpi eq, %eq3A_372, %iota3A : vector<128x128xi32>
    %convert_element_type3A_374 = arith.extui %eq3A_373 : vector<128x128xi1> to vector<128x128xi32>
    %convert_element_type3A_375 = arith.sitofp %convert_element_type3A_374 : vector<128x128xi32> to vector<128x128xf32>
    %eq3A_376 = vector.broadcast %sub3A_371 : vector<1x128xi32> to vector<128x128xi32>
    %eq3A_377 = arith.cmpi eq, %eq3A_376, %iota3A : vector<128x128xi32>
    %convert_element_type3A_378 = arith.extui %eq3A_377 : vector<128x128xi1> to vector<128x128xi32>
    %convert_element_type3A_379 = arith.sitofp %convert_element_type3A_378 : vector<128x128xi32> to vector<128x128xf32>
    %dot_general3A_380 = arith.constant dense<0.000000e+00> : vector<128x128xf32>
    %dot_general3A_381 = tpu.matmul %convert_element_type3A_375, %convert_element_type3A_379, %dot_general3A_380 {dimension_numbers = #tpu.dot_dimension_numbers<[1], [1], [0], [0], [0, 0, 1, 0], [], []>, transpose_lhs_hint = false} : vector<128x128xf32>, vector<128x128xf32>, vector<128x128xf32> -> vector<128x128xf32>
    %add3A_382 = arith.addf %add3A_333, %dot_general3A_381 : vector<128x128xf32>
    %get3A_383 = arith.constant 8 : index
    %get3A_384 = arith.constant 0 : index
    %get3A_385 = vector.load %arg1[%get3A_383, %get3A_384] : memref<16x128xi32, #tpu.memory_space<vmem>>, vector<1x128xi32>
    %jit3A_386 = arith.constant 128 : i32
    %div3A_387 = vector.broadcast %jit3A_386 : i32 to vector<1x128xi32>
    %div3A_388 = arith.divsi %get3A_385, %div3A_387 : vector<1x128xi32>
    %sign3A_389 = arith.constant 0 : i32
    %sign3A_390 = vector.broadcast %sign3A_389 : i32 to vector<1x128xi32>
    %sign3A_391 = arith.cmpi sgt, %get3A_385, %sign3A_390 : vector<1x128xi32>
    %sign3A_392 = arith.extui %sign3A_391 : vector<1x128xi1> to vector<1x128xi32>
    %sign3A_393 = arith.constant 0 : i32
    %sign3A_394 = vector.broadcast %sign3A_393 : i32 to vector<1x128xi32>
    %sign3A_395 = arith.cmpi slt, %get3A_385, %sign3A_394 : vector<1x128xi32>
    %sign3A_396 = arith.extui %sign3A_395 : vector<1x128xi1> to vector<1x128xi32>
    %sign3A_397 = arith.subi %sign3A_392, %sign3A_396 : vector<1x128xi32>
    %sign3A_398 = arith.constant 0 : i32
    %sign3A_399 = arith.cmpi sgt, %jit3A_386, %sign3A_398 : i32
    %sign3A_400 = arith.extui %sign3A_399 : i1 to i32
    %sign3A_401 = arith.constant 0 : i32
    %sign3A_402 = arith.cmpi slt, %jit3A_386, %sign3A_401 : i32
    %sign3A_403 = arith.extui %sign3A_402 : i1 to i32
    %sign3A_404 = arith.subi %sign3A_400, %sign3A_403 : i32
    %ne3A_405 = vector.broadcast %sign3A_404 : i32 to vector<1x128xi32>
    %ne3A_406 = arith.cmpi ne, %sign3A_397, %ne3A_405 : vector<1x128xi32>
    %rem3A_407 = vector.broadcast %jit3A_386 : i32 to vector<1x128xi32>
    %rem3A_408 = arith.remsi %get3A_385, %rem3A_407 : vector<1x128xi32>
    %ne3A_409 = arith.constant 0 : i32
    %ne3A_410 = vector.broadcast %ne3A_409 : i32 to vector<1x128xi32>
    %ne3A_411 = arith.cmpi ne, %rem3A_408, %ne3A_410 : vector<1x128xi32>
    %and3A_412 = arith.andi %ne3A_406, %ne3A_411 : vector<1x128xi1>
    %sub3A_413 = arith.constant 1 : i32
    %sub3A_414 = vector.broadcast %sub3A_413 : i32 to vector<1x128xi32>
    %sub3A_415 = arith.subi %div3A_388, %sub3A_414 : vector<1x128xi32>
    %select_n3A_416 = arith.select %and3A_412, %sub3A_415, %div3A_388 : vector<1x128xi1>, vector<1x128xi32>
    %mul3A_417 = arith.constant 128 : i32
    %mul3A_418 = vector.broadcast %mul3A_417 : i32 to vector<1x128xi32>
    %mul3A_419 = arith.muli %select_n3A_416, %mul3A_418 : vector<1x128xi32>
    %sub3A_420 = arith.subi %get3A_385, %mul3A_419 : vector<1x128xi32>
    %eq3A_421 = vector.broadcast %select_n3A_416 : vector<1x128xi32> to vector<128x128xi32>
    %eq3A_422 = arith.cmpi eq, %eq3A_421, %iota3A : vector<128x128xi32>
    %convert_element_type3A_423 = arith.extui %eq3A_422 : vector<128x128xi1> to vector<128x128xi32>
    %convert_element_type3A_424 = arith.sitofp %convert_element_type3A_423 : vector<128x128xi32> to vector<128x128xf32>
    %eq3A_425 = vector.broadcast %sub3A_420 : vector<1x128xi32> to vector<128x128xi32>
    %eq3A_426 = arith.cmpi eq, %eq3A_425, %iota3A : vector<128x128xi32>
    %convert_element_type3A_427 = arith.extui %eq3A_426 : vector<128x128xi1> to vector<128x128xi32>
    %convert_element_type3A_428 = arith.sitofp %convert_element_type3A_427 : vector<128x128xi32> to vector<128x128xf32>
    %dot_general3A_429 = arith.constant dense<0.000000e+00> : vector<128x128xf32>
    %dot_general3A_430 = tpu.matmul %convert_element_type3A_424, %convert_element_type3A_428, %dot_general3A_429 {dimension_numbers = #tpu.dot_dimension_numbers<[1], [1], [0], [0], [0, 0, 1, 0], [], []>, transpose_lhs_hint = false} : vector<128x128xf32>, vector<128x128xf32>, vector<128x128xf32> -> vector<128x128xf32>
    %add3A_431 = arith.addf %add3A_382, %dot_general3A_430 : vector<128x128xf32>
    %get3A_432 = arith.constant 9 : index
    %get3A_433 = arith.constant 0 : index
    %get3A_434 = vector.load %arg1[%get3A_432, %get3A_433] : memref<16x128xi32, #tpu.memory_space<vmem>>, vector<1x128xi32>
    %jit3A_435 = arith.constant 128 : i32
    %div3A_436 = vector.broadcast %jit3A_435 : i32 to vector<1x128xi32>
    %div3A_437 = arith.divsi %get3A_434, %div3A_436 : vector<1x128xi32>
    %sign3A_438 = arith.constant 0 : i32
    %sign3A_439 = vector.broadcast %sign3A_438 : i32 to vector<1x128xi32>
    %sign3A_440 = arith.cmpi sgt, %get3A_434, %sign3A_439 : vector<1x128xi32>
    %sign3A_441 = arith.extui %sign3A_440 : vector<1x128xi1> to vector<1x128xi32>
    %sign3A_442 = arith.constant 0 : i32
    %sign3A_443 = vector.broadcast %sign3A_442 : i32 to vector<1x128xi32>
    %sign3A_444 = arith.cmpi slt, %get3A_434, %sign3A_443 : vector<1x128xi32>
    %sign3A_445 = arith.extui %sign3A_444 : vector<1x128xi1> to vector<1x128xi32>
    %sign3A_446 = arith.subi %sign3A_441, %sign3A_445 : vector<1x128xi32>
    %sign3A_447 = arith.constant 0 : i32
    %sign3A_448 = arith.cmpi sgt, %jit3A_435, %sign3A_447 : i32
    %sign3A_449 = arith.extui %sign3A_448 : i1 to i32
    %sign3A_450 = arith.constant 0 : i32
    %sign3A_451 = arith.cmpi slt, %jit3A_435, %sign3A_450 : i32
    %sign3A_452 = arith.extui %sign3A_451 : i1 to i32
    %sign3A_453 = arith.subi %sign3A_449, %sign3A_452 : i32
    %ne3A_454 = vector.broadcast %sign3A_453 : i32 to vector<1x128xi32>
    %ne3A_455 = arith.cmpi ne, %sign3A_446, %ne3A_454 : vector<1x128xi32>
    %rem3A_456 = vector.broadcast %jit3A_435 : i32 to vector<1x128xi32>
    %rem3A_457 = arith.remsi %get3A_434, %rem3A_456 : vector<1x128xi32>
    %ne3A_458 = arith.constant 0 : i32
    %ne3A_459 = vector.broadcast %ne3A_458 : i32 to vector<1x128xi32>
    %ne3A_460 = arith.cmpi ne, %rem3A_457, %ne3A_459 : vector<1x128xi32>
    %and3A_461 = arith.andi %ne3A_455, %ne3A_460 : vector<1x128xi1>
    %sub3A_462 = arith.constant 1 : i32
    %sub3A_463 = vector.broadcast %sub3A_462 : i32 to vector<1x128xi32>
    %sub3A_464 = arith.subi %div3A_437, %sub3A_463 : vector<1x128xi32>
    %select_n3A_465 = arith.select %and3A_461, %sub3A_464, %div3A_437 : vector<1x128xi1>, vector<1x128xi32>
    %mul3A_466 = arith.constant 128 : i32
    %mul3A_467 = vector.broadcast %mul3A_466 : i32 to vector<1x128xi32>
    %mul3A_468 = arith.muli %select_n3A_465, %mul3A_467 : vector<1x128xi32>
    %sub3A_469 = arith.subi %get3A_434, %mul3A_468 : vector<1x128xi32>
    %eq3A_470 = vector.broadcast %select_n3A_465 : vector<1x128xi32> to vector<128x128xi32>
    %eq3A_471 = arith.cmpi eq, %eq3A_470, %iota3A : vector<128x128xi32>
    %convert_element_type3A_472 = arith.extui %eq3A_471 : vector<128x128xi1> to vector<128x128xi32>
    %convert_element_type3A_473 = arith.sitofp %convert_element_type3A_472 : vector<128x128xi32> to vector<128x128xf32>
    %eq3A_474 = vector.broadcast %sub3A_469 : vector<1x128xi32> to vector<128x128xi32>
    %eq3A_475 = arith.cmpi eq, %eq3A_474, %iota3A : vector<128x128xi32>
    %convert_element_type3A_476 = arith.extui %eq3A_475 : vector<128x128xi1> to vector<128x128xi32>
    %convert_element_type3A_477 = arith.sitofp %convert_element_type3A_476 : vector<128x128xi32> to vector<128x128xf32>
    %dot_general3A_478 = arith.constant dense<0.000000e+00> : vector<128x128xf32>
    %dot_general3A_479 = tpu.matmul %convert_element_type3A_473, %convert_element_type3A_477, %dot_general3A_478 {dimension_numbers = #tpu.dot_dimension_numbers<[1], [1], [0], [0], [0, 0, 1, 0], [], []>, transpose_lhs_hint = false} : vector<128x128xf32>, vector<128x128xf32>, vector<128x128xf32> -> vector<128x128xf32>
    %add3A_480 = arith.addf %add3A_431, %dot_general3A_479 : vector<128x128xf32>
    %get3A_481 = arith.constant 10 : index
    %get3A_482 = arith.constant 0 : index
    %get3A_483 = vector.load %arg1[%get3A_481, %get3A_482] : memref<16x128xi32, #tpu.memory_space<vmem>>, vector<1x128xi32>
    %jit3A_484 = arith.constant 128 : i32
    %div3A_485 = vector.broadcast %jit3A_484 : i32 to vector<1x128xi32>
    %div3A_486 = arith.divsi %get3A_483, %div3A_485 : vector<1x128xi32>
    %sign3A_487 = arith.constant 0 : i32
    %sign3A_488 = vector.broadcast %sign3A_487 : i32 to vector<1x128xi32>
    %sign3A_489 = arith.cmpi sgt, %get3A_483, %sign3A_488 : vector<1x128xi32>
    %sign3A_490 = arith.extui %sign3A_489 : vector<1x128xi1> to vector<1x128xi32>
    %sign3A_491 = arith.constant 0 : i32
    %sign3A_492 = vector.broadcast %sign3A_491 : i32 to vector<1x128xi32>
    %sign3A_493 = arith.cmpi slt, %get3A_483, %sign3A_492 : vector<1x128xi32>
    %sign3A_494 = arith.extui %sign3A_493 : vector<1x128xi1> to vector<1x128xi32>
    %sign3A_495 = arith.subi %sign3A_490, %sign3A_494 : vector<1x128xi32>
    %sign3A_496 = arith.constant 0 : i32
    %sign3A_497 = arith.cmpi sgt, %jit3A_484, %sign3A_496 : i32
    %sign3A_498 = arith.extui %sign3A_497 : i1 to i32
    %sign3A_499 = arith.constant 0 : i32
    %sign3A_500 = arith.cmpi slt, %jit3A_484, %sign3A_499 : i32
    %sign3A_501 = arith.extui %sign3A_500 : i1 to i32
    %sign3A_502 = arith.subi %sign3A_498, %sign3A_501 : i32
    %ne3A_503 = vector.broadcast %sign3A_502 : i32 to vector<1x128xi32>
    %ne3A_504 = arith.cmpi ne, %sign3A_495, %ne3A_503 : vector<1x128xi32>
    %rem3A_505 = vector.broadcast %jit3A_484 : i32 to vector<1x128xi32>
    %rem3A_506 = arith.remsi %get3A_483, %rem3A_505 : vector<1x128xi32>
    %ne3A_507 = arith.constant 0 : i32
    %ne3A_508 = vector.broadcast %ne3A_507 : i32 to vector<1x128xi32>
    %ne3A_509 = arith.cmpi ne, %rem3A_506, %ne3A_508 : vector<1x128xi32>
    %and3A_510 = arith.andi %ne3A_504, %ne3A_509 : vector<1x128xi1>
    %sub3A_511 = arith.constant 1 : i32
    %sub3A_512 = vector.broadcast %sub3A_511 : i32 to vector<1x128xi32>
    %sub3A_513 = arith.subi %div3A_486, %sub3A_512 : vector<1x128xi32>
    %select_n3A_514 = arith.select %and3A_510, %sub3A_513, %div3A_486 : vector<1x128xi1>, vector<1x128xi32>
    %mul3A_515 = arith.constant 128 : i32
    %mul3A_516 = vector.broadcast %mul3A_515 : i32 to vector<1x128xi32>
    %mul3A_517 = arith.muli %select_n3A_514, %mul3A_516 : vector<1x128xi32>
    %sub3A_518 = arith.subi %get3A_483, %mul3A_517 : vector<1x128xi32>
    %eq3A_519 = vector.broadcast %select_n3A_514 : vector<1x128xi32> to vector<128x128xi32>
    %eq3A_520 = arith.cmpi eq, %eq3A_519, %iota3A : vector<128x128xi32>
    %convert_element_type3A_521 = arith.extui %eq3A_520 : vector<128x128xi1> to vector<128x128xi32>
    %convert_element_type3A_522 = arith.sitofp %convert_element_type3A_521 : vector<128x128xi32> to vector<128x128xf32>
    %eq3A_523 = vector.broadcast %sub3A_518 : vector<1x128xi32> to vector<128x128xi32>
    %eq3A_524 = arith.cmpi eq, %eq3A_523, %iota3A : vector<128x128xi32>
    %convert_element_type3A_525 = arith.extui %eq3A_524 : vector<128x128xi1> to vector<128x128xi32>
    %convert_element_type3A_526 = arith.sitofp %convert_element_type3A_525 : vector<128x128xi32> to vector<128x128xf32>
    %dot_general3A_527 = arith.constant dense<0.000000e+00> : vector<128x128xf32>
    %dot_general3A_528 = tpu.matmul %convert_element_type3A_522, %convert_element_type3A_526, %dot_general3A_527 {dimension_numbers = #tpu.dot_dimension_numbers<[1], [1], [0], [0], [0, 0, 1, 0], [], []>, transpose_lhs_hint = false} : vector<128x128xf32>, vector<128x128xf32>, vector<128x128xf32> -> vector<128x128xf32>
    %add3A_529 = arith.addf %add3A_480, %dot_general3A_528 : vector<128x128xf32>
    %get3A_530 = arith.constant 11 : index
    %get3A_531 = arith.constant 0 : index
    %get3A_532 = vector.load %arg1[%get3A_530, %get3A_531] : memref<16x128xi32, #tpu.memory_space<vmem>>, vector<1x128xi32>
    %jit3A_533 = arith.constant 128 : i32
    %div3A_534 = vector.broadcast %jit3A_533 : i32 to vector<1x128xi32>
    %div3A_535 = arith.divsi %get3A_532, %div3A_534 : vector<1x128xi32>
    %sign3A_536 = arith.constant 0 : i32
    %sign3A_537 = vector.broadcast %sign3A_536 : i32 to vector<1x128xi32>
    %sign3A_538 = arith.cmpi sgt, %get3A_532, %sign3A_537 : vector<1x128xi32>
    %sign3A_539 = arith.extui %sign3A_538 : vector<1x128xi1> to vector<1x128xi32>
    %sign3A_540 = arith.constant 0 : i32
    %sign3A_541 = vector.broadcast %sign3A_540 : i32 to vector<1x128xi32>
    %sign3A_542 = arith.cmpi slt, %get3A_532, %sign3A_541 : vector<1x128xi32>
    %sign3A_543 = arith.extui %sign3A_542 : vector<1x128xi1> to vector<1x128xi32>
    %sign3A_544 = arith.subi %sign3A_539, %sign3A_543 : vector<1x128xi32>
    %sign3A_545 = arith.constant 0 : i32
    %sign3A_546 = arith.cmpi sgt, %jit3A_533, %sign3A_545 : i32
    %sign3A_547 = arith.extui %sign3A_546 : i1 to i32
    %sign3A_548 = arith.constant 0 : i32
    %sign3A_549 = arith.cmpi slt, %jit3A_533, %sign3A_548 : i32
    %sign3A_550 = arith.extui %sign3A_549 : i1 to i32
    %sign3A_551 = arith.subi %sign3A_547, %sign3A_550 : i32
    %ne3A_552 = vector.broadcast %sign3A_551 : i32 to vector<1x128xi32>
    %ne3A_553 = arith.cmpi ne, %sign3A_544, %ne3A_552 : vector<1x128xi32>
    %rem3A_554 = vector.broadcast %jit3A_533 : i32 to vector<1x128xi32>
    %rem3A_555 = arith.remsi %get3A_532, %rem3A_554 : vector<1x128xi32>
    %ne3A_556 = arith.constant 0 : i32
    %ne3A_557 = vector.broadcast %ne3A_556 : i32 to vector<1x128xi32>
    %ne3A_558 = arith.cmpi ne, %rem3A_555, %ne3A_557 : vector<1x128xi32>
    %and3A_559 = arith.andi %ne3A_553, %ne3A_558 : vector<1x128xi1>
    %sub3A_560 = arith.constant 1 : i32
    %sub3A_561 = vector.broadcast %sub3A_560 : i32 to vector<1x128xi32>
    %sub3A_562 = arith.subi %div3A_535, %sub3A_561 : vector<1x128xi32>
    %select_n3A_563 = arith.select %and3A_559, %sub3A_562, %div3A_535 : vector<1x128xi1>, vector<1x128xi32>
    %mul3A_564 = arith.constant 128 : i32
    %mul3A_565 = vector.broadcast %mul3A_564 : i32 to vector<1x128xi32>
    %mul3A_566 = arith.muli %select_n3A_563, %mul3A_565 : vector<1x128xi32>
    %sub3A_567 = arith.subi %get3A_532, %mul3A_566 : vector<1x128xi32>
    %eq3A_568 = vector.broadcast %select_n3A_563 : vector<1x128xi32> to vector<128x128xi32>
    %eq3A_569 = arith.cmpi eq, %eq3A_568, %iota3A : vector<128x128xi32>
    %convert_element_type3A_570 = arith.extui %eq3A_569 : vector<128x128xi1> to vector<128x128xi32>
    %convert_element_type3A_571 = arith.sitofp %convert_element_type3A_570 : vector<128x128xi32> to vector<128x128xf32>
    %eq3A_572 = vector.broadcast %sub3A_567 : vector<1x128xi32> to vector<128x128xi32>
    %eq3A_573 = arith.cmpi eq, %eq3A_572, %iota3A : vector<128x128xi32>
    %convert_element_type3A_574 = arith.extui %eq3A_573 : vector<128x128xi1> to vector<128x128xi32>
    %convert_element_type3A_575 = arith.sitofp %convert_element_type3A_574 : vector<128x128xi32> to vector<128x128xf32>
    %dot_general3A_576 = arith.constant dense<0.000000e+00> : vector<128x128xf32>
    %dot_general3A_577 = tpu.matmul %convert_element_type3A_571, %convert_element_type3A_575, %dot_general3A_576 {dimension_numbers = #tpu.dot_dimension_numbers<[1], [1], [0], [0], [0, 0, 1, 0], [], []>, transpose_lhs_hint = false} : vector<128x128xf32>, vector<128x128xf32>, vector<128x128xf32> -> vector<128x128xf32>
    %add3A_578 = arith.addf %add3A_529, %dot_general3A_577 : vector<128x128xf32>
    %get3A_579 = arith.constant 12 : index
    %get3A_580 = arith.constant 0 : index
    %get3A_581 = vector.load %arg1[%get3A_579, %get3A_580] : memref<16x128xi32, #tpu.memory_space<vmem>>, vector<1x128xi32>
    %jit3A_582 = arith.constant 128 : i32
    %div3A_583 = vector.broadcast %jit3A_582 : i32 to vector<1x128xi32>
    %div3A_584 = arith.divsi %get3A_581, %div3A_583 : vector<1x128xi32>
    %sign3A_585 = arith.constant 0 : i32
    %sign3A_586 = vector.broadcast %sign3A_585 : i32 to vector<1x128xi32>
    %sign3A_587 = arith.cmpi sgt, %get3A_581, %sign3A_586 : vector<1x128xi32>
    %sign3A_588 = arith.extui %sign3A_587 : vector<1x128xi1> to vector<1x128xi32>
    %sign3A_589 = arith.constant 0 : i32
    %sign3A_590 = vector.broadcast %sign3A_589 : i32 to vector<1x128xi32>
    %sign3A_591 = arith.cmpi slt, %get3A_581, %sign3A_590 : vector<1x128xi32>
    %sign3A_592 = arith.extui %sign3A_591 : vector<1x128xi1> to vector<1x128xi32>
    %sign3A_593 = arith.subi %sign3A_588, %sign3A_592 : vector<1x128xi32>
    %sign3A_594 = arith.constant 0 : i32
    %sign3A_595 = arith.cmpi sgt, %jit3A_582, %sign3A_594 : i32
    %sign3A_596 = arith.extui %sign3A_595 : i1 to i32
    %sign3A_597 = arith.constant 0 : i32
    %sign3A_598 = arith.cmpi slt, %jit3A_582, %sign3A_597 : i32
    %sign3A_599 = arith.extui %sign3A_598 : i1 to i32
    %sign3A_600 = arith.subi %sign3A_596, %sign3A_599 : i32
    %ne3A_601 = vector.broadcast %sign3A_600 : i32 to vector<1x128xi32>
    %ne3A_602 = arith.cmpi ne, %sign3A_593, %ne3A_601 : vector<1x128xi32>
    %rem3A_603 = vector.broadcast %jit3A_582 : i32 to vector<1x128xi32>
    %rem3A_604 = arith.remsi %get3A_581, %rem3A_603 : vector<1x128xi32>
    %ne3A_605 = arith.constant 0 : i32
    %ne3A_606 = vector.broadcast %ne3A_605 : i32 to vector<1x128xi32>
    %ne3A_607 = arith.cmpi ne, %rem3A_604, %ne3A_606 : vector<1x128xi32>
    %and3A_608 = arith.andi %ne3A_602, %ne3A_607 : vector<1x128xi1>
    %sub3A_609 = arith.constant 1 : i32
    %sub3A_610 = vector.broadcast %sub3A_609 : i32 to vector<1x128xi32>
    %sub3A_611 = arith.subi %div3A_584, %sub3A_610 : vector<1x128xi32>
    %select_n3A_612 = arith.select %and3A_608, %sub3A_611, %div3A_584 : vector<1x128xi1>, vector<1x128xi32>
    %mul3A_613 = arith.constant 128 : i32
    %mul3A_614 = vector.broadcast %mul3A_613 : i32 to vector<1x128xi32>
    %mul3A_615 = arith.muli %select_n3A_612, %mul3A_614 : vector<1x128xi32>
    %sub3A_616 = arith.subi %get3A_581, %mul3A_615 : vector<1x128xi32>
    %eq3A_617 = vector.broadcast %select_n3A_612 : vector<1x128xi32> to vector<128x128xi32>
    %eq3A_618 = arith.cmpi eq, %eq3A_617, %iota3A : vector<128x128xi32>
    %convert_element_type3A_619 = arith.extui %eq3A_618 : vector<128x128xi1> to vector<128x128xi32>
    %convert_element_type3A_620 = arith.sitofp %convert_element_type3A_619 : vector<128x128xi32> to vector<128x128xf32>
    %eq3A_621 = vector.broadcast %sub3A_616 : vector<1x128xi32> to vector<128x128xi32>
    %eq3A_622 = arith.cmpi eq, %eq3A_621, %iota3A : vector<128x128xi32>
    %convert_element_type3A_623 = arith.extui %eq3A_622 : vector<128x128xi1> to vector<128x128xi32>
    %convert_element_type3A_624 = arith.sitofp %convert_element_type3A_623 : vector<128x128xi32> to vector<128x128xf32>
    %dot_general3A_625 = arith.constant dense<0.000000e+00> : vector<128x128xf32>
    %dot_general3A_626 = tpu.matmul %convert_element_type3A_620, %convert_element_type3A_624, %dot_general3A_625 {dimension_numbers = #tpu.dot_dimension_numbers<[1], [1], [0], [0], [0, 0, 1, 0], [], []>, transpose_lhs_hint = false} : vector<128x128xf32>, vector<128x128xf32>, vector<128x128xf32> -> vector<128x128xf32>
    %add3A_627 = arith.addf %add3A_578, %dot_general3A_626 : vector<128x128xf32>
    %get3A_628 = arith.constant 13 : index
    %get3A_629 = arith.constant 0 : index
    %get3A_630 = vector.load %arg1[%get3A_628, %get3A_629] : memref<16x128xi32, #tpu.memory_space<vmem>>, vector<1x128xi32>
    %jit3A_631 = arith.constant 128 : i32
    %div3A_632 = vector.broadcast %jit3A_631 : i32 to vector<1x128xi32>
    %div3A_633 = arith.divsi %get3A_630, %div3A_632 : vector<1x128xi32>
    %sign3A_634 = arith.constant 0 : i32
    %sign3A_635 = vector.broadcast %sign3A_634 : i32 to vector<1x128xi32>
    %sign3A_636 = arith.cmpi sgt, %get3A_630, %sign3A_635 : vector<1x128xi32>
    %sign3A_637 = arith.extui %sign3A_636 : vector<1x128xi1> to vector<1x128xi32>
    %sign3A_638 = arith.constant 0 : i32
    %sign3A_639 = vector.broadcast %sign3A_638 : i32 to vector<1x128xi32>
    %sign3A_640 = arith.cmpi slt, %get3A_630, %sign3A_639 : vector<1x128xi32>
    %sign3A_641 = arith.extui %sign3A_640 : vector<1x128xi1> to vector<1x128xi32>
    %sign3A_642 = arith.subi %sign3A_637, %sign3A_641 : vector<1x128xi32>
    %sign3A_643 = arith.constant 0 : i32
    %sign3A_644 = arith.cmpi sgt, %jit3A_631, %sign3A_643 : i32
    %sign3A_645 = arith.extui %sign3A_644 : i1 to i32
    %sign3A_646 = arith.constant 0 : i32
    %sign3A_647 = arith.cmpi slt, %jit3A_631, %sign3A_646 : i32
    %sign3A_648 = arith.extui %sign3A_647 : i1 to i32
    %sign3A_649 = arith.subi %sign3A_645, %sign3A_648 : i32
    %ne3A_650 = vector.broadcast %sign3A_649 : i32 to vector<1x128xi32>
    %ne3A_651 = arith.cmpi ne, %sign3A_642, %ne3A_650 : vector<1x128xi32>
    %rem3A_652 = vector.broadcast %jit3A_631 : i32 to vector<1x128xi32>
    %rem3A_653 = arith.remsi %get3A_630, %rem3A_652 : vector<1x128xi32>
    %ne3A_654 = arith.constant 0 : i32
    %ne3A_655 = vector.broadcast %ne3A_654 : i32 to vector<1x128xi32>
    %ne3A_656 = arith.cmpi ne, %rem3A_653, %ne3A_655 : vector<1x128xi32>
    %and3A_657 = arith.andi %ne3A_651, %ne3A_656 : vector<1x128xi1>
    %sub3A_658 = arith.constant 1 : i32
    %sub3A_659 = vector.broadcast %sub3A_658 : i32 to vector<1x128xi32>
    %sub3A_660 = arith.subi %div3A_633, %sub3A_659 : vector<1x128xi32>
    %select_n3A_661 = arith.select %and3A_657, %sub3A_660, %div3A_633 : vector<1x128xi1>, vector<1x128xi32>
    %mul3A_662 = arith.constant 128 : i32
    %mul3A_663 = vector.broadcast %mul3A_662 : i32 to vector<1x128xi32>
    %mul3A_664 = arith.muli %select_n3A_661, %mul3A_663 : vector<1x128xi32>
    %sub3A_665 = arith.subi %get3A_630, %mul3A_664 : vector<1x128xi32>
    %eq3A_666 = vector.broadcast %select_n3A_661 : vector<1x128xi32> to vector<128x128xi32>
    %eq3A_667 = arith.cmpi eq, %eq3A_666, %iota3A : vector<128x128xi32>
    %convert_element_type3A_668 = arith.extui %eq3A_667 : vector<128x128xi1> to vector<128x128xi32>
    %convert_element_type3A_669 = arith.sitofp %convert_element_type3A_668 : vector<128x128xi32> to vector<128x128xf32>
    %eq3A_670 = vector.broadcast %sub3A_665 : vector<1x128xi32> to vector<128x128xi32>
    %eq3A_671 = arith.cmpi eq, %eq3A_670, %iota3A : vector<128x128xi32>
    %convert_element_type3A_672 = arith.extui %eq3A_671 : vector<128x128xi1> to vector<128x128xi32>
    %convert_element_type3A_673 = arith.sitofp %convert_element_type3A_672 : vector<128x128xi32> to vector<128x128xf32>
    %dot_general3A_674 = arith.constant dense<0.000000e+00> : vector<128x128xf32>
    %dot_general3A_675 = tpu.matmul %convert_element_type3A_669, %convert_element_type3A_673, %dot_general3A_674 {dimension_numbers = #tpu.dot_dimension_numbers<[1], [1], [0], [0], [0, 0, 1, 0], [], []>, transpose_lhs_hint = false} : vector<128x128xf32>, vector<128x128xf32>, vector<128x128xf32> -> vector<128x128xf32>
    %add3A_676 = arith.addf %add3A_627, %dot_general3A_675 : vector<128x128xf32>
    %get3A_677 = arith.constant 14 : index
    %get3A_678 = arith.constant 0 : index
    %get3A_679 = vector.load %arg1[%get3A_677, %get3A_678] : memref<16x128xi32, #tpu.memory_space<vmem>>, vector<1x128xi32>
    %jit3A_680 = arith.constant 128 : i32
    %div3A_681 = vector.broadcast %jit3A_680 : i32 to vector<1x128xi32>
    %div3A_682 = arith.divsi %get3A_679, %div3A_681 : vector<1x128xi32>
    %sign3A_683 = arith.constant 0 : i32
    %sign3A_684 = vector.broadcast %sign3A_683 : i32 to vector<1x128xi32>
    %sign3A_685 = arith.cmpi sgt, %get3A_679, %sign3A_684 : vector<1x128xi32>
    %sign3A_686 = arith.extui %sign3A_685 : vector<1x128xi1> to vector<1x128xi32>
    %sign3A_687 = arith.constant 0 : i32
    %sign3A_688 = vector.broadcast %sign3A_687 : i32 to vector<1x128xi32>
    %sign3A_689 = arith.cmpi slt, %get3A_679, %sign3A_688 : vector<1x128xi32>
    %sign3A_690 = arith.extui %sign3A_689 : vector<1x128xi1> to vector<1x128xi32>
    %sign3A_691 = arith.subi %sign3A_686, %sign3A_690 : vector<1x128xi32>
    %sign3A_692 = arith.constant 0 : i32
    %sign3A_693 = arith.cmpi sgt, %jit3A_680, %sign3A_692 : i32
    %sign3A_694 = arith.extui %sign3A_693 : i1 to i32
    %sign3A_695 = arith.constant 0 : i32
    %sign3A_696 = arith.cmpi slt, %jit3A_680, %sign3A_695 : i32
    %sign3A_697 = arith.extui %sign3A_696 : i1 to i32
    %sign3A_698 = arith.subi %sign3A_694, %sign3A_697 : i32
    %ne3A_699 = vector.broadcast %sign3A_698 : i32 to vector<1x128xi32>
    %ne3A_700 = arith.cmpi ne, %sign3A_691, %ne3A_699 : vector<1x128xi32>
    %rem3A_701 = vector.broadcast %jit3A_680 : i32 to vector<1x128xi32>
    %rem3A_702 = arith.remsi %get3A_679, %rem3A_701 : vector<1x128xi32>
    %ne3A_703 = arith.constant 0 : i32
    %ne3A_704 = vector.broadcast %ne3A_703 : i32 to vector<1x128xi32>
    %ne3A_705 = arith.cmpi ne, %rem3A_702, %ne3A_704 : vector<1x128xi32>
    %and3A_706 = arith.andi %ne3A_700, %ne3A_705 : vector<1x128xi1>
    %sub3A_707 = arith.constant 1 : i32
    %sub3A_708 = vector.broadcast %sub3A_707 : i32 to vector<1x128xi32>
    %sub3A_709 = arith.subi %div3A_682, %sub3A_708 : vector<1x128xi32>
    %select_n3A_710 = arith.select %and3A_706, %sub3A_709, %div3A_682 : vector<1x128xi1>, vector<1x128xi32>
    %mul3A_711 = arith.constant 128 : i32
    %mul3A_712 = vector.broadcast %mul3A_711 : i32 to vector<1x128xi32>
    %mul3A_713 = arith.muli %select_n3A_710, %mul3A_712 : vector<1x128xi32>
    %sub3A_714 = arith.subi %get3A_679, %mul3A_713 : vector<1x128xi32>
    %eq3A_715 = vector.broadcast %select_n3A_710 : vector<1x128xi32> to vector<128x128xi32>
    %eq3A_716 = arith.cmpi eq, %eq3A_715, %iota3A : vector<128x128xi32>
    %convert_element_type3A_717 = arith.extui %eq3A_716 : vector<128x128xi1> to vector<128x128xi32>
    %convert_element_type3A_718 = arith.sitofp %convert_element_type3A_717 : vector<128x128xi32> to vector<128x128xf32>
    %eq3A_719 = vector.broadcast %sub3A_714 : vector<1x128xi32> to vector<128x128xi32>
    %eq3A_720 = arith.cmpi eq, %eq3A_719, %iota3A : vector<128x128xi32>
    %convert_element_type3A_721 = arith.extui %eq3A_720 : vector<128x128xi1> to vector<128x128xi32>
    %convert_element_type3A_722 = arith.sitofp %convert_element_type3A_721 : vector<128x128xi32> to vector<128x128xf32>
    %dot_general3A_723 = arith.constant dense<0.000000e+00> : vector<128x128xf32>
    %dot_general3A_724 = tpu.matmul %convert_element_type3A_718, %convert_element_type3A_722, %dot_general3A_723 {dimension_numbers = #tpu.dot_dimension_numbers<[1], [1], [0], [0], [0, 0, 1, 0], [], []>, transpose_lhs_hint = false} : vector<128x128xf32>, vector<128x128xf32>, vector<128x128xf32> -> vector<128x128xf32>
    %add3A_725 = arith.addf %add3A_676, %dot_general3A_724 : vector<128x128xf32>
    %get3A_726 = arith.constant 15 : index
    %get3A_727 = arith.constant 0 : index
    %get3A_728 = vector.load %arg1[%get3A_726, %get3A_727] : memref<16x128xi32, #tpu.memory_space<vmem>>, vector<1x128xi32>
    %jit3A_729 = arith.constant 128 : i32
    %div3A_730 = vector.broadcast %jit3A_729 : i32 to vector<1x128xi32>
    %div3A_731 = arith.divsi %get3A_728, %div3A_730 : vector<1x128xi32>
    %sign3A_732 = arith.constant 0 : i32
    %sign3A_733 = vector.broadcast %sign3A_732 : i32 to vector<1x128xi32>
    %sign3A_734 = arith.cmpi sgt, %get3A_728, %sign3A_733 : vector<1x128xi32>
    %sign3A_735 = arith.extui %sign3A_734 : vector<1x128xi1> to vector<1x128xi32>
    %sign3A_736 = arith.constant 0 : i32
    %sign3A_737 = vector.broadcast %sign3A_736 : i32 to vector<1x128xi32>
    %sign3A_738 = arith.cmpi slt, %get3A_728, %sign3A_737 : vector<1x128xi32>
    %sign3A_739 = arith.extui %sign3A_738 : vector<1x128xi1> to vector<1x128xi32>
    %sign3A_740 = arith.subi %sign3A_735, %sign3A_739 : vector<1x128xi32>
    %sign3A_741 = arith.constant 0 : i32
    %sign3A_742 = arith.cmpi sgt, %jit3A_729, %sign3A_741 : i32
    %sign3A_743 = arith.extui %sign3A_742 : i1 to i32
    %sign3A_744 = arith.constant 0 : i32
    %sign3A_745 = arith.cmpi slt, %jit3A_729, %sign3A_744 : i32
    %sign3A_746 = arith.extui %sign3A_745 : i1 to i32
    %sign3A_747 = arith.subi %sign3A_743, %sign3A_746 : i32
    %ne3A_748 = vector.broadcast %sign3A_747 : i32 to vector<1x128xi32>
    %ne3A_749 = arith.cmpi ne, %sign3A_740, %ne3A_748 : vector<1x128xi32>
    %rem3A_750 = vector.broadcast %jit3A_729 : i32 to vector<1x128xi32>
    %rem3A_751 = arith.remsi %get3A_728, %rem3A_750 : vector<1x128xi32>
    %ne3A_752 = arith.constant 0 : i32
    %ne3A_753 = vector.broadcast %ne3A_752 : i32 to vector<1x128xi32>
    %ne3A_754 = arith.cmpi ne, %rem3A_751, %ne3A_753 : vector<1x128xi32>
    %and3A_755 = arith.andi %ne3A_749, %ne3A_754 : vector<1x128xi1>
    %sub3A_756 = arith.constant 1 : i32
    %sub3A_757 = vector.broadcast %sub3A_756 : i32 to vector<1x128xi32>
    %sub3A_758 = arith.subi %div3A_731, %sub3A_757 : vector<1x128xi32>
    %select_n3A_759 = arith.select %and3A_755, %sub3A_758, %div3A_731 : vector<1x128xi1>, vector<1x128xi32>
    %mul3A_760 = arith.constant 128 : i32
    %mul3A_761 = vector.broadcast %mul3A_760 : i32 to vector<1x128xi32>
    %mul3A_762 = arith.muli %select_n3A_759, %mul3A_761 : vector<1x128xi32>
    %sub3A_763 = arith.subi %get3A_728, %mul3A_762 : vector<1x128xi32>
    %eq3A_764 = vector.broadcast %select_n3A_759 : vector<1x128xi32> to vector<128x128xi32>
    %eq3A_765 = arith.cmpi eq, %eq3A_764, %iota3A : vector<128x128xi32>
    %convert_element_type3A_766 = arith.extui %eq3A_765 : vector<128x128xi1> to vector<128x128xi32>
    %convert_element_type3A_767 = arith.sitofp %convert_element_type3A_766 : vector<128x128xi32> to vector<128x128xf32>
    %eq3A_768 = vector.broadcast %sub3A_763 : vector<1x128xi32> to vector<128x128xi32>
    %eq3A_769 = arith.cmpi eq, %eq3A_768, %iota3A : vector<128x128xi32>
    %convert_element_type3A_770 = arith.extui %eq3A_769 : vector<128x128xi1> to vector<128x128xi32>
    %convert_element_type3A_771 = arith.sitofp %convert_element_type3A_770 : vector<128x128xi32> to vector<128x128xf32>
    %dot_general3A_772 = arith.constant dense<0.000000e+00> : vector<128x128xf32>
    %dot_general3A_773 = tpu.matmul %convert_element_type3A_767, %convert_element_type3A_771, %dot_general3A_772 {dimension_numbers = #tpu.dot_dimension_numbers<[1], [1], [0], [0], [0, 0, 1, 0], [], []>, transpose_lhs_hint = false} : vector<128x128xf32>, vector<128x128xf32>, vector<128x128xf32> -> vector<128x128xf32>
    %add3A_774 = arith.addf %add3A_725, %dot_general3A_773 : vector<128x128xf32>
    %get3A_775 = arith.constant 0 : index
    %get3A_776 = arith.constant 0 : index
    %get3A_777 = vector.load %arg2[%get3A_775, %get3A_776] : memref<128x128xf32, #tpu.memory_space<vmem>>, vector<128x128xf32>
    %add3A_778 = arith.addf %get3A_777, %add3A_774 : vector<128x128xf32>
    %swap3A = arith.constant 0 : index
    %swap3A_779 = arith.constant 0 : index
    %swap3A_780 = vector.load %arg2[%swap3A, %swap3A_779] : memref<128x128xf32, #tpu.memory_space<vmem>>, vector<128x128xf32>
    tpu.vector_store %arg2[%swap3A, %swap3A_779], %add3A_778 {strides = array<i32>} : memref<128x128xf32, #tpu.memory_space<vmem>>, vector<128x128xf32>,
    %eq3A_781 = arith.constant 159 : i32
    %eq3A_782 = arith.cmpi eq, %arg0, %eq3A_781 : i32
    %convert_element_type3A_783 = arith.extui %eq3A_782 : i1 to i32
    %cond3A_784 = arith.constant 0 : i32
    %cond3A_785 = arith.cmpi ne, %convert_element_type3A_783, %cond3A_784 : i32
    scf.if %cond3A_785 {
      %get3A_786 = arith.constant 0 : index
      %get3A_787 = arith.constant 0 : index
      %get3A_788 = vector.load %arg2[%get3A_786, %get3A_787] : memref<128x128xf32, #tpu.memory_space<vmem>>, vector<128x128xf32>
      %max3A = arith.constant 1.000000e+00 : f32
      %max3A_789 = vector.broadcast %max3A : f32 to vector<128x128xf32>
      %max3A_790 = arith.maximumf %get3A_788, %max3A_789 : vector<128x128xf32>
      %swap3A_791 = arith.constant 0 : index
      %swap3A_792 = arith.constant 0 : index
      %swap3A_793 = vector.load %arg2[%swap3A_791, %swap3A_792] : memref<128x128xf32, #tpu.memory_space<vmem>>, vector<128x128xf32>
      tpu.vector_store %arg2[%swap3A_791, %swap3A_792], %max3A_790 {strides = array<i32>} : memref<128x128xf32, #tpu.memory_space<vmem>>, vector<128x128xf32>,
    } else {
    }
    return
  }
  func.func @transform_0(%arg0: i32) -> (i32, i32) {
    %c0_i32 = arith.constant 0 : i32
    %c0_i32_0 = arith.constant 0 : i32
    return %arg0, %c0_i32 : i32, i32
  }
  func.func @transform_1(%arg0: i32) -> (i32, i32) {
    %c0_i32 = arith.constant 0 : i32
    %c0_i32_0 = arith.constant 0 : i32
    %c0_i32_1 = arith.constant 0 : i32
    return %c0_i32, %c0_i32_0 : i32, i32
  }
}

module attributes {stable_mosaic.version = 14 : i64} {
  func.func @body(%arg0: i32, %arg1: memref<2000x128xf32, #tpu.memory_space<vmem>>, %arg2: memref<2000x128xf32, #tpu.memory_space<vmem>>, %arg3: memref<2000x128xf32, #tpu.memory_space<vmem>>, %arg4: memref<2000x1xf32, #tpu.memory_space<vmem>>, %arg5: memref<128x128xf32, #tpu.memory_space<vmem>>, %arg6: memref<1x128xf32, #tpu.memory_space<vmem>>, %arg7: memref<128x128xf32, #tpu.memory_space<vmem>>, %arg8: memref<2000x128xf32, #tpu.memory_space<vmem>>, %arg9: memref<2000x128xf32, #tpu.memory_space<vmem>>) attributes {dimension_semantics = [#tpu.dimension_semantics<arbitrary>], iteration_bounds = array<i64: 5>, scalar_prefetch = 0 : i64, scratch_operands = 0 : i64, tpu.core_type = #tpu.core_type<tc>, window_params = [{transform_indices = @transform_0, window_bounds = array<i64: 2000, 128>}, {transform_indices = @transform_1, window_bounds = array<i64: 2000, 128>}, {transform_indices = @transform_2, window_bounds = array<i64: 2000, 128>}, {transform_indices = @transform_3, window_bounds = array<i64: 2000, 1>}, {pipeline_mode = #tpu.pipeline_mode<synchronous>, transform_indices = @transform_4, window_bounds = array<i64: 128, 128>}, {pipeline_mode = #tpu.pipeline_mode<synchronous>, transform_indices = @transform_5, window_bounds = array<i64: 1, 128>}, {pipeline_mode = #tpu.pipeline_mode<synchronous>, transform_indices = @transform_6, window_bounds = array<i64: 128, 128>}, {transform_indices = @transform_7, window_bounds = array<i64: 2000, 128>}, {transform_indices = @transform_8, window_bounds = array<i64: 2000, 128>}]} {
    %get3A = arith.constant 0 : index
    %get3A_0 = arith.constant 0 : index
    %get3A_1 = vector.load %arg2[%get3A, %get3A_0] : memref<2000x128xf32, #tpu.memory_space<vmem>>, vector<2000x128xf32>
    %get3A_2 = arith.constant 0 : index
    %get3A_3 = arith.constant 0 : index
    %get3A_4 = vector.load %arg3[%get3A_2, %get3A_3] : memref<2000x128xf32, #tpu.memory_space<vmem>>, vector<2000x128xf32>
    %add3A = arith.addf %get3A_1, %get3A_4 : vector<2000x128xf32>
    %get3A_5 = arith.constant 0 : index
    %get3A_6 = arith.constant 0 : index
    %get3A_7 = vector.load %arg1[%get3A_5, %get3A_6] : memref<2000x128xf32, #tpu.memory_space<vmem>>, vector<2000x128xf32>
    %get3A_8 = arith.constant 0 : index
    %get3A_9 = arith.constant 0 : index
    %get3A_10 = vector.load %arg4[%get3A_8, %get3A_9] : memref<2000x1xf32, #tpu.memory_space<vmem>>, vector<2000x1xf32>
    %div3A = vector.broadcast %get3A_10 : vector<2000x1xf32> to vector<2000x128xf32>
    %div3A_11 = arith.divf %add3A, %div3A : vector<2000x128xf32>
    %add3A_12 = arith.addf %get3A_7, %div3A_11 : vector<2000x128xf32>
    %max3A = arith.constant 0.000000e+00 : f32
    %max3A_13 = vector.broadcast %max3A : f32 to vector<2000x128xf32>
    %max3A_14 = arith.maximumf %add3A_12, %max3A_13 : vector<2000x128xf32>
    %get3A_15 = arith.constant 0 : index
    %get3A_16 = arith.constant 0 : index
    %get3A_17 = vector.load %arg5[%get3A_15, %get3A_16] : memref<128x128xf32, #tpu.memory_space<vmem>>, vector<128x128xf32>
    %dot_general3A = arith.constant dense<0.000000e+00> : vector<2000x128xf32>
    %dot_general3A_18 = tpu.matmul %max3A_14, %get3A_17, %dot_general3A {dimension_numbers = #tpu.dot_dimension_numbers<[1], [0], [0], [1], [0, 0, 1, 1], [], []>, transpose_lhs_hint = false} : vector<2000x128xf32>, vector<128x128xf32>, vector<2000x128xf32> -> vector<2000x128xf32>
    %get3A_19 = arith.constant 0 : index
    %get3A_20 = arith.constant 0 : index
    %get3A_21 = vector.load %arg6[%get3A_19, %get3A_20] : memref<1x128xf32, #tpu.memory_space<vmem>>, vector<1x128xf32>
    %add3A_22 = vector.broadcast %get3A_21 : vector<1x128xf32> to vector<2000x128xf32>
    %add3A_23 = arith.addf %dot_general3A_18, %add3A_22 : vector<2000x128xf32>
    %swap3A = arith.constant 0 : index
    %swap3A_24 = arith.constant 0 : index
    %swap3A_25 = vector.load %arg8[%swap3A, %swap3A_24] : memref<2000x128xf32, #tpu.memory_space<vmem>>, vector<2000x128xf32>
    tpu.vector_store %arg8[%swap3A, %swap3A_24], %add3A_23 {strides = array<i32>} : memref<2000x128xf32, #tpu.memory_space<vmem>>, vector<2000x128xf32>,
    %get3A_26 = arith.constant 0 : index
    %get3A_27 = arith.constant 0 : index
    %get3A_28 = vector.load %arg7[%get3A_26, %get3A_27] : memref<128x128xf32, #tpu.memory_space<vmem>>, vector<128x128xf32>
    %dot_general3A_29 = arith.constant dense<0.000000e+00> : vector<2000x128xf32>
    %dot_general3A_30 = tpu.matmul %max3A_14, %get3A_28, %dot_general3A_29 {dimension_numbers = #tpu.dot_dimension_numbers<[1], [0], [0], [1], [0, 0, 1, 1], [], []>, transpose_lhs_hint = false} : vector<2000x128xf32>, vector<128x128xf32>, vector<2000x128xf32> -> vector<2000x128xf32>
    %swap3A_31 = arith.constant 0 : index
    %swap3A_32 = arith.constant 0 : index
    %swap3A_33 = vector.load %arg9[%swap3A_31, %swap3A_32] : memref<2000x128xf32, #tpu.memory_space<vmem>>, vector<2000x128xf32>
    tpu.vector_store %arg9[%swap3A_31, %swap3A_32], %dot_general3A_30 {strides = array<i32>} : memref<2000x128xf32, #tpu.memory_space<vmem>>, vector<2000x128xf32>,
    return
  }
  func.func @transform_0(%arg0: i32) -> (i32, i32) {
    %c0_i32 = arith.constant 0 : i32
    %c0_i32_0 = arith.constant 0 : i32
    return %arg0, %c0_i32 : i32, i32
  }
  func.func @transform_1(%arg0: i32) -> (i32, i32) {
    %c0_i32 = arith.constant 0 : i32
    %c0_i32_0 = arith.constant 0 : i32
    return %arg0, %c0_i32 : i32, i32
  }
  func.func @transform_2(%arg0: i32) -> (i32, i32) {
    %c0_i32 = arith.constant 0 : i32
    %c0_i32_0 = arith.constant 0 : i32
    return %arg0, %c0_i32 : i32, i32
  }
  func.func @transform_3(%arg0: i32) -> (i32, i32) {
    %c0_i32 = arith.constant 0 : i32
    %c0_i32_0 = arith.constant 0 : i32
    return %arg0, %c0_i32 : i32, i32
  }
  func.func @transform_4(%arg0: i32) -> (i32, i32) {
    %c0_i32 = arith.constant 0 : i32
    %c0_i32_0 = arith.constant 0 : i32
    %c0_i32_1 = arith.constant 0 : i32
    return %c0_i32, %c0_i32_0 : i32, i32
  }
  func.func @transform_5(%arg0: i32) -> (i32, i32) {
    %c0_i32 = arith.constant 0 : i32
    %c0_i32_0 = arith.constant 0 : i32
    %c0_i32_1 = arith.constant 0 : i32
    return %c0_i32, %c0_i32_0 : i32, i32
  }
  func.func @transform_6(%arg0: i32) -> (i32, i32) {
    %c0_i32 = arith.constant 0 : i32
    %c0_i32_0 = arith.constant 0 : i32
    %c0_i32_1 = arith.constant 0 : i32
    return %c0_i32, %c0_i32_0 : i32, i32
  }
  func.func @transform_7(%arg0: i32) -> (i32, i32) {
    %c0_i32 = arith.constant 0 : i32
    %c0_i32_0 = arith.constant 0 : i32
    return %arg0, %c0_i32 : i32, i32
  }
  func.func @transform_8(%arg0: i32) -> (i32, i32) {
    %c0_i32 = arith.constant 0 : i32
    %c0_i32_0 = arith.constant 0 : i32
    return %arg0, %c0_i32 : i32, i32
  }
}

module attributes {stable_mosaic.version = 14 : i64} {
  func.func @body(%arg0: i32, %arg1: memref<2000x128xf32, #tpu.memory_space<vmem>>, %arg2: memref<2000x128xf32, #tpu.memory_space<vmem>>, %arg3: memref<2000x128xf32, #tpu.memory_space<vmem>>, %arg4: memref<2000x1xf32, #tpu.memory_space<vmem>>, %arg5: memref<2000x128xf32, #tpu.memory_space<vmem>>) attributes {dimension_semantics = [#tpu.dimension_semantics<arbitrary>], iteration_bounds = array<i64: 5>, scalar_prefetch = 0 : i64, scratch_operands = 0 : i64, tpu.core_type = #tpu.core_type<tc>, window_params = [{transform_indices = @transform_0, window_bounds = array<i64: 2000, 128>}, {transform_indices = @transform_1, window_bounds = array<i64: 2000, 128>}, {transform_indices = @transform_2, window_bounds = array<i64: 2000, 128>}, {transform_indices = @transform_3, window_bounds = array<i64: 2000, 1>}, {transform_indices = @transform_4, window_bounds = array<i64: 2000, 128>}]} {
    %get3A = arith.constant 0 : index
    %get3A_0 = arith.constant 0 : index
    %get3A_1 = vector.load %arg2[%get3A, %get3A_0] : memref<2000x128xf32, #tpu.memory_space<vmem>>, vector<2000x128xf32>
    %get3A_2 = arith.constant 0 : index
    %get3A_3 = arith.constant 0 : index
    %get3A_4 = vector.load %arg3[%get3A_2, %get3A_3] : memref<2000x128xf32, #tpu.memory_space<vmem>>, vector<2000x128xf32>
    %add3A = arith.addf %get3A_1, %get3A_4 : vector<2000x128xf32>
    %get3A_5 = arith.constant 0 : index
    %get3A_6 = arith.constant 0 : index
    %get3A_7 = vector.load %arg1[%get3A_5, %get3A_6] : memref<2000x128xf32, #tpu.memory_space<vmem>>, vector<2000x128xf32>
    %get3A_8 = arith.constant 0 : index
    %get3A_9 = arith.constant 0 : index
    %get3A_10 = vector.load %arg4[%get3A_8, %get3A_9] : memref<2000x1xf32, #tpu.memory_space<vmem>>, vector<2000x1xf32>
    %div3A = vector.broadcast %get3A_10 : vector<2000x1xf32> to vector<2000x128xf32>
    %div3A_11 = arith.divf %add3A, %div3A : vector<2000x128xf32>
    %add3A_12 = arith.addf %get3A_7, %div3A_11 : vector<2000x128xf32>
    %swap3A = arith.constant 0 : index
    %swap3A_13 = arith.constant 0 : index
    %swap3A_14 = vector.load %arg5[%swap3A, %swap3A_13] : memref<2000x128xf32, #tpu.memory_space<vmem>>, vector<2000x128xf32>
    tpu.vector_store %arg5[%swap3A, %swap3A_13], %add3A_12 {strides = array<i32>} : memref<2000x128xf32, #tpu.memory_space<vmem>>, vector<2000x128xf32>,
    return
  }
  func.func @transform_0(%arg0: i32) -> (i32, i32) {
    %c0_i32 = arith.constant 0 : i32
    %c0_i32_0 = arith.constant 0 : i32
    return %arg0, %c0_i32 : i32, i32
  }
  func.func @transform_1(%arg0: i32) -> (i32, i32) {
    %c0_i32 = arith.constant 0 : i32
    %c0_i32_0 = arith.constant 0 : i32
    return %arg0, %c0_i32 : i32, i32
  }
  func.func @transform_2(%arg0: i32) -> (i32, i32) {
    %c0_i32 = arith.constant 0 : i32
    %c0_i32_0 = arith.constant 0 : i32
    return %arg0, %c0_i32 : i32, i32
  }
  func.func @transform_3(%arg0: i32) -> (i32, i32) {
    %c0_i32 = arith.constant 0 : i32
    %c0_i32_0 = arith.constant 0 : i32
    return %arg0, %c0_i32 : i32, i32
  }
  func.func @transform_4(%arg0: i32) -> (i32, i32) {
    %c0_i32 = arith.constant 0 : i32
    %c0_i32_0 = arith.constant 0 : i32
    return %arg0, %c0_i32 : i32, i32
  }
}

</mosaic_0001>

<sc_bundles>
// kernel: kernel.11.cloned.1.call-start
scs
__scs_entry_jumppad:
0x0: {  	(pc) =	sbr.rel $0x88, $3  }
0x1: {  	(tag) =	ssettag $0x0;
	lr =	simm.s32 $0x1  }
0x2: {  	[smem:$0x3F99] =	sst lr;
	_ =	strace $0xD0000000  }
0x3: {  	_ = 	snop  }
0x4: {  	_ = 	snop  }
0x5: {  	_ = 	snop  }
0x6: {  	_ = 	snop  }
0x7: {  	_ = 	snop  }
__scs_overlays_trampoline_lowered:
0x8: {  	[smem:$0x3FA8] =	sst s0  }
0x9: {  	[smem:$0x3FA9] =	sst s1  }
0xa: {  	[smem:$0x3FAA] =	sst s2  }
0xb: {  	[smem:$0x3FAB] =	sst s3  }
0xc: {  	[smem:$0x3FAC] =	sst s4  }
0xd: {  	[smem:$0x3FAD] =	sst s5  }
0xe: {  	[smem:$0x3FAE] =	sst s6  }
0xf: {  	[smem:$0x3FAF] =	sst s7  }
0x10: {  	[smem:$0x3FB0] =	sst s8  }
0x11: {  	[smem:$0x3FB1] =	sst s9;
	s0 =	simm.s32 @!p0 $0x0  }
0x12: {  	s1 =	sld [smem:$0x3F97];
	s0 =	simm.s32 @p0 $0x1  }
0x13: {  	[smem:$0x3FB2] =	sst s0;
	s0 =	simm.s32 @!p1 $0x0  }
0x14: {  	s2 =	sld [smem:$0x3F96];
	s0 =	simm.s32 @p1 $0x1  }
0x15: {  	[smem:$0x3FB3] =	sst s0;
	s0 =	simm.s32 @!p2 $0x0  }
0x16: {  	s3 =	sld [smem:$0x3FDB];
	s0 =	simm.s32 @p2 $0x1  }
0x17: {  	s4 =	simm.s32 $0x1BF5;
	[smem:$0x3FB5] =	sst s0  }
0x18: {  	s0 =	sld [smem:$0x3F98];
	_ =	swait.ge [sflag:s4], $0x0  }
0x19: {  	s7 =	sld [smem:$0x3F99]  }
0x1a: {  	s8 =	sadd.s32 $0xFFFFE003, lr  }
0x1b: {  	s9 =	sadd.s32 $0xFFFFFEF7, lr;
	s5 =	simm.s32 $0xFFFFFFFF;
	p2 =	slt.u32 s8, $0xFFFFF086  }
0x1c: {  	p1 =	slt.u32 s9, $0xF7A;
	s5 =	simm.s32 @!p2 $0x0  }
0x1d: {  	s5 =	simm.s32 @p1 $0x1;
	p0 =	seq.s32 s7, s2  }
0x1e: {  	s7 =	smul.u32 @!p0 $0xF7A, s2;
	p2 =	seq.s32 @!p0 s5, $0x0  }
0x1f: {  	s9 =	smul.u32 $0xF7A, s1;
	s8 =	simm.s32 @!p0 $0x1BF5;
	p2 =	por !p2, p0  }
0x20: {  	[sflag:s8] =	ssyncset.s32 @!p0 $0xFFFFF086;
	s6 =	sadd.s32 @!p0 s3, s7;
	s7 =	simm.s32 @!p0 $0x108  }
0x21: {  	s3 =	sadd.s32 s3, s9;
	s6 =	sadd.s32 @!p0 $0x88, s6;
	s7 =	simm.s32 @p2 $0x1082  }
0x22: {  	[simem:s7], [sflag:s8] =	dma.local @!p0 [hbm:s6], $0xF7A  }
0x23: {  	s9 =	sor.u32 $0xD0000000, s2;
	s6 =	simm.s32 $0x108;
	_ =	swait.ge @!p0 [sflag:s8], $0x0  }
0x24: {  	s3 =	sadd.s32 $0x88, s3;
	s6 =	simm.s32 @!p1 $0x1082;
	[sflag:s4] =	ssyncset.s32 $0xFFFFF086  }
0x25: {  	[simem:s6], [sflag:s4] =	dma.local [hbm:s3], $0xF7A  }
0x26: {  	[smem:$0x3F99] =	sst s1;
	(tag) =	ssettag s2;
	_ =	strace s9  }
0x27: {  	s1 =	sld [smem:$0x3FA9]  }
0x28: {  	s2 =	sld [smem:$0x3FAA]  }
0x29: {  	s4 =	sld [smem:$0x3FAC]  }
0x2a: {  	p0 =	seq.s32 s5, $0x0;
	s5 =	sld [smem:$0x3FAD]  }
0x2b: {  	s6 =	sld [smem:$0x3FAE]  }
0x2c: {  	s7 =	sld [smem:$0x3FAF]  }
0x2d: {  	s3 =	simm.s32 $0x108;
	s8 =	sld [smem:$0x3FB0]  }
0x2e: {  	s3 =	simm.s32 @!p0 $0x1082;
	s9 =	sld [smem:$0x3FB1]  }
0x2f: {  	lr =	sadd.s32 s0, s3;
	s0 =	sld [smem:$0x3FA8]  }
0x30: {  	s3 =	sld [smem:$0x3FAB]  }
0x31: {  	[smem:$0x3FB4] =	sst s10  }
0x32: {  	s10 =	sld [smem:$0x3FB2];
	_ =	sdelay $0x3  }
0x33: {  	p0 =	seq.s32 s10, $0x1;
	s10 =	sld [smem:$0x3FB4];
	_ =	sdelay $0x3  }
0x34: {  	[smem:$0x3FB4] =	sst s10  }
0x35: {  	s10 =	sld [smem:$0x3FB3];
	_ =	sdelay $0x3  }
0x36: {  	p1 =	seq.s32 s10, $0x1;
	s10 =	sld [smem:$0x3FB4];
	_ =	sdelay $0x3  }
0x37: {  	[smem:$0x3FB4] =	sst s10  }
0x38: {  	s10 =	sld [smem:$0x3FB5]  }
0x39: {  	_ = 	snop;
	(pc) =	sbr.ind lr, $3  }
0x3a: {  	_ = 	snop  }
0x3b: {  	_ = 	snop  }
0x3c: {  	p2 =	seq.s32 s10, $0x1;
	s10 =	sld [smem:$0x3FB4]  }
0x3d: {  	_ =	shalt  }
0x3e: {  	_ =	shalt  }
0x3f: {  	_ =	shalt  }
0x40: {  	_ =	shalt  }
0x41: {  	_ =	shalt  }
0x42: {  	_ =	shalt  }
0x43: {  	_ =	shalt  }
0x44: {  	_ =	shalt  }
0x45: {  	_ =	shalt  }
0x46: {  	_ =	shalt  }
0x47: {  	_ =	shalt  }
0x48: {  	_ =	shalt  }
0x49: {  	_ =	shalt  }
0x4a: {  	_ =	shalt  }
0x4b: {  	_ =	shalt  }
0x4c: {  	_ =	shalt  }
0x4d: {  	_ =	shalt  }
0x4e: {  	_ =	shalt  }
0x4f: {  	_ =	shalt  }
0x50: {  	_ =	shalt  }
0x51: {  	_ =	shalt  }
0x52: {  	_ =	shalt  }
0x53: {  	_ =	shalt  }
0x54: {  	_ =	shalt  }
0x55: {  	_ =	shalt  }
0x56: {  	_ =	shalt  }
0x57: {  	_ =	shalt  }
0x58: {  	_ =	shalt  }
0x59: {  	_ =	shalt  }
0x5a: {  	_ =	shalt  }
0x5b: {  	_ =	shalt  }
0x5c: {  	_ =	shalt  }
0x5d: {  	_ =	shalt  }
0x5e: {  	_ =	shalt  }
0x5f: {  	_ =	shalt  }
0x60: {  	_ =	shalt  }
0x61: {  	_ =	shalt  }
0x62: {  	_ =	shalt  }
0x63: {  	_ =	shalt  }
0x64: {  	_ =	shalt  }
0x65: {  	_ =	shalt  }
0x66: {  	_ =	shalt  }
0x67: {  	_ =	shalt  }
0x68: {  	_ =	shalt  }
0x69: {  	_ =	shalt  }
0x6a: {  	_ =	shalt  }
0x6b: {  	_ =	shalt  }
0x6c: {  	_ =	shalt  }
0x6d: {  	_ =	shalt  }
0x6e: {  	_ =	shalt  }
0x6f: {  	_ =	shalt  }
0x70: {  	_ =	shalt  }
0x71: {  	_ =	shalt  }
0x72: {  	_ =	shalt  }
0x73: {  	_ =	shalt  }
0x74: {  	_ =	shalt  }
0x75: {  	_ =	shalt  }
0x76: {  	_ =	shalt  }
0x77: {  	_ =	shalt  }
0x78: {  	_ =	shalt  }
0x79: {  	_ =	shalt  }
0x7a: {  	_ =	shalt  }
0x7b: {  	_ =	shalt  }
0x7c: {  	_ =	shalt  }
0x7d: {  	_ =	shalt  }
0x7e: {  	_ =	shalt  }
0x7f: {  	_ =	shalt  }
0x80: {  	_ =	shalt  }
0x81: {  	_ =	shalt  }
0x82: {  	_ =	shalt  }
0x83: {  	_ =	shalt  }
0x84: {  	_ =	shalt  }
0x85: {  	_ =	shalt  }
0x86: {  	_ =	shalt  }
0x87: {  	_ =	shalt  }
.Lfunc_end0:
.L_simem_size_0:
called_computation.1_lowered:
.L_overlay_start_0:
0x88: {  	s2 =	sld [smem:$0x3FD9]  }
0x89: {  	s3 =	sld [smem:$0x3FFE];
	_ =	sdelay $0x1  }
0x8a: {  	s1 =	srdreg.scid  }
0x8b: {  	s0 =	sand.u32 $0x1, s1  }
0x8c: {  	s17 =	sshll.u32 s0, $0xA;
	s2 =	sadd.s32 s3, s2  }
0x8d: {  	s2 =	sadd.s32 s2, s17  }
0x8e: {  	[smem:$0x3FC0] =	sst s2  }
0x8f: {  	_ = 	snop  }
0x90: {  	s2 =	sld [smem:$0x3FD0];
	(tm) =	ssettm $0x1  }
0x91: {  	s18 =	sld [smem:$0x3FFB];
	_ =	sdelay $0x3  }
0x92: {  	_ =	strace s18  }
0x93: {  	s3 =	sld [smem:$0x3FFC];
	_ =	sdelay $0x3  }
0x94: {  	_ =	strace s3  }
0x95: {  	s3 =	sld [smem:$0x3FFD];
	_ =	sdelay $0x3  }
0x96: {  	_ =	strace s3  }
0x97: {  	_ =	strace $0x8FFFFFFF  }
0x98: {  	s19 =	sld [smem:$0x3FDB];
	_ =	sdelay $0x1  }
0x99: {  	s4 =	simm.s32 $_scs_section_size  }
0x9a: {  	s5 =	simm.s32 $_size__tile_overlayer_lowered;
	s6 =	simm.s32 $_tile_overlayer_lowered  }
0x9b: {  	s22 =	simm.s32 $0x1BFF;
	s21 =	sshll.u32 s6, $0x1;
	s3 =	sadd.s32 s4, s19  }
0x9c: {  	s7 =	simm.s32 $0x0;
	s20 =	sshll.u32 s5, $0x1;
	s5 =	sadd.s32 s21, s3  }
0x9d: {  	[timem:s7], [sflag:s22] =	dma.local [hbm:s5], s20  }
0x9e: {  	_ =	swait.ge [sflag:s22], s20  }
0x9f: {  	s4 =	ssub.s32 $0x0, s20;
	[sflag:s22] =	ssyncset.done $0x0  }
0xa0: {  	[sflag:s22] =	ssyncadd.s32 s4;
	_ =	sdelay $0x1  }
0xa1: {  	s23 =	simm.s32 $0x1B8B  }
0xa2: {  	_ =	swait.ge [sflag:s23], $0x1  }
0xa3: {  	[sflag:s23] =	ssyncset.done $0x0  }
0xa4: {  	s25 =	simm.s32 $0x1B8E;
	s24 =	sld [smem:$0x3FFE];
	[sflag:s23] =	ssyncadd.s32 $0xFFFFFFFF  }
0xa5: {  	s26 =	simm.s32 $execute0_lowered;
	[smem:$0x3FD2] =	sst s25  }
0xa6: {  	s5 =	sshll.u32 s26, $0x1;
	_ =	strace $0x80000049;
	[dreg:$0x1] =	wrdreg $0xFFFFFFFF  }
0xa7: {  	s28 =	simm.s32 $_size_execute0_lowered;
	s3 =	sadd.s32 s3, s5;
	[dreg:$0x0] =	wrdreg $0x0  }
0xa8: {  	s5 =	sshll.u32 s28, $0x1;
	[dreg:$0x2] =	wrdreg s3  }
0xa9: {  	[dreg:$0x3] =	wrdreg s5  }
0xaa: {  	[dreg:$0x4] =	wrdreg $0xC0  }
0xab: {  	_ =	task [dreg:s7], $0x5FFFF  }
0xac: {  	[dreg:$0x1] =	wrdreg $0xFFFFFFFF  }
0xad: {  	[dreg:$0x0] =	wrdreg $0x60  }
0xae: {  	[dreg:$0x2] =	wrdreg s2  }
0xaf: {  	[dreg:$0x3] =	wrdreg s24  }
0xb0: {  	[dreg:$0x4] =	wrdreg $0xA8000  }
0xb1: {  	[dreg:$0x5] =	wrdreg $0x9  }
0xb2: {  	_ =	task.clear_ibuf [dreg:s7], $0x6FFFF;
	_ =	strace $0x90000049  }
0xb3: {  	s29 =	simm.s32 $0x9;
	_ =	strace $0x8000004B  }
0xb4: {  	_ =	swait.ge [sflag:s29], $0x1  }
0xb5: {  	[sflag:s29] =	ssyncadd.s32 $0xFFFFFFFF  }
0xb6: {  	_ =	strace $0x9000004B  }
0xb7: {  	_ =	sfence  }
0xb8: {  	s30 =	sld [smem:$0x0];
	_ =	sdelay $0x2  }
0xb9: {  	s31 =	sshll.u32 s1, $0xD;
	s1 =	sshrl.u32 s1, $0x2  }
0xba: {  	s3 =	sand.u32 $0x4000, s31;
	s1 =	sadd.s32 s1, s30  }
0xbb: {  	s0 =	sor.u32 s3, s0;
	s1 =	sshll.u32 s1, $0x11  }
0xbc: {  	s0 =	sor.u32 s1, s0  }
0xbd: {  	s0 =	sadd.s32 $0x8F2B, s0  }
0xbe: {  	[sflag:s0] =	ssyncadd.remote.s32 $0x1  }
0xbf: {  	_ =	sfence.sel $0xFFFF  }
0xc0: {  	[dreg:$0x0] =	wrdreg $0xFFFFFFFF;
	(pc) =	sbr.abs _section_cstart, $3  }
0xc1: {  	[dreg:$0x1] =	wrdreg $0xFFFFFFFF  }
0xc2: {  	_ =	task.clear_ibuf [dreg:s7], $0x2FFFF;
	_ =	strace $0x9FFFFFFF  }
0xc3: {  	(tm) =	ssettm $0x7FFFFFFF  }
tec
execute0_lowered:
.L_overlay_start_1:
0x0: {  	(tag) =	ssettag $0x1  }
0x1: {  	s2 =	rddreg [dreg:$0x0]  }
0x2: {  	s5 =	rddreg [dreg:$0x1]  }
0x3: {  	s3 =	rddreg [dreg:$0x2]  }
0x4: {  	s0 =	rddreg [dreg:$0x3]  }
0x5: {  	s1 =	stileid.u32;
	s6 =	srdreg.scid  }
0x6: {  	s4 =	simm.s32 $0x0;
	s16 =	simm.s32 $0x80;
	s17 =	simm.s32 $0x2800  }
0x7: {  	s18 =	simm.s32 $0x6800;
	s19 =	simm.s32 $0x1;
	s20 =	simm.s32 $0x1380  }
0x8: {  	s21 =	simm.s32 $0x2700;
	s22 =	simm.s32 $0x2780;
	s7 =	smul.u32 $0x13C00, s1  }
0x9: {  	s6 =	sand.u32 $0x1, s6;
	[smem:$0x7FF] =	sst s4;
	s9 =	sadd.s32 $0xC600, s5  }
0xa: {  	s11 =	sadd.s32 $0x2600, s5;
	s12 =	smul.u32 $0x4F000, s1;
	s29 =	sshll.u32 s1, $0x6  }
0xb: {  	s8 =	smul.u32 $0x13C000, s6;
	_ =	strace $0x8000004A;
	s24 =	ssub.s32 $0x2, s6  }
0xc: {  	s6 =	sshll.u32 s6, $0x4;
	s10 =	sshrl.u32 s7, $0x3;
	s25 =	sshrl.u32 s24, $0x1  }
0xd: {  	s6 =	sor.u32 s1, s6;
	s26 =	sshrl.u32 s12, $0x2;
	s7 =	sadd.s32 s7, s8  }
0xe: {  	s23 =	sadd.s32 s10, s5;
	s14 =	ssub.s32 s24, s25;
	s28 =	smul.u32 $0x2800, s6  }
0xf: {  	s15 =	sadd.s32 s26, s3;
	s30 =	smul.u32 $0x500, s6;
	s6 =	sor.u32 $0x1C02, s29  }
0x10: {  	s7 =	sshrl.u32 s7, $0x3;
	s12 =	smax.u32 s14, $0x1;
	s14 =	simm.s32 $0x2  }
0x11: {  	s13 =	sadd.s32 s7, s5;
	s5 =	sadd.s32 $0x16600, s23;
	s31 =	sshrl.u32 s28, $0x3  }
0x12: {  	s7 =	sadd.s32 s9, s30;
	s8 =	sadd.s32 s11, s30;
	s10 =	sadd.s32 $0x280, s31  }
0x13: {  	s23 =	simm.s32 $0x0;
	s9 =	sadd.s32 s9, s10;
	s10 =	sadd.s32 s11, s10  }
0x14: {  	s11 =	sadd.s32 $0x3DE00, s13;
	s13 =	sshrl.u32 s15, $0x3;
	s15 =	simm.s32 $0x1400  }
.LBB2_1:
0x15: {  	[spmem:s13], [sflag:s6] =	dma.local [hbm:s5], $0x2780  }
0x16: {  	_ =	swait.ge [sflag:s14], $0x2780  }
0x17: {  	[sflag:s14] =	ssyncset.done $0x0  }
0x18: {  	[sflag:s14] =	ssyncadd.s32 $0xFFFFD880  }
0x19: {  	[bflag:$0x0] =	sbarrier.arrive $0xFFFF  }
0x1a: {  	[tilespmem:s4], [sflag:$0x2] =	stream.linear.gather [hbm4b:s7+s4], $0x1400, $0x38;
	[tilespmem:$0x1E400] =	vst v63  }
0x1b: {  	_ =	swait.ge [sflag:s14], $0x1400  }
0x1c: {  	[sflag:s14] =	ssyncset.done $0x0  }
0x1d: {  	[sflag:s14] =	ssyncadd.s32 $0xFFFFEC00  }
0x1e: {  	[tilespmem:s15], [sflag:$0x2] =	stream.linear.gather [hbm4b:s8+s4], $0x1400, $0x38;
	[tilespmem:$0x1E400] =	vst v63  }
0x1f: {  	_ =	swait.ge [sflag:s14], $0x1400  }
0x20: {  	[sflag:s14] =	ssyncset.done $0x0  }
0x21: {  	[sflag:s14] =	ssyncadd.s32 $0xFFFFEC00  }
0x22: {  	[tilespmem:s17], [sflag:$0x1] =	stream.indirect.gather [hbm4b:s2+s16], $0x80, s4, s16, $0xb8;
	[tilespmem:$0x1E400] =	vst v63  }
0x23: {  	s24 =	simm.s32 $0x80  }
0x24: {  	[tilespmem:s18], [sflag:$0x1] =	stream.indirect.gather [hbm4b:s2+s16], $0x80, s24, s16, $0xb8;
	[tilespmem:$0x1E400] =	vst v63  }
0x25: {  	_ =	swait.ge [sflag:s19], $0x4000  }
0x26: {  	[sflag:s19] =	ssyncset.done $0x0  }
0x27: {  	s29 =	simm.s32 $0x1400;
	[sflag:s19] =	ssyncadd.s32 $0xFFFFC000  }
0x28: {  	[spmem:s3] =	stream.indirect.scatter.add.f32 [tilespmem:s17], [sflag:$0x2], $0x80, s29, s16, $0xb8;
	[tilespmem:$0x1E400] =	vst v63  }
0x29: {  	_ =	swait.ge [sflag:s14], $0x4000  }
0x2a: {  	[sflag:s14] =	ssyncset.done $0x0  }
0x2b: {  	s30 =	simm.s32 $0x100;
	[sflag:s14] =	ssyncadd.s32 $0xFFFFC000  }
0x2c: {  	[tilespmem:s17], [sflag:$0x1] =	stream.indirect.gather [hbm4b:s2+s16], $0x80, s30, s16, $0xb8;
	[tilespmem:$0x1E400] =	vst v63  }
0x2d: {  	_ =	swait.ge [sflag:s19], $0x4000  }
0x2e: {  	[sflag:s19] =	ssyncset.done $0x0  }
0x2f: {  	s31 =	simm.s32 $0x1480;
	[sflag:s19] =	ssyncadd.s32 $0xFFFFC000  }
0x30: {  	[spmem:s3] =	stream.indirect.scatter.add.f32 [tilespmem:s18], [sflag:$0x2], $0x80, s31, s16, $0xb8;
	[tilespmem:$0x1E400] =	vst v63  }
0x31: {  	_ =	swait.ge [sflag:s14], $0x4000  }
0x32: {  	s25 =	simm.s32 $0x800;
	s24 =	simm.s32 $0x100;
	[sflag:s14] =	ssyncset.done $0x0  }
.LBB2_2:
0x33: {  	s26 =	sadd.s32 $0x80, s24  }
0x34: {  	[sflag:s14] =	ssyncadd.s32 $0xFFFFC000;
	s28 =	smov.u32 s25;
	s29 =	sadd.s32 $0x400, s25  }
0x35: {  	[tilespmem:s18], [sflag:$0x1] =	stream.indirect.gather [hbm4b:s2+s16], $0x80, s26, s16, $0xb8;
	[tilespmem:$0x1E400] =	vst v63  }
0x36: {  	p0 =	sne.s32 s25, $0x4800;
	_ =	swait.ge [sflag:s19], $0x4000  }
0x37: {  	[sflag:s19] =	ssyncset.done $0x0  }
0x38: {  	s25 =	sadd.s32 $0x1400, s24;
	[sflag:s19] =	ssyncadd.s32 $0xFFFFC000  }
0x39: {  	[spmem:s3] =	stream.indirect.scatter.add.f32 [tilespmem:s17], [sflag:$0x2], $0x80, s25, s16, $0xb8;
	[tilespmem:$0x1E400] =	vst v63  }
0x3a: {  	_ =	swait.ge [sflag:s14], $0x4000  }
0x3b: {  	[sflag:s14] =	ssyncset.done $0x0  }
0x3c: {  	s25 =	sadd.s32 $0x100, s24;
	[sflag:s14] =	ssyncadd.s32 $0xFFFFC000  }
0x3d: {  	[tilespmem:s17], [sflag:$0x1] =	stream.indirect.gather [hbm4b:s2+s16], $0x80, s25, s16, $0xb8;
	[tilespmem:$0x1E400] =	vst v63  }
0x3e: {  	_ =	swait.ge [sflag:s19], $0x4000  }
.Ltmp0:
0x3f: {  	[sflag:s19] =	ssyncset.done $0x0;
	(pc) =	sbr.rel @p0 .LBB2_2-.Ltmp0, $4  }
0x40: {  	s24 =	sadd.s32 $0x1480, s24;
	[sflag:s19] =	ssyncadd.s32 $0xFFFFC000  }
0x41: {  	[spmem:s3] =	stream.indirect.scatter.add.f32 [tilespmem:s18], [sflag:$0x2], $0x80, s24, s16, $0xb8;
	[tilespmem:$0x1E400] =	vst v63  }
0x42: {  	_ =	swait.ge [sflag:s14], $0x4000  }
0x43: {  	s25 =	smov.u32 s29;
	s24 =	sshra.s32 s28, $0x2;
	[sflag:s14] =	ssyncset.done $0x0  }
0x44: {  	s25 =	sadd.s32 $0x80, s24;
	[sflag:s14] =	ssyncadd.s32 $0xFFFFC000  }
0x45: {  	[tilespmem:s18], [sflag:$0x1] =	stream.indirect.gather [hbm4b:s2+s16], $0x80, s25, s16, $0xb8;
	[tilespmem:$0x1E400] =	vst v63  }
0x46: {  	_ =	swait.ge [sflag:s19], $0x4000  }
0x47: {  	[sflag:s19] =	ssyncset.done $0x0  }
0x48: {  	s30 =	sadd.s32 $0x1400, s24;
	[sflag:s19] =	ssyncadd.s32 $0xFFFFC000  }
0x49: {  	[spmem:s3] =	stream.indirect.scatter.add.f32 [tilespmem:s17], [sflag:$0x2], $0x80, s30, s16, $0xb8;
	[tilespmem:$0x1E400] =	vst v63  }
0x4a: {  	_ =	swait.ge [sflag:s14], $0x4000  }
0x4b: {  	[sflag:s14] =	ssyncset.done $0x0  }
0x4c: {  	s31 =	sadd.s32 $0x100, s24;
	[sflag:s14] =	ssyncadd.s32 $0xFFFFC000  }
0x4d: {  	[tilespmem:s17], [sflag:$0x1] =	stream.indirect.gather [hbm4b:s2+s16], $0x80, s31, s16, $0xb8;
	[tilespmem:$0x1E400] =	vst v63  }
0x4e: {  	_ =	swait.ge [sflag:s19], $0x4000  }
0x4f: {  	[sflag:s19] =	ssyncset.done $0x0  }
0x50: {  	s25 =	sadd.s32 $0x1480, s24;
	[sflag:s19] =	ssyncadd.s32 $0xFFFFC000  }
0x51: {  	[spmem:s3] =	stream.indirect.scatter.add.f32 [tilespmem:s18], [sflag:$0x2], $0x80, s25, s16, $0xb8;
	[tilespmem:$0x1E400] =	vst v63  }
0x52: {  	_ =	swait.ge [sflag:s14], $0x4000  }
0x53: {  	[sflag:s14] =	ssyncset.done $0x0  }
0x54: {  	[sflag:s14] =	ssyncadd.s32 $0xFFFFC000  }
0x55: {  	[tilespmem:s18], [sflag:$0x1] =	stream.indirect.gather [hbm4b:s2+s16], $0x80, s20, s16, $0xb8;
	[tilespmem:$0x1E400] =	vst v63  }
0x56: {  	_ =	swait.ge [sflag:s19], $0x4000  }
0x57: {  	[sflag:s19] =	ssyncset.done $0x0  }
0x58: {  	[sflag:s19] =	ssyncadd.s32 $0xFFFFC000  }
0x59: {  	[spmem:s3] =	stream.indirect.scatter.add.f32 [tilespmem:s17], [sflag:$0x2], $0x80, s21, s16, $0xb8;
	[tilespmem:$0x1E400] =	vst v63  }
0x5a: {  	_ =	swait.ge [sflag:s14], $0x4000  }
0x5b: {  	[sflag:s14] =	ssyncset.done $0x0  }
0x5c: {  	[sflag:s14] =	ssyncadd.s32 $0xFFFFC000  }
0x5d: {  	_ =	swait.ge [sflag:s19], $0x4000  }
0x5e: {  	[sflag:s19] =	ssyncset.done $0x0  }
0x5f: {  	[sflag:s19] =	ssyncadd.s32 $0xFFFFC000  }
0x60: {  	[spmem:s3] =	stream.indirect.scatter.add.f32 [tilespmem:s18], [sflag:$0x2], $0x80, s22, s16, $0xb8;
	[tilespmem:$0x1E400] =	vst v63  }
0x61: {  	_ =	swait.ge [sflag:s14], $0x4000  }
0x62: {  	[sflag:s14] =	ssyncset.done $0x0  }
0x63: {  	s26 =	simm.s32 $0x0;
	[sflag:s14] =	ssyncadd.s32 $0xFFFFC000  }
0x64: {  	[tilespmem:s26], [sflag:$0x2] =	stream.linear.gather [hbm4b:s9+s26], $0x1400, $0x38;
	[tilespmem:$0x1E400] =	vst v63  }
0x65: {  	_ =	swait.ge [sflag:s14], $0x1400  }
0x66: {  	[sflag:s14] =	ssyncset.done $0x0  }
0x67: {  	[sflag:s14] =	ssyncadd.s32 $0xFFFFEC00  }
0x68: {  	[tilespmem:s15], [sflag:$0x2] =	stream.linear.gather [hbm4b:s10+s26], $0x1400, $0x38;
	[tilespmem:$0x1E400] =	vst v63  }
0x69: {  	_ =	swait.ge [sflag:s14], $0x1400  }
0x6a: {  	[sflag:s14] =	ssyncset.done $0x0  }
0x6b: {  	[sflag:s14] =	ssyncadd.s32 $0xFFFFEC00  }
0x6c: {  	[tilespmem:s17], [sflag:$0x1] =	stream.indirect.gather [hbm4b:s2+s16], $0x80, s26, s16, $0xb8;
	[tilespmem:$0x1E400] =	vst v63  }
0x6d: {  	s28 =	simm.s32 $0x80  }
0x6e: {  	[tilespmem:s18], [sflag:$0x1] =	stream.indirect.gather [hbm4b:s2+s16], $0x80, s28, s16, $0xb8;
	[tilespmem:$0x1E400] =	vst v63  }
0x6f: {  	_ =	swait.ge [sflag:s19], $0x4000  }
0x70: {  	[sflag:s19] =	ssyncset.done $0x0  }
0x71: {  	s29 =	simm.s32 $0x1400;
	[sflag:s19] =	ssyncadd.s32 $0xFFFFC000  }
0x72: {  	[spmem:s3] =	stream.indirect.scatter.add.f32 [tilespmem:s17], [sflag:$0x2], $0x80, s29, s16, $0xb8;
	[tilespmem:$0x1E400] =	vst v63  }
0x73: {  	_ =	swait.ge [sflag:s14], $0x4000  }
0x74: {  	[sflag:s14] =	ssyncset.done $0x0  }
0x75: {  	s30 =	simm.s32 $0x100;
	[sflag:s14] =	ssyncadd.s32 $0xFFFFC000  }
0x76: {  	[tilespmem:s17], [sflag:$0x1] =	stream.indirect.gather [hbm4b:s2+s16], $0x80, s30, s16, $0xb8;
	[tilespmem:$0x1E400] =	vst v63  }
0x77: {  	_ =	swait.ge [sflag:s19], $0x4000  }
0x78: {  	[sflag:s19] =	ssyncset.done $0x0  }
0x79: {  	s31 =	simm.s32 $0x1480;
	[sflag:s19] =	ssyncadd.s32 $0xFFFFC000  }
0x7a: {  	[spmem:s3] =	stream.indirect.scatter.add.f32 [tilespmem:s18], [sflag:$0x2], $0x80, s31, s16, $0xb8;
	[tilespmem:$0x1E400] =	vst v63  }
0x7b: {  	_ =	swait.ge [sflag:s14], $0x4000  }
0x7c: {  	s24 =	simm.s32 $0x100;
	s25 =	simm.s32 $0x800;
	[sflag:s14] =	ssyncset.done $0x0  }
.LBB2_4:
0x7d: {  	s26 =	sadd.s32 $0x80, s24  }
0x7e: {  	[sflag:s14] =	ssyncadd.s32 $0xFFFFC000;
	s28 =	smov.u32 s25;
	s29 =	sadd.s32 $0x400, s25  }
0x7f: {  	[tilespmem:s18], [sflag:$0x1] =	stream.indirect.gather [hbm4b:s2+s16], $0x80, s26, s16, $0xb8;
	[tilespmem:$0x1E400] =	vst v63  }
0x80: {  	p0 =	sne.s32 s25, $0x4800;
	_ =	swait.ge [sflag:s19], $0x4000  }
0x81: {  	[sflag:s19] =	ssyncset.done $0x0  }
0x82: {  	s25 =	sadd.s32 $0x1400, s24;
	[sflag:s19] =	ssyncadd.s32 $0xFFFFC000  }
0x83: {  	[spmem:s3] =	stream.indirect.scatter.add.f32 [tilespmem:s17], [sflag:$0x2], $0x80, s25, s16, $0xb8;
	[tilespmem:$0x1E400] =	vst v63  }
0x84: {  	_ =	swait.ge [sflag:s14], $0x4000  }
0x85: {  	[sflag:s14] =	ssyncset.done $0x0  }
0x86: {  	s25 =	sadd.s32 $0x100, s24;
	[sflag:s14] =	ssyncadd.s32 $0xFFFFC000  }
0x87: {  	[tilespmem:s17], [sflag:$0x1] =	stream.indirect.gather [hbm4b:s2+s16], $0x80, s25, s16, $0xb8;
	[tilespmem:$0x1E400] =	vst v63  }
0x88: {  	_ =	swait.ge [sflag:s19], $0x4000  }
.Ltmp1:
0x89: {  	[sflag:s19] =	ssyncset.done $0x0;
	(pc) =	sbr.rel @p0 .LBB2_4-.Ltmp1, $4  }
0x8a: {  	s24 =	sadd.s32 $0x1480, s24;
	[sflag:s19] =	ssyncadd.s32 $0xFFFFC000  }
0x8b: {  	[spmem:s3] =	stream.indirect.scatter.add.f32 [tilespmem:s18], [sflag:$0x2], $0x80, s24, s16, $0xb8;
	[tilespmem:$0x1E400] =	vst v63  }
0x8c: {  	_ =	swait.ge [sflag:s14], $0x4000  }
0x8d: {  	s25 =	smov.u32 s29;
	s24 =	sshra.s32 s28, $0x2;
	[sflag:s14] =	ssyncset.done $0x0  }
0x8e: {  	s25 =	sadd.s32 $0x80, s24;
	[sflag:s14] =	ssyncadd.s32 $0xFFFFC000  }
0x8f: {  	[tilespmem:s18], [sflag:$0x1] =	stream.indirect.gather [hbm4b:s2+s16], $0x80, s25, s16, $0xb8;
	[tilespmem:$0x1E400] =	vst v63  }
0x90: {  	_ =	swait.ge [sflag:s19], $0x4000  }
0x91: {  	[sflag:s19] =	ssyncset.done $0x0  }
0x92: {  	s29 =	sadd.s32 $0x1400, s24;
	[sflag:s19] =	ssyncadd.s32 $0xFFFFC000  }
0x93: {  	[spmem:s3] =	stream.indirect.scatter.add.f32 [tilespmem:s17], [sflag:$0x2], $0x80, s29, s16, $0xb8;
	[tilespmem:$0x1E400] =	vst v63  }
0x94: {  	_ =	swait.ge [sflag:s14], $0x4000  }
0x95: {  	[sflag:s14] =	ssyncset.done $0x0  }
0x96: {  	s30 =	sadd.s32 $0x100, s24;
	[sflag:s14] =	ssyncadd.s32 $0xFFFFC000  }
0x97: {  	[tilespmem:s17], [sflag:$0x1] =	stream.indirect.gather [hbm4b:s2+s16], $0x80, s30, s16, $0xb8;
	[tilespmem:$0x1E400] =	vst v63  }
0x98: {  	_ =	swait.ge [sflag:s19], $0x4000  }
0x99: {  	[sflag:s19] =	ssyncset.done $0x0  }
0x9a: {  	s31 =	sadd.s32 $0x1480, s24;
	[sflag:s19] =	ssyncadd.s32 $0xFFFFC000  }
0x9b: {  	[spmem:s3] =	stream.indirect.scatter.add.f32 [tilespmem:s18], [sflag:$0x2], $0x80, s31, s16, $0xb8;
	[tilespmem:$0x1E400] =	vst v63  }
0x9c: {  	_ =	swait.ge [sflag:s14], $0x4000  }
0x9d: {  	[sflag:s14] =	ssyncset.done $0x0  }
0x9e: {  	[sflag:s14] =	ssyncadd.s32 $0xFFFFC000  }
0x9f: {  	[tilespmem:s18], [sflag:$0x1] =	stream.indirect.gather [hbm4b:s2+s16], $0x80, s20, s16, $0xb8;
	[tilespmem:$0x1E400] =	vst v63  }
0xa0: {  	_ =	swait.ge [sflag:s19], $0x4000  }
0xa1: {  	[sflag:s19] =	ssyncset.done $0x0  }
0xa2: {  	[sflag:s19] =	ssyncadd.s32 $0xFFFFC000  }
0xa3: {  	[spmem:s3] =	stream.indirect.scatter.add.f32 [tilespmem:s17], [sflag:$0x2], $0x80, s21, s16, $0xb8;
	[tilespmem:$0x1E400] =	vst v63  }
0xa4: {  	_ =	swait.ge [sflag:s14], $0x4000  }
0xa5: {  	[sflag:s14] =	ssyncset.done $0x0  }
0xa6: {  	[sflag:s14] =	ssyncadd.s32 $0xFFFFC000  }
0xa7: {  	_ =	swait.ge [sflag:s19], $0x4000  }
0xa8: {  	[sflag:s19] =	ssyncset.done $0x0  }
0xa9: {  	[sflag:s19] =	ssyncadd.s32 $0xFFFFC000  }
0xaa: {  	[spmem:s3] =	stream.indirect.scatter.add.f32 [tilespmem:s18], [sflag:$0x2], $0x80, s22, s16, $0xb8;
	[tilespmem:$0x1E400] =	vst v63  }
0xab: {  	_ =	swait.ge [sflag:s14], $0x4000  }
0xac: {  	s23 =	sadd.s32 $0x1, s23;
	[sflag:s14] =	ssyncset.done $0x0  }
0xad: {  	p0 =	sne.s32 s23, s12;
	[sflag:s14] =	ssyncadd.s32 $0xFFFFC000  }
.Ltmp2:
0xae: {  	[bflag:$0x0] =	sbarrier.arrive $0xFFFF;
	(pc) =	sbr.rel @p0 .LBB2_1-.Ltmp2, $4  }
0xaf: {  	[hbm:s11], [sflag:s6] =	dma.local [spmem:s13], $0x2780  }
0xb0: {  	_ =	swait.ge [sflag:s14], $0x2780  }
0xb1: {  	[sflag:s14] =	ssyncset.done $0x0  }
0xb2: {  	[sflag:s14] =	ssyncadd.s32 $0xFFFFD880  }
0xb3: {  	_ =	sfence.sel $0x180000  }
0xb4: {  	[bflag:$0x0] =	sbarrier.arrive $0xFFFF  }
0xb5: {  	p0 =	sne.s32 s1, $0x0;
	_ =	strace $0x9000004A  }
0xb6: {  	s0 =	sadd.s32 @!p0 $0x100000, s0;
	[bflag:$0x2] =	sbarrier.arrive $0xFFFF  }
0xb7: {  	[sflag:s0] =	ssyncadd.tile.s32 @!p0 $0x1;
	_ =	shalt  }
.Lfunc_end2:
_tile_overlayer_lowered:
.L_overlay_start_2:
0xb8: {  	(tag) =	ssettag $0x2  }
0xb9: {  	s0 =	rddreg [dreg:$0x0];
	s2 =	stileid.u32  }
0xba: {  	s1 =	rddreg [dreg:$0x1];
	p0 =	sne.s32 s2, $0x0  }
0xbb: {  	s3 =	rddreg [dreg:$0x2];
	[bflag:$0x3] =	sbarrier.arrive $0xFFFF;
	s2 =	simm.s32 @!p0 $0x1C02  }
0xbc: {  	[timem:s3], [sflag:s2] =	dma.local @!p0 [hbm:s0], s1  }
0xbd: {  	s0 =	simm.s32 @!p0 $0x2  }
0xbe: {  	_ =	swait.ge @!p0 [sflag:s0], s1  }
0xbf: {  	s1 =	ssub.s32 @!p0 $0x0, s1;
	[sflag:s0] =	ssyncset.done @!p0 $0x0  }
0xc0: {  	[sflag:s0] =	ssyncadd.s32 @!p0 s1  }
0xc1: {  	[bflag:$0x3] =	sbarrier.arrive $0xFFFF  }
0xc2: {  	_ =	shalt  }

// kernel: kernel.8.cloned.1.call-start
scs
__scs_entry_jumppad:
0x0: {  	(pc) =	sbr.rel $0x88, $3  }
0x1: {  	(tag) =	ssettag $0x0;
	lr =	simm.s32 $0x1  }
0x2: {  	[smem:$0x3F99] =	sst lr;
	_ =	strace $0xD0000000  }
0x3: {  	_ = 	snop  }
0x4: {  	_ = 	snop  }
0x5: {  	_ = 	snop  }
0x6: {  	_ = 	snop  }
0x7: {  	_ = 	snop  }
__scs_overlays_trampoline_lowered:
0x8: {  	[smem:$0x3FA8] =	sst s0  }
0x9: {  	[smem:$0x3FA9] =	sst s1  }
0xa: {  	[smem:$0x3FAA] =	sst s2  }
0xb: {  	[smem:$0x3FAB] =	sst s3  }
0xc: {  	[smem:$0x3FAC] =	sst s4  }
0xd: {  	[smem:$0x3FAD] =	sst s5  }
0xe: {  	[smem:$0x3FAE] =	sst s6  }
0xf: {  	[smem:$0x3FAF] =	sst s7  }
0x10: {  	[smem:$0x3FB0] =	sst s8  }
0x11: {  	[smem:$0x3FB1] =	sst s9;
	s0 =	simm.s32 @!p0 $0x0  }
0x12: {  	s1 =	sld [smem:$0x3F97];
	s0 =	simm.s32 @p0 $0x1  }
0x13: {  	[smem:$0x3FB2] =	sst s0;
	s0 =	simm.s32 @!p1 $0x0  }
0x14: {  	s2 =	sld [smem:$0x3F96];
	s0 =	simm.s32 @p1 $0x1  }
0x15: {  	[smem:$0x3FB3] =	sst s0;
	s0 =	simm.s32 @!p2 $0x0  }
0x16: {  	s3 =	sld [smem:$0x3FDB];
	s0 =	simm.s32 @p2 $0x1  }
0x17: {  	s4 =	simm.s32 $0x1BF5;
	[smem:$0x3FB5] =	sst s0  }
0x18: {  	s0 =	sld [smem:$0x3F98];
	_ =	swait.ge [sflag:s4], $0x0  }
0x19: {  	s7 =	sld [smem:$0x3F99]  }
0x1a: {  	s8 =	sadd.s32 $0xFFFFE003, lr  }
0x1b: {  	s9 =	sadd.s32 $0xFFFFFEF7, lr;
	s5 =	simm.s32 $0xFFFFFFFF;
	p2 =	slt.u32 s8, $0xFFFFF086  }
0x1c: {  	p1 =	slt.u32 s9, $0xF7A;
	s5 =	simm.s32 @!p2 $0x0  }
0x1d: {  	s5 =	simm.s32 @p1 $0x1;
	p0 =	seq.s32 s7, s2  }
0x1e: {  	s7 =	smul.u32 @!p0 $0xF7A, s2;
	p2 =	seq.s32 @!p0 s5, $0x0  }
0x1f: {  	s9 =	smul.u32 $0xF7A, s1;
	s8 =	simm.s32 @!p0 $0x1BF5;
	p2 =	por !p2, p0  }
0x20: {  	[sflag:s8] =	ssyncset.s32 @!p0 $0xFFFFF086;
	s6 =	sadd.s32 @!p0 s3, s7;
	s7 =	simm.s32 @!p0 $0x108  }
0x21: {  	s3 =	sadd.s32 s3, s9;
	s6 =	sadd.s32 @!p0 $0x88, s6;
	s7 =	simm.s32 @p2 $0x1082  }
0x22: {  	[simem:s7], [sflag:s8] =	dma.local @!p0 [hbm:s6], $0xF7A  }
0x23: {  	s9 =	sor.u32 $0xD0000000, s2;
	s6 =	simm.s32 $0x108;
	_ =	swait.ge @!p0 [sflag:s8], $0x0  }
0x24: {  	s3 =	sadd.s32 $0x88, s3;
	s6 =	simm.s32 @!p1 $0x1082;
	[sflag:s4] =	ssyncset.s32 $0xFFFFF086  }
0x25: {  	[simem:s6], [sflag:s4] =	dma.local [hbm:s3], $0xF7A  }
0x26: {  	[smem:$0x3F99] =	sst s1;
	(tag) =	ssettag s2;
	_ =	strace s9  }
0x27: {  	s1 =	sld [smem:$0x3FA9]  }
0x28: {  	s2 =	sld [smem:$0x3FAA]  }
0x29: {  	s4 =	sld [smem:$0x3FAC]  }
0x2a: {  	p0 =	seq.s32 s5, $0x0;
	s5 =	sld [smem:$0x3FAD]  }
0x2b: {  	s6 =	sld [smem:$0x3FAE]  }
0x2c: {  	s7 =	sld [smem:$0x3FAF]  }
0x2d: {  	s3 =	simm.s32 $0x108;
	s8 =	sld [smem:$0x3FB0]  }
0x2e: {  	s3 =	simm.s32 @!p0 $0x1082;
	s9 =	sld [smem:$0x3FB1]  }
0x2f: {  	lr =	sadd.s32 s0, s3;
	s0 =	sld [smem:$0x3FA8]  }
0x30: {  	s3 =	sld [smem:$0x3FAB]  }
0x31: {  	[smem:$0x3FB4] =	sst s10  }
0x32: {  	s10 =	sld [smem:$0x3FB2];
	_ =	sdelay $0x3  }
0x33: {  	p0 =	seq.s32 s10, $0x1;
	s10 =	sld [smem:$0x3FB4];
	_ =	sdelay $0x3  }
0x34: {  	[smem:$0x3FB4] =	sst s10  }
0x35: {  	s10 =	sld [smem:$0x3FB3];
	_ =	sdelay $0x3  }
0x36: {  	p1 =	seq.s32 s10, $0x1;
	s10 =	sld [smem:$0x3FB4];
	_ =	sdelay $0x3  }
0x37: {  	[smem:$0x3FB4] =	sst s10  }
0x38: {  	s10 =	sld [smem:$0x3FB5]  }
0x39: {  	_ = 	snop;
	(pc) =	sbr.ind lr, $3  }
0x3a: {  	_ = 	snop  }
0x3b: {  	_ = 	snop  }
0x3c: {  	p2 =	seq.s32 s10, $0x1;
	s10 =	sld [smem:$0x3FB4]  }
0x3d: {  	_ =	shalt  }
0x3e: {  	_ =	shalt  }
0x3f: {  	_ =	shalt  }
0x40: {  	_ =	shalt  }
0x41: {  	_ =	shalt  }
0x42: {  	_ =	shalt  }
0x43: {  	_ =	shalt  }
0x44: {  	_ =	shalt  }
0x45: {  	_ =	shalt  }
0x46: {  	_ =	shalt  }
0x47: {  	_ =	shalt  }
0x48: {  	_ =	shalt  }
0x49: {  	_ =	shalt  }
0x4a: {  	_ =	shalt  }
0x4b: {  	_ =	shalt  }
0x4c: {  	_ =	shalt  }
0x4d: {  	_ =	shalt  }
0x4e: {  	_ =	shalt  }
0x4f: {  	_ =	shalt  }
0x50: {  	_ =	shalt  }
0x51: {  	_ =	shalt  }
0x52: {  	_ =	shalt  }
0x53: {  	_ =	shalt  }
0x54: {  	_ =	shalt  }
0x55: {  	_ =	shalt  }
0x56: {  	_ =	shalt  }
0x57: {  	_ =	shalt  }
0x58: {  	_ =	shalt  }
0x59: {  	_ =	shalt  }
0x5a: {  	_ =	shalt  }
0x5b: {  	_ =	shalt  }
0x5c: {  	_ =	shalt  }
0x5d: {  	_ =	shalt  }
0x5e: {  	_ =	shalt  }
0x5f: {  	_ =	shalt  }
0x60: {  	_ =	shalt  }
0x61: {  	_ =	shalt  }
0x62: {  	_ =	shalt  }
0x63: {  	_ =	shalt  }
0x64: {  	_ =	shalt  }
0x65: {  	_ =	shalt  }
0x66: {  	_ =	shalt  }
0x67: {  	_ =	shalt  }
0x68: {  	_ =	shalt  }
0x69: {  	_ =	shalt  }
0x6a: {  	_ =	shalt  }
0x6b: {  	_ =	shalt  }
0x6c: {  	_ =	shalt  }
0x6d: {  	_ =	shalt  }
0x6e: {  	_ =	shalt  }
0x6f: {  	_ =	shalt  }
0x70: {  	_ =	shalt  }
0x71: {  	_ =	shalt  }
0x72: {  	_ =	shalt  }
0x73: {  	_ =	shalt  }
0x74: {  	_ =	shalt  }
0x75: {  	_ =	shalt  }
0x76: {  	_ =	shalt  }
0x77: {  	_ =	shalt  }
0x78: {  	_ =	shalt  }
0x79: {  	_ =	shalt  }
0x7a: {  	_ =	shalt  }
0x7b: {  	_ =	shalt  }
0x7c: {  	_ =	shalt  }
0x7d: {  	_ =	shalt  }
0x7e: {  	_ =	shalt  }
0x7f: {  	_ =	shalt  }
0x80: {  	_ =	shalt  }
0x81: {  	_ =	shalt  }
0x82: {  	_ =	shalt  }
0x83: {  	_ =	shalt  }
0x84: {  	_ =	shalt  }
0x85: {  	_ =	shalt  }
0x86: {  	_ =	shalt  }
0x87: {  	_ =	shalt  }
.Lfunc_end0:
.L_simem_size_0:
called_computation_lowered:
.L_overlay_start_0:
0x88: {  	s2 =	sld [smem:$0x3FD9]  }
0x89: {  	s3 =	sld [smem:$0x3FFE];
	_ =	sdelay $0x1  }
0x8a: {  	s1 =	srdreg.scid  }
0x8b: {  	s0 =	sand.u32 $0x1, s1  }
0x8c: {  	s17 =	sshll.u32 s0, $0xA;
	s2 =	sadd.s32 s3, s2  }
0x8d: {  	s2 =	sadd.s32 s2, s17  }
0x8e: {  	[smem:$0x3FC0] =	sst s2  }
0x8f: {  	_ = 	snop  }
0x90: {  	s2 =	sld [smem:$0x3FD0];
	(tm) =	ssettm $0x1  }
0x91: {  	s18 =	sld [smem:$0x3FFB];
	_ =	sdelay $0x3  }
0x92: {  	_ =	strace s18  }
0x93: {  	s3 =	sld [smem:$0x3FFC];
	_ =	sdelay $0x3  }
0x94: {  	_ =	strace s3  }
0x95: {  	s3 =	sld [smem:$0x3FFD];
	_ =	sdelay $0x3  }
0x96: {  	_ =	strace s3  }
0x97: {  	_ =	strace $0x8FFFFFFF  }
0x98: {  	s19 =	sld [smem:$0x3FDB];
	_ =	sdelay $0x1  }
0x99: {  	s4 =	simm.s32 $_scs_section_size  }
0x9a: {  	s5 =	simm.s32 $_size__tile_overlayer_lowered;
	s6 =	simm.s32 $_tile_overlayer_lowered  }
0x9b: {  	s22 =	simm.s32 $0x1BFF;
	s21 =	sshll.u32 s6, $0x1;
	s3 =	sadd.s32 s4, s19  }
0x9c: {  	s7 =	simm.s32 $0x0;
	s20 =	sshll.u32 s5, $0x1;
	s5 =	sadd.s32 s21, s3  }
0x9d: {  	[timem:s7], [sflag:s22] =	dma.local [hbm:s5], s20  }
0x9e: {  	_ =	swait.ge [sflag:s22], s20  }
0x9f: {  	s4 =	ssub.s32 $0x0, s20;
	[sflag:s22] =	ssyncset.done $0x0  }
0xa0: {  	[sflag:s22] =	ssyncadd.s32 s4;
	_ =	sdelay $0x1  }
0xa1: {  	s23 =	simm.s32 $0x1B8B  }
0xa2: {  	_ =	swait.ge [sflag:s23], $0x1  }
0xa3: {  	[sflag:s23] =	ssyncset.done $0x0  }
0xa4: {  	s25 =	simm.s32 $0x1B8E;
	s24 =	sld [smem:$0x3FFE];
	[sflag:s23] =	ssyncadd.s32 $0xFFFFFFFF  }
0xa5: {  	s26 =	simm.s32 $execute0_lowered;
	[smem:$0x3FD2] =	sst s25  }
0xa6: {  	s5 =	sshll.u32 s26, $0x1;
	_ =	strace $0x80000046;
	[dreg:$0x1] =	wrdreg $0xFFFFFFFF  }
0xa7: {  	s28 =	simm.s32 $_size_execute0_lowered;
	s3 =	sadd.s32 s3, s5;
	[dreg:$0x0] =	wrdreg $0x0  }
0xa8: {  	s5 =	sshll.u32 s28, $0x1;
	[dreg:$0x2] =	wrdreg s3  }
0xa9: {  	[dreg:$0x3] =	wrdreg s5  }
0xaa: {  	[dreg:$0x4] =	wrdreg $0xC0  }
0xab: {  	_ =	task [dreg:s7], $0x5FFFF  }
0xac: {  	[dreg:$0x1] =	wrdreg $0xFFFFFFFF  }
0xad: {  	[dreg:$0x0] =	wrdreg $0x60  }
0xae: {  	[dreg:$0x2] =	wrdreg s2  }
0xaf: {  	[dreg:$0x3] =	wrdreg s24  }
0xb0: {  	[dreg:$0x4] =	wrdreg $0xA8000  }
0xb1: {  	[dreg:$0x5] =	wrdreg $0x9  }
0xb2: {  	_ =	task.clear_ibuf [dreg:s7], $0x6FFFF;
	_ =	strace $0x90000046  }
0xb3: {  	s29 =	simm.s32 $0x9;
	_ =	strace $0x80000048  }
0xb4: {  	_ =	swait.ge [sflag:s29], $0x1  }
0xb5: {  	[sflag:s29] =	ssyncadd.s32 $0xFFFFFFFF  }
0xb6: {  	_ =	strace $0x90000048  }
0xb7: {  	_ =	sfence  }
0xb8: {  	s30 =	sld [smem:$0x0];
	_ =	sdelay $0x2  }
0xb9: {  	s31 =	sshll.u32 s1, $0xD;
	s1 =	sshrl.u32 s1, $0x2  }
0xba: {  	s3 =	sand.u32 $0x4000, s31;
	s1 =	sadd.s32 s1, s30  }
0xbb: {  	s0 =	sor.u32 s3, s0;
	s1 =	sshll.u32 s1, $0x11  }
0xbc: {  	s0 =	sor.u32 s1, s0  }
0xbd: {  	s0 =	sadd.s32 $0x8F2B, s0  }
0xbe: {  	[sflag:s0] =	ssyncadd.remote.s32 $0x1  }
0xbf: {  	_ =	sfence.sel $0xFFFF  }
0xc0: {  	[dreg:$0x0] =	wrdreg $0xFFFFFFFF;
	(pc) =	sbr.abs _section_cstart, $3  }
0xc1: {  	[dreg:$0x1] =	wrdreg $0xFFFFFFFF  }
0xc2: {  	_ =	task.clear_ibuf [dreg:s7], $0x2FFFF;
	_ =	strace $0x9FFFFFFF  }
0xc3: {  	(tm) =	ssettm $0x7FFFFFFF  }
tec
execute0_lowered:
.L_overlay_start_1:
0x0: {  	(tag) =	ssettag $0x1  }
0x1: {  	s2 =	rddreg [dreg:$0x0]  }
0x2: {  	s5 =	rddreg [dreg:$0x1]  }
0x3: {  	s3 =	rddreg [dreg:$0x2]  }
0x4: {  	s0 =	rddreg [dreg:$0x3]  }
0x5: {  	s1 =	stileid.u32;
	s6 =	srdreg.scid  }
0x6: {  	s4 =	simm.s32 $0x0;
	s16 =	simm.s32 $0x80;
	s17 =	simm.s32 $0x2800  }
0x7: {  	s18 =	simm.s32 $0x6800;
	s19 =	simm.s32 $0x1;
	s20 =	simm.s32 $0x1380  }
0x8: {  	s21 =	simm.s32 $0x2700;
	s22 =	simm.s32 $0x2780;
	s7 =	smul.u32 $0x13C00, s1  }
0x9: {  	s6 =	sand.u32 $0x1, s6;
	[smem:$0x7FF] =	sst s4;
	s9 =	sadd.s32 $0xC600, s5  }
0xa: {  	s11 =	sadd.s32 $0x2600, s5;
	s12 =	smul.u32 $0x4F000, s1;
	s29 =	sshll.u32 s1, $0x6  }
0xb: {  	s8 =	smul.u32 $0x13C000, s6;
	_ =	strace $0x80000047;
	s24 =	ssub.s32 $0x2, s6  }
0xc: {  	s6 =	sshll.u32 s6, $0x4;
	s10 =	sshrl.u32 s7, $0x3;
	s25 =	sshrl.u32 s24, $0x1  }
0xd: {  	s6 =	sor.u32 s1, s6;
	s26 =	sshrl.u32 s12, $0x2;
	s7 =	sadd.s32 s7, s8  }
0xe: {  	s23 =	sadd.s32 s10, s5;
	s14 =	ssub.s32 s24, s25;
	s28 =	smul.u32 $0x2800, s6  }
0xf: {  	s15 =	sadd.s32 s26, s3;
	s30 =	smul.u32 $0x500, s6;
	s6 =	sor.u32 $0x1C02, s29  }
0x10: {  	s7 =	sshrl.u32 s7, $0x3;
	s12 =	smax.u32 s14, $0x1;
	s14 =	simm.s32 $0x2  }
0x11: {  	s13 =	sadd.s32 s7, s5;
	s5 =	sadd.s32 $0x16600, s23;
	s31 =	sshrl.u32 s28, $0x3  }
0x12: {  	s7 =	sadd.s32 s9, s30;
	s8 =	sadd.s32 s11, s30;
	s10 =	sadd.s32 $0x280, s31  }
0x13: {  	s23 =	simm.s32 $0x0;
	s9 =	sadd.s32 s9, s10;
	s10 =	sadd.s32 s11, s10  }
0x14: {  	s11 =	sadd.s32 $0x3DE00, s13;
	s13 =	sshrl.u32 s15, $0x3;
	s15 =	simm.s32 $0x1400  }
.LBB2_1:
0x15: {  	[spmem:s13], [sflag:s6] =	dma.local [hbm:s5], $0x2780  }
0x16: {  	_ =	swait.ge [sflag:s14], $0x2780  }
0x17: {  	[sflag:s14] =	ssyncset.done $0x0  }
0x18: {  	[sflag:s14] =	ssyncadd.s32 $0xFFFFD880  }
0x19: {  	[bflag:$0x0] =	sbarrier.arrive $0xFFFF  }
0x1a: {  	[tilespmem:s4], [sflag:$0x2] =	stream.linear.gather [hbm4b:s7+s4], $0x1400, $0x38;
	[tilespmem:$0x1E400] =	vst v63  }
0x1b: {  	_ =	swait.ge [sflag:s14], $0x1400  }
0x1c: {  	[sflag:s14] =	ssyncset.done $0x0  }
0x1d: {  	[sflag:s14] =	ssyncadd.s32 $0xFFFFEC00  }
0x1e: {  	[tilespmem:s15], [sflag:$0x2] =	stream.linear.gather [hbm4b:s8+s4], $0x1400, $0x38;
	[tilespmem:$0x1E400] =	vst v63  }
0x1f: {  	_ =	swait.ge [sflag:s14], $0x1400  }
0x20: {  	[sflag:s14] =	ssyncset.done $0x0  }
0x21: {  	[sflag:s14] =	ssyncadd.s32 $0xFFFFEC00  }
0x22: {  	[tilespmem:s17], [sflag:$0x1] =	stream.indirect.gather [hbm4b:s2+s16], $0x80, s4, s16, $0xb8;
	[tilespmem:$0x1E400] =	vst v63  }
0x23: {  	s24 =	simm.s32 $0x80  }
0x24: {  	[tilespmem:s18], [sflag:$0x1] =	stream.indirect.gather [hbm4b:s2+s16], $0x80, s24, s16, $0xb8;
	[tilespmem:$0x1E400] =	vst v63  }
0x25: {  	_ =	swait.ge [sflag:s19], $0x4000  }
0x26: {  	[sflag:s19] =	ssyncset.done $0x0  }
0x27: {  	s29 =	simm.s32 $0x1400;
	[sflag:s19] =	ssyncadd.s32 $0xFFFFC000  }
0x28: {  	[spmem:s3] =	stream.indirect.scatter.add.f32 [tilespmem:s17], [sflag:$0x2], $0x80, s29, s16, $0xb8;
	[tilespmem:$0x1E400] =	vst v63  }
0x29: {  	_ =	swait.ge [sflag:s14], $0x4000  }
0x2a: {  	[sflag:s14] =	ssyncset.done $0x0  }
0x2b: {  	s30 =	simm.s32 $0x100;
	[sflag:s14] =	ssyncadd.s32 $0xFFFFC000  }
0x2c: {  	[tilespmem:s17], [sflag:$0x1] =	stream.indirect.gather [hbm4b:s2+s16], $0x80, s30, s16, $0xb8;
	[tilespmem:$0x1E400] =	vst v63  }
0x2d: {  	_ =	swait.ge [sflag:s19], $0x4000  }
0x2e: {  	[sflag:s19] =	ssyncset.done $0x0  }
0x2f: {  	s31 =	simm.s32 $0x1480;
	[sflag:s19] =	ssyncadd.s32 $0xFFFFC000  }
0x30: {  	[spmem:s3] =	stream.indirect.scatter.add.f32 [tilespmem:s18], [sflag:$0x2], $0x80, s31, s16, $0xb8;
	[tilespmem:$0x1E400] =	vst v63  }
0x31: {  	_ =	swait.ge [sflag:s14], $0x4000  }
0x32: {  	s25 =	simm.s32 $0x800;
	s24 =	simm.s32 $0x100;
	[sflag:s14] =	ssyncset.done $0x0  }
.LBB2_2:
0x33: {  	s26 =	sadd.s32 $0x80, s24  }
0x34: {  	[sflag:s14] =	ssyncadd.s32 $0xFFFFC000;
	s28 =	smov.u32 s25;
	s29 =	sadd.s32 $0x400, s25  }
0x35: {  	[tilespmem:s18], [sflag:$0x1] =	stream.indirect.gather [hbm4b:s2+s16], $0x80, s26, s16, $0xb8;
	[tilespmem:$0x1E400] =	vst v63  }
0x36: {  	p0 =	sne.s32 s25, $0x4800;
	_ =	swait.ge [sflag:s19], $0x4000  }
0x37: {  	[sflag:s19] =	ssyncset.done $0x0  }
0x38: {  	s25 =	sadd.s32 $0x1400, s24;
	[sflag:s19] =	ssyncadd.s32 $0xFFFFC000  }
0x39: {  	[spmem:s3] =	stream.indirect.scatter.add.f32 [tilespmem:s17], [sflag:$0x2], $0x80, s25, s16, $0xb8;
	[tilespmem:$0x1E400] =	vst v63  }
0x3a: {  	_ =	swait.ge [sflag:s14], $0x4000  }
0x3b: {  	[sflag:s14] =	ssyncset.done $0x0  }
0x3c: {  	s25 =	sadd.s32 $0x100, s24;
	[sflag:s14] =	ssyncadd.s32 $0xFFFFC000  }
0x3d: {  	[tilespmem:s17], [sflag:$0x1] =	stream.indirect.gather [hbm4b:s2+s16], $0x80, s25, s16, $0xb8;
	[tilespmem:$0x1E400] =	vst v63  }
0x3e: {  	_ =	swait.ge [sflag:s19], $0x4000  }
.Ltmp0:
0x3f: {  	[sflag:s19] =	ssyncset.done $0x0;
	(pc) =	sbr.rel @p0 .LBB2_2-.Ltmp0, $4  }
0x40: {  	s24 =	sadd.s32 $0x1480, s24;
	[sflag:s19] =	ssyncadd.s32 $0xFFFFC000  }
0x41: {  	[spmem:s3] =	stream.indirect.scatter.add.f32 [tilespmem:s18], [sflag:$0x2], $0x80, s24, s16, $0xb8;
	[tilespmem:$0x1E400] =	vst v63  }
0x42: {  	_ =	swait.ge [sflag:s14], $0x4000  }
0x43: {  	s25 =	smov.u32 s29;
	s24 =	sshra.s32 s28, $0x2;
	[sflag:s14] =	ssyncset.done $0x0  }
0x44: {  	s25 =	sadd.s32 $0x80, s24;
	[sflag:s14] =	ssyncadd.s32 $0xFFFFC000  }
0x45: {  	[tilespmem:s18], [sflag:$0x1] =	stream.indirect.gather [hbm4b:s2+s16], $0x80, s25, s16, $0xb8;
	[tilespmem:$0x1E400] =	vst v63  }
0x46: {  	_ =	swait.ge [sflag:s19], $0x4000  }
0x47: {  	[sflag:s19] =	ssyncset.done $0x0  }
0x48: {  	s30 =	sadd.s32 $0x1400, s24;
	[sflag:s19] =	ssyncadd.s32 $0xFFFFC000  }
0x49: {  	[spmem:s3] =	stream.indirect.scatter.add.f32 [tilespmem:s17], [sflag:$0x2], $0x80, s30, s16, $0xb8;
	[tilespmem:$0x1E400] =	vst v63  }
0x4a: {  	_ =	swait.ge [sflag:s14], $0x4000  }
0x4b: {  	[sflag:s14] =	ssyncset.done $0x0  }
0x4c: {  	s31 =	sadd.s32 $0x100, s24;
	[sflag:s14] =	ssyncadd.s32 $0xFFFFC000  }
0x4d: {  	[tilespmem:s17], [sflag:$0x1] =	stream.indirect.gather [hbm4b:s2+s16], $0x80, s31, s16, $0xb8;
	[tilespmem:$0x1E400] =	vst v63  }
0x4e: {  	_ =	swait.ge [sflag:s19], $0x4000  }
0x4f: {  	[sflag:s19] =	ssyncset.done $0x0  }
0x50: {  	s25 =	sadd.s32 $0x1480, s24;
	[sflag:s19] =	ssyncadd.s32 $0xFFFFC000  }
0x51: {  	[spmem:s3] =	stream.indirect.scatter.add.f32 [tilespmem:s18], [sflag:$0x2], $0x80, s25, s16, $0xb8;
	[tilespmem:$0x1E400] =	vst v63  }
0x52: {  	_ =	swait.ge [sflag:s14], $0x4000  }
0x53: {  	[sflag:s14] =	ssyncset.done $0x0  }
0x54: {  	[sflag:s14] =	ssyncadd.s32 $0xFFFFC000  }
0x55: {  	[tilespmem:s18], [sflag:$0x1] =	stream.indirect.gather [hbm4b:s2+s16], $0x80, s20, s16, $0xb8;
	[tilespmem:$0x1E400] =	vst v63  }
0x56: {  	_ =	swait.ge [sflag:s19], $0x4000  }
0x57: {  	[sflag:s19] =	ssyncset.done $0x0  }
0x58: {  	[sflag:s19] =	ssyncadd.s32 $0xFFFFC000  }
0x59: {  	[spmem:s3] =	stream.indirect.scatter.add.f32 [tilespmem:s17], [sflag:$0x2], $0x80, s21, s16, $0xb8;
	[tilespmem:$0x1E400] =	vst v63  }
0x5a: {  	_ =	swait.ge [sflag:s14], $0x4000  }
0x5b: {  	[sflag:s14] =	ssyncset.done $0x0  }
0x5c: {  	[sflag:s14] =	ssyncadd.s32 $0xFFFFC000  }
0x5d: {  	_ =	swait.ge [sflag:s19], $0x4000  }
0x5e: {  	[sflag:s19] =	ssyncset.done $0x0  }
0x5f: {  	[sflag:s19] =	ssyncadd.s32 $0xFFFFC000  }
0x60: {  	[spmem:s3] =	stream.indirect.scatter.add.f32 [tilespmem:s18], [sflag:$0x2], $0x80, s22, s16, $0xb8;
	[tilespmem:$0x1E400] =	vst v63  }
0x61: {  	_ =	swait.ge [sflag:s14], $0x4000  }
0x62: {  	[sflag:s14] =	ssyncset.done $0x0  }
0x63: {  	s26 =	simm.s32 $0x0;
	[sflag:s14] =	ssyncadd.s32 $0xFFFFC000  }
0x64: {  	[tilespmem:s26], [sflag:$0x2] =	stream.linear.gather [hbm4b:s9+s26], $0x1400, $0x38;
	[tilespmem:$0x1E400] =	vst v63  }
0x65: {  	_ =	swait.ge [sflag:s14], $0x1400  }
0x66: {  	[sflag:s14] =	ssyncset.done $0x0  }
0x67: {  	[sflag:s14] =	ssyncadd.s32 $0xFFFFEC00  }
0x68: {  	[tilespmem:s15], [sflag:$0x2] =	stream.linear.gather [hbm4b:s10+s26], $0x1400, $0x38;
	[tilespmem:$0x1E400] =	vst v63  }
0x69: {  	_ =	swait.ge [sflag:s14], $0x1400  }
0x6a: {  	[sflag:s14] =	ssyncset.done $0x0  }
0x6b: {  	[sflag:s14] =	ssyncadd.s32 $0xFFFFEC00  }
0x6c: {  	[tilespmem:s17], [sflag:$0x1] =	stream.indirect.gather [hbm4b:s2+s16], $0x80, s26, s16, $0xb8;
	[tilespmem:$0x1E400] =	vst v63  }
0x6d: {  	s28 =	simm.s32 $0x80  }
0x6e: {  	[tilespmem:s18], [sflag:$0x1] =	stream.indirect.gather [hbm4b:s2+s16], $0x80, s28, s16, $0xb8;
	[tilespmem:$0x1E400] =	vst v63  }
0x6f: {  	_ =	swait.ge [sflag:s19], $0x4000  }
0x70: {  	[sflag:s19] =	ssyncset.done $0x0  }
0x71: {  	s29 =	simm.s32 $0x1400;
	[sflag:s19] =	ssyncadd.s32 $0xFFFFC000  }
0x72: {  	[spmem:s3] =	stream.indirect.scatter.add.f32 [tilespmem:s17], [sflag:$0x2], $0x80, s29, s16, $0xb8;
	[tilespmem:$0x1E400] =	vst v63  }
0x73: {  	_ =	swait.ge [sflag:s14], $0x4000  }
0x74: {  	[sflag:s14] =	ssyncset.done $0x0  }
0x75: {  	s30 =	simm.s32 $0x100;
	[sflag:s14] =	ssyncadd.s32 $0xFFFFC000  }
0x76: {  	[tilespmem:s17], [sflag:$0x1] =	stream.indirect.gather [hbm4b:s2+s16], $0x80, s30, s16, $0xb8;
	[tilespmem:$0x1E400] =	vst v63  }
0x77: {  	_ =	swait.ge [sflag:s19], $0x4000  }
0x78: {  	[sflag:s19] =	ssyncset.done $0x0  }
0x79: {  	s31 =	simm.s32 $0x1480;
	[sflag:s19] =	ssyncadd.s32 $0xFFFFC000  }
0x7a: {  	[spmem:s3] =	stream.indirect.scatter.add.f32 [tilespmem:s18], [sflag:$0x2], $0x80, s31, s16, $0xb8;
	[tilespmem:$0x1E400] =	vst v63  }
0x7b: {  	_ =	swait.ge [sflag:s14], $0x4000  }
0x7c: {  	s24 =	simm.s32 $0x100;
	s25 =	simm.s32 $0x800;
	[sflag:s14] =	ssyncset.done $0x0  }
.LBB2_4:
0x7d: {  	s26 =	sadd.s32 $0x80, s24  }
0x7e: {  	[sflag:s14] =	ssyncadd.s32 $0xFFFFC000;
	s28 =	smov.u32 s25;
	s29 =	sadd.s32 $0x400, s25  }
0x7f: {  	[tilespmem:s18], [sflag:$0x1] =	stream.indirect.gather [hbm4b:s2+s16], $0x80, s26, s16, $0xb8;
	[tilespmem:$0x1E400] =	vst v63  }
0x80: {  	p0 =	sne.s32 s25, $0x4800;
	_ =	swait.ge [sflag:s19], $0x4000  }
0x81: {  	[sflag:s19] =	ssyncset.done $0x0  }
0x82: {  	s25 =	sadd.s32 $0x1400, s24;
	[sflag:s19] =	ssyncadd.s32 $0xFFFFC000  }
0x83: {  	[spmem:s3] =	stream.indirect.scatter.add.f32 [tilespmem:s17], [sflag:$0x2], $0x80, s25, s16, $0xb8;
	[tilespmem:$0x1E400] =	vst v63  }
0x84: {  	_ =	swait.ge [sflag:s14], $0x4000  }
0x85: {  	[sflag:s14] =	ssyncset.done $0x0  }
0x86: {  	s25 =	sadd.s32 $0x100, s24;
	[sflag:s14] =	ssyncadd.s32 $0xFFFFC000  }
0x87: {  	[tilespmem:s17], [sflag:$0x1] =	stream.indirect.gather [hbm4b:s2+s16], $0x80, s25, s16, $0xb8;
	[tilespmem:$0x1E400] =	vst v63  }
0x88: {  	_ =	swait.ge [sflag:s19], $0x4000  }
.Ltmp1:
0x89: {  	[sflag:s19] =	ssyncset.done $0x0;
	(pc) =	sbr.rel @p0 .LBB2_4-.Ltmp1, $4  }
0x8a: {  	s24 =	sadd.s32 $0x1480, s24;
	[sflag:s19] =	ssyncadd.s32 $0xFFFFC000  }
0x8b: {  	[spmem:s3] =	stream.indirect.scatter.add.f32 [tilespmem:s18], [sflag:$0x2], $0x80, s24, s16, $0xb8;
	[tilespmem:$0x1E400] =	vst v63  }
0x8c: {  	_ =	swait.ge [sflag:s14], $0x4000  }
0x8d: {  	s25 =	smov.u32 s29;
	s24 =	sshra.s32 s28, $0x2;
	[sflag:s14] =	ssyncset.done $0x0  }
0x8e: {  	s25 =	sadd.s32 $0x80, s24;
	[sflag:s14] =	ssyncadd.s32 $0xFFFFC000  }
0x8f: {  	[tilespmem:s18], [sflag:$0x1] =	stream.indirect.gather [hbm4b:s2+s16], $0x80, s25, s16, $0xb8;
	[tilespmem:$0x1E400] =	vst v63  }
0x90: {  	_ =	swait.ge [sflag:s19], $0x4000  }
0x91: {  	[sflag:s19] =	ssyncset.done $0x0  }
0x92: {  	s29 =	sadd.s32 $0x1400, s24;
	[sflag:s19] =	ssyncadd.s32 $0xFFFFC000  }
0x93: {  	[spmem:s3] =	stream.indirect.scatter.add.f32 [tilespmem:s17], [sflag:$0x2], $0x80, s29, s16, $0xb8;
	[tilespmem:$0x1E400] =	vst v63  }
0x94: {  	_ =	swait.ge [sflag:s14], $0x4000  }
0x95: {  	[sflag:s14] =	ssyncset.done $0x0  }
0x96: {  	s30 =	sadd.s32 $0x100, s24;
	[sflag:s14] =	ssyncadd.s32 $0xFFFFC000  }
0x97: {  	[tilespmem:s17], [sflag:$0x1] =	stream.indirect.gather [hbm4b:s2+s16], $0x80, s30, s16, $0xb8;
	[tilespmem:$0x1E400] =	vst v63  }
0x98: {  	_ =	swait.ge [sflag:s19], $0x4000  }
0x99: {  	[sflag:s19] =	ssyncset.done $0x0  }
0x9a: {  	s31 =	sadd.s32 $0x1480, s24;
	[sflag:s19] =	ssyncadd.s32 $0xFFFFC000  }
0x9b: {  	[spmem:s3] =	stream.indirect.scatter.add.f32 [tilespmem:s18], [sflag:$0x2], $0x80, s31, s16, $0xb8;
	[tilespmem:$0x1E400] =	vst v63  }
0x9c: {  	_ =	swait.ge [sflag:s14], $0x4000  }
0x9d: {  	[sflag:s14] =	ssyncset.done $0x0  }
0x9e: {  	[sflag:s14] =	ssyncadd.s32 $0xFFFFC000  }
0x9f: {  	[tilespmem:s18], [sflag:$0x1] =	stream.indirect.gather [hbm4b:s2+s16], $0x80, s20, s16, $0xb8;
	[tilespmem:$0x1E400] =	vst v63  }
0xa0: {  	_ =	swait.ge [sflag:s19], $0x4000  }
0xa1: {  	[sflag:s19] =	ssyncset.done $0x0  }
0xa2: {  	[sflag:s19] =	ssyncadd.s32 $0xFFFFC000  }
0xa3: {  	[spmem:s3] =	stream.indirect.scatter.add.f32 [tilespmem:s17], [sflag:$0x2], $0x80, s21, s16, $0xb8;
	[tilespmem:$0x1E400] =	vst v63  }
0xa4: {  	_ =	swait.ge [sflag:s14], $0x4000  }
0xa5: {  	[sflag:s14] =	ssyncset.done $0x0  }
0xa6: {  	[sflag:s14] =	ssyncadd.s32 $0xFFFFC000  }
0xa7: {  	_ =	swait.ge [sflag:s19], $0x4000  }
0xa8: {  	[sflag:s19] =	ssyncset.done $0x0  }
0xa9: {  	[sflag:s19] =	ssyncadd.s32 $0xFFFFC000  }
0xaa: {  	[spmem:s3] =	stream.indirect.scatter.add.f32 [tilespmem:s18], [sflag:$0x2], $0x80, s22, s16, $0xb8;
	[tilespmem:$0x1E400] =	vst v63  }
0xab: {  	_ =	swait.ge [sflag:s14], $0x4000  }
0xac: {  	s23 =	sadd.s32 $0x1, s23;
	[sflag:s14] =	ssyncset.done $0x0  }
0xad: {  	p0 =	sne.s32 s23, s12;
	[sflag:s14] =	ssyncadd.s32 $0xFFFFC000  }
.Ltmp2:
0xae: {  	[bflag:$0x0] =	sbarrier.arrive $0xFFFF;
	(pc) =	sbr.rel @p0 .LBB2_1-.Ltmp2, $4  }
0xaf: {  	[hbm:s11], [sflag:s6] =	dma.local [spmem:s13], $0x2780  }
0xb0: {  	_ =	swait.ge [sflag:s14], $0x2780  }
0xb1: {  	[sflag:s14] =	ssyncset.done $0x0  }
0xb2: {  	[sflag:s14] =	ssyncadd.s32 $0xFFFFD880  }
0xb3: {  	_ =	sfence.sel $0x180000  }
0xb4: {  	[bflag:$0x0] =	sbarrier.arrive $0xFFFF  }
0xb5: {  	p0 =	sne.s32 s1, $0x0;
	_ =	strace $0x90000047  }
0xb6: {  	s0 =	sadd.s32 @!p0 $0x100000, s0;
	[bflag:$0x2] =	sbarrier.arrive $0xFFFF  }
0xb7: {  	[sflag:s0] =	ssyncadd.tile.s32 @!p0 $0x1;
	_ =	shalt  }
.Lfunc_end2:
_tile_overlayer_lowered:
.L_overlay_start_2:
0xb8: {  	(tag) =	ssettag $0x2  }
0xb9: {  	s0 =	rddreg [dreg:$0x0];
	s2 =	stileid.u32  }
0xba: {  	s1 =	rddreg [dreg:$0x1];
	p0 =	sne.s32 s2, $0x0  }
0xbb: {  	s3 =	rddreg [dreg:$0x2];
	[bflag:$0x3] =	sbarrier.arrive $0xFFFF;
	s2 =	simm.s32 @!p0 $0x1C02  }
0xbc: {  	[timem:s3], [sflag:s2] =	dma.local @!p0 [hbm:s0], s1  }
0xbd: {  	s0 =	simm.s32 @!p0 $0x2  }
0xbe: {  	_ =	swait.ge @!p0 [sflag:s0], s1  }
0xbf: {  	s1 =	ssub.s32 @!p0 $0x0, s1;
	[sflag:s0] =	ssyncset.done @!p0 $0x0  }
0xc0: {  	[sflag:s0] =	ssyncadd.s32 @!p0 s1  }
0xc1: {  	[bflag:$0x3] =	sbarrier.arrive $0xFFFF  }
0xc2: {  	_ =	shalt  }

</sc_bundles>
